<compile_context>
chip_gen: v7x
topology: tpu7x:2x2x1
jax: 0.10.2.dev20260603
libtpu: 0.0.44.dev20260713+nightly
codegen_flags: <defaults>
</compile_context>

<pallas_src>
import functools

import jax
import jax.numpy as jnp
from jax import lax
from jax.experimental import pallas as pl
from jax.experimental.pallas import tpu as pltpu
from jax.experimental.pallas import tpu_sc as plsc

N = 10000
E = 320000
D = 128
H = 32
G = 64
NC = 2
NS = 16
NW = NC * NS
EPAD = 327680
CH = 128
TCH = EPAD // CH
C0 = 80
C1 = 80
CMAX = max(C0, C1)
STCH = TCH + CMAX
NPADR = 10240
RPT = NPADR // NS

_mesh = plsc.VectorSubcoreMesh(core_axis_name="c", subcore_axis_name="s")


@functools.partial(
    pl.kernel,
    out_type=jax.ShapeDtypeStruct((NW, NPADR), jnp.float32),
    mesh=_mesh,
    scratch_types=[
        pltpu.VMEM((RPT, 16), jnp.int32),
        pltpu.VMEM((NPADR,), jnp.float32),
        pltpu.SemaphoreType.DMA,
    ],
    compiler_params=pltpu.CompilerParams(needs_layout_passes=False),
)
def _hist_kernel(dst_hbm, out_hbm, dstv, hist, sem):
    cid = lax.axis_index("c")
    sid = lax.axis_index("s")
    wid = sid * NC + cid
    c_idx = pltpu.async_copy(dst_hbm.at[wid], dstv, sem)

    zf = jnp.zeros((16,), jnp.float32)
    ones = jnp.ones((16,), jnp.float32)

    @pl.loop(0, NPADR // 16)
    def _zero(i):
        hist[pl.ds(i * 16, 16)] = zf

    c_idx.wait()

    @pl.loop(0, RPT)
    def _accum(j):
        plsc.addupdate_scatter(hist, [dstv[j]], ones)

    pltpu.sync_copy(hist, out_hbm.at[wid])


@functools.partial(
    pl.kernel,
    out_type=jax.ShapeDtypeStruct((NC, NPADR, H), jnp.float32),
    mesh=_mesh,
    scratch_types=[
        pltpu.VMEM((CMAX, CH), jnp.int32),
        pltpu.VMEM((CMAX, CH), jnp.int32),
        pltpu.VMEM((CH, H), jnp.float32),
        pltpu.VMEM((CH, H), jnp.float32),
        pltpu.VMEM((CH, H), jnp.float32),
        pltpu.VMEM((CH, H), jnp.float32),
        pltpu.VMEM((64, H), jnp.float32),
        pltpu.VMEM((RPT, H), jnp.float32),
        pltpu.VMEM_SHARED((NPADR, H), jnp.float32),
        pltpu.VMEM_SHARED((N, H), jnp.float32),
        pltpu.SemaphoreType.DMA,
        pltpu.SemaphoreType.DMA,
        pltpu.SemaphoreType.DMA,
        pltpu.SemaphoreType.DMA,
        pltpu.SemaphoreType.DMA,
        pltpu.SemaphoreType.DMA,
        pltpu.SemaphoreType.DMA,
        pltpu.SemaphoreType.DMA,
    ],
    compiler_params=pltpu.CompilerParams(
        needs_layout_passes=False, use_tc_tiling_on_sc=False),
)
def _msgpass_kernel(g_hbm, src_hbm, dst_hbm, out_hbm,
                    srcv, dstv, buf0, buf1, buf2, buf3, zblk, rb, acc, gtab,
                    gs0, gs1, gs2, gs3, ss0, ss1, ss2, ss3):
    cid = lax.axis_index("c")
    sid = lax.axis_index("s")
    cnt = jnp.where(cid == 0, C0, C1)
    cbase = jnp.where(cid == 0, sid * C0, NS * C0 + sid * C1)
    bufs = [buf0, buf1, buf2, buf3]
    gsems = [gs0, gs1, gs2, gs3]
    ssems = [ss0, ss1, ss2, ss3]

    c_src = pltpu.async_copy(src_hbm.at[pl.ds(cbase, CMAX)], srcv, gs0)
    c_dst = pltpu.async_copy(dst_hbm.at[pl.ds(cbase, CMAX)], dstv, gs1)
    gpt = N // NS
    c_g = pltpu.async_copy(g_hbm.at[pl.ds(sid * gpt, gpt)],
                           rb.at[pl.ds(0, gpt)], gs2)

    zf = jnp.zeros((16,), jnp.float32)

    @pl.loop(0, 64)
    def _zb(i):
        zblk[i, pl.ds(0, 16)] = zf
        zblk[i, pl.ds(16, 16)] = zf

    base = sid * RPT
    nzb = RPT // 64
    for t in range(nzb):
        if t >= 4:
            pltpu.make_async_copy(
                zblk, acc.at[pl.ds(base + (t - 4) * 64, 64)],
                ssems[(t - 4) % 4]).wait()
        pltpu.async_copy(zblk, acc.at[pl.ds(base + t * 64, 64)], ssems[t % 4])
    c_g.wait()
    c_g2 = pltpu.async_copy(rb.at[pl.ds(0, gpt)],
                            gtab.at[pl.ds(sid * gpt, gpt)], gs3)
    c_src.wait()
    c_dst.wait()
    for t in range(nzb - 4, nzb):
        pltpu.make_async_copy(zblk, acc.at[pl.ds(base + t * 64, 64)],
                              ssems[t % 4]).wait()
    c_g2.wait()
    plsc.subcore_barrier()
    for b in range(2):
        pltpu.async_copy(gtab.at[srcv.at[b]], bufs[b], gsems[b])

    @pl.loop(0, cnt, step=4)
    def _chunks(j0):
        for b in range(4):
            j = j0 + b
            bn = (b + 2) % 4

            @pl.when(j - 2 >= 0)
            def _wait_scatter():
                pltpu.make_async_copy(
                    bufs[bn], acc.at[dstv.at[j - 2]], ssems[bn]).wait()

            @pl.when(j + 2 < cnt)
            def _issue_gather():
                pltpu.async_copy(gtab.at[srcv.at[j + 2]], bufs[bn], gsems[bn])

            pltpu.make_async_copy(gtab.at[srcv.at[j]], bufs[b], gsems[b]).wait()
            pltpu.async_copy(bufs[b], acc.at[dstv.at[j]], ssems[b], add=True)

    for b in (2, 3):
        j = cnt - 4 + b
        pltpu.make_async_copy(bufs[b], acc.at[dstv.at[j]], ssems[b]).wait()

    plsc.subcore_barrier()
    pltpu.sync_copy(acc.at[pl.ds(base, RPT)], rb)
    pltpu.sync_copy(rb, out_hbm.at[cid, pl.ds(base, RPT)])


def _stage_deg_body(hist_ref, dinv_ref):
    deg = jnp.sum(hist_ref[...], axis=0) + 1.0
    dinv_ref[...] = lax.rsqrt(deg)


def _stage2_body(x_ref, w1_ref, dinv_ref, g_ref):
    h = jnp.dot(x_ref[...], w1_ref[...], preferred_element_type=jnp.float32)
    g_ref[...] = h * dinv_ref[...][:N]


def _stage4_body(p_ref, g_ref, dinv_ref, b1_ref, w2_ref, g2_ref):
    dinv = dinv_ref[...][:N]
    agg = p_ref[0, :N, :] + p_ref[1, :N, :] + g_ref[...]
    out1 = jnp.maximum(agg * dinv + b1_ref[...], 0.0)
    h2 = jnp.dot(out1, w2_ref[...], preferred_element_type=jnp.float32)
    g2_ref[...] = h2 * dinv


def _stage6_body(p_ref, g_ref, dinv_ref, b2_ref, batch_ref,
                 hw1_ref, hb1_ref, hw2_ref, hb2_ref, o_ref):
    dinv = dinv_ref[...][:N]
    agg = p_ref[0, :N, :] + p_ref[1, :N, :] + g_ref[...]
    h2 = jnp.maximum(agg * dinv + b2_ref[...], 0.0)
    gid = lax.broadcasted_iota(jnp.int32, (G, N), 0)
    onehot = (gid == batch_ref[...]).astype(jnp.float32)
    seg = jnp.dot(onehot, h2, preferred_element_type=jnp.float32)
    counts = jnp.sum(onehot, axis=1, keepdims=True)
    pooled = seg / jnp.maximum(counts, 1.0)
    z = jnp.maximum(
        jnp.dot(pooled, hw1_ref[...], preferred_element_type=jnp.float32)
        + hb1_ref[...], 0.0)
    o = jnp.dot(z, hw2_ref[...], preferred_element_type=jnp.float32) + hb2_ref[...]
    o_ref[...] = jax.nn.sigmoid(o)


_stage_deg = pl.pallas_call(
    _stage_deg_body,
    out_shape=jax.ShapeDtypeStruct((NPADR // 128, 128), jnp.float32),
)

_stage2 = pl.pallas_call(
    _stage2_body,
    out_shape=jax.ShapeDtypeStruct((N, H), jnp.float32),
)

_stage4 = pl.pallas_call(
    _stage4_body,
    out_shape=jax.ShapeDtypeStruct((N, H), jnp.float32),
)

_stage6 = pl.pallas_call(
    _stage6_body,
    out_shape=jax.ShapeDtypeStruct((G, 1), jnp.float32),
)


def kernel(x, edge_index, batch, W1, b1, W2, b2, Hw1, Hb1, Hw2, Hb2):
    src = edge_index[0].astype(jnp.int32)
    dst = edge_index[1].astype(jnp.int32)
    src_p = jnp.concatenate([src, jnp.zeros((STCH * CH - E,), jnp.int32)])
    dst_p = jnp.concatenate([dst, jnp.full((STCH * CH - E,), N, jnp.int32)])
    src3 = src_p.reshape(STCH, CH)
    dst3 = dst_p.reshape(STCH, CH)
    dsth = dst_p[:EPAD].reshape(NW, RPT, 16)

    hist = _hist_kernel(dsth)
    dinv = _stage_deg(hist.reshape(NW, NPADR // 128, 128))
    dinv = dinv.reshape(NPADR, 1)
    g1 = _stage2(x, W1, dinv)
    p1 = _msgpass_kernel(g1, src3, dst3)
    g2 = _stage4(p1, g1, dinv, b1.reshape(1, H), W2)
    p2 = _msgpass_kernel(g2, src3, dst3)
    out = _stage6(p2, g2, dinv, b2.reshape(1, H),
                  batch.astype(jnp.int32).reshape(1, N),
                  Hw1, Hb1.reshape(1, H), Hw2, Hb2.reshape(1, 1))
    return out.reshape(G)

# --- scband reference (transcript-rebuilt; emitter-appended) ---
"""Pipeline reference for scband-graph-conv-net-71571335021250 (READ-ONLY COPY).

The authoritative reference and input builder live on the scoring server;
editing this copy changes nothing except your own understanding.
"""

import jax, jax.numpy as jnp
import numpy as np

N_NODES = 10000
N_EDGES = 320000
D_FEAT = 128
HIDDEN = 32
N_GRAPHS = 64


def gcn_conv(x, edge_index, W, b):
    # Faithful GCNConv: add self-loops, symmetric normalization D^-1/2 (A+I) D^-1/2 X W + b
    N = x.shape[0]
    loop = jnp.arange(N, dtype=edge_index.dtype)
    src = jnp.concatenate([edge_index[0], loop])
    dst = jnp.concatenate([edge_index[1], loop])
    deg = jnp.zeros((N,), dtype=x.dtype).at[dst].add(1.0)
    deg_inv_sqrt = jnp.where(deg > 0, deg ** -0.5, 0.0)
    norm = deg_inv_sqrt[src] * deg_inv_sqrt[dst]
    h = x @ W
    msg = h[src] * norm[:, None]
    out = jnp.zeros((N, W.shape[1]), dtype=x.dtype).at[dst].add(msg)
    return out + b


def setup_inputs(seed: int = 0) -> dict:
    key = jax.random.key(seed)
    ks = jax.random.split(key, 12)
    x = jax.random.normal(ks[0], (N_NODES, D_FEAT), dtype=jnp.float32)
    edge_index = jax.random.randint(ks[1], (2, N_EDGES), 0, N_NODES, dtype=jnp.int64)
    batch = jnp.sort(jax.random.randint(ks[2], (N_NODES,), 0, N_GRAPHS, dtype=jnp.int64))
    s1 = 1.0 / np.sqrt(D_FEAT)
    s2 = 1.0 / np.sqrt(HIDDEN)
    W1 = jax.random.uniform(ks[3], (D_FEAT, HIDDEN), jnp.float32, -s1, s1)
    b1 = jnp.zeros((HIDDEN,), jnp.float32)
    W2 = jax.random.uniform(ks[4], (HIDDEN, HIDDEN), jnp.float32, -s2, s2)
    b2 = jnp.zeros((HIDDEN,), jnp.float32)
    Hw1 = jax.random.uniform(ks[5], (HIDDEN, HIDDEN), jnp.float32, -s2, s2)
    Hb1 = jax.random.uniform(ks[6], (HIDDEN,), jnp.float32, -s2, s2)
    Hw2 = jax.random.uniform(ks[7], (HIDDEN, 1), jnp.float32, -s2, s2)
    Hb2 = jax.random.uniform(ks[8], (1,), jnp.float32, -s2, s2)
    return {"x": x, "edge_index": edge_index, "batch": batch,
            "W1": W1, "b1": b1, "W2": W2, "b2": b2,
            "Hw1": Hw1, "Hb1": Hb1, "Hw2": Hw2, "Hb2": Hb2}


def reference(x, edge_index, batch, W1, b1, W2, b2, Hw1, Hb1, Hw2, Hb2):
    h = jax.nn.relu(gcn_conv(x, edge_index, W1, b1))
    h = jax.nn.relu(gcn_conv(h, edge_index, W2, b2))
    # global_mean_pool over batch assignment
    seg_sum = jax.ops.segment_sum(h, batch, num_segments=N_GRAPHS)
    counts = jax.ops.segment_sum(jnp.ones((h.shape[0],), h.dtype), batch, num_segments=N_GRAPHS)
    pooled = seg_sum / jnp.clip(counts, 1.0, None)[:, None]
    z = jax.nn.relu(pooled @ Hw1 + Hb1)
    out = jax.nn.sigmoid(z @ Hw2 + Hb2)
    return out.squeeze(-1)

if __name__ == "__main__":
    import jax
    _d = setup_inputs()
    print(jax.jit(kernel)(*tuple(_d.values())))

</pallas_src>

<mosaic_0001>
#map = affine_map<(d0, d1) -> (0, 0)>
#map1 = affine_map<(d0, d1) -> (0, 0, 0)>
module attributes {stable_mosaic.version = 14 : i64} {
  func.func @_msgpass_kernel(%arg0: i32, %arg1: i32, %arg2: memref<10000x32xf32, #tpu.memory_space<hbm>>, %arg3: memref<2640x128xi32, #tpu.memory_space<hbm>>, %arg4: memref<2640x128xi32, #tpu.memory_space<hbm>>, %arg5: memref<2x10240x32xf32, #tpu.memory_space<hbm>>, %arg6: memref<80x128xi32, #tpu.memory_space<vmem>>, %arg7: memref<80x128xi32, #tpu.memory_space<vmem>>, %arg8: memref<128x32xf32, #tpu.memory_space<vmem>>, %arg9: memref<128x32xf32, #tpu.memory_space<vmem>>, %arg10: memref<128x32xf32, #tpu.memory_space<vmem>>, %arg11: memref<128x32xf32, #tpu.memory_space<vmem>>, %arg12: memref<64x32xf32, #tpu.memory_space<vmem>>, %arg13: memref<640x32xf32, #tpu.memory_space<vmem>>, %arg14: memref<10240x32xf32, #tpu.memory_space<vmem_shared>>, %arg15: memref<10000x32xf32, #tpu.memory_space<vmem_shared>>, %arg16: memref<!tpu.dma_semaphore, #tpu.memory_space<semaphore_mem>>, %arg17: memref<!tpu.dma_semaphore, #tpu.memory_space<semaphore_mem>>, %arg18: memref<!tpu.dma_semaphore, #tpu.memory_space<semaphore_mem>>, %arg19: memref<!tpu.dma_semaphore, #tpu.memory_space<semaphore_mem>>, %arg20: memref<!tpu.dma_semaphore, #tpu.memory_space<semaphore_mem>>, %arg21: memref<!tpu.dma_semaphore, #tpu.memory_space<semaphore_mem>>, %arg22: memref<!tpu.dma_semaphore, #tpu.memory_space<semaphore_mem>>, %arg23: memref<!tpu.dma_semaphore, #tpu.memory_space<semaphore_mem>>) attributes {dimension_semantics = [#tpu.dimension_semantics<core_parallel>, #tpu.dimension_semantics<subcore_parallel>], iteration_bounds = array<i64: 2, 16>, scalar_prefetch = 0 : i64, scratch_operands = 18 : i64, tpu.core_type = #tpu.core_type<sc_vector_subcore>, window_params = [{transform_indices = #map}, {transform_indices = #map}, {transform_indices = #map}, {transform_indices = #map1}]} {
    %eq3A = arith.constant 0 : i32
    %eq3A_0 = arith.cmpi eq, %arg0, %eq3A : i32
    %jit3A = arith.constant 80 : i32
    %jit3A_1 = arith.constant 80 : i32
    %select_n3A = arith.select %eq3A_0, %jit3A, %jit3A_1 : i32
    %eq3A_2 = arith.constant 0 : i32
    %eq3A_3 = arith.cmpi eq, %arg0, %eq3A_2 : i32
    %mul3A = arith.constant 80 : i32
    %mul3A_4 = arith.muli %arg1, %mul3A : i32
    %mul3A_5 = arith.constant 80 : i32
    %mul3A_6 = arith.muli %arg1, %mul3A_5 : i32
    %add3A = arith.constant 1280 : i32
    %add3A_7 = arith.addi %add3A, %mul3A_6 : i32
    %select_n3A_8 = arith.select %eq3A_3, %mul3A_4, %add3A_7 : i32
    %dma_start3A = arith.constant 0 : i32
    %dma_start3A_9 = tpu.memref_slice %arg3[%select_n3A_8, %dma_start3A] : memref<2640x128xi32, #tpu.memory_space<hbm>> -> memref<80x128xi32, #tpu.memory_space<hbm>>
    %dma_start3A_10 = arith.constant 0 : i32
    %dma_start3A_11 = tpu.memref_slice %arg3[%select_n3A_8, %dma_start3A_10] : memref<2640x128xi32, #tpu.memory_space<hbm>> -> memref<80x128xi32, #tpu.memory_space<hbm>>
    tpu.enqueue_dma source(%dma_start3A_11 : memref<80x128xi32, #tpu.memory_space<hbm>>) target(%arg6 : memref<80x128xi32, #tpu.memory_space<vmem>>) target_semaphore(%arg16 : memref<!tpu.dma_semaphore, #tpu.memory_space<semaphore_mem>>)
    %dma_start3A_12 = arith.constant 0 : i32
    %dma_start3A_13 = tpu.memref_slice %arg4[%select_n3A_8, %dma_start3A_12] : memref<2640x128xi32, #tpu.memory_space<hbm>> -> memref<80x128xi32, #tpu.memory_space<hbm>>
    %dma_start3A_14 = arith.constant 0 : i32
    %dma_start3A_15 = tpu.memref_slice %arg4[%select_n3A_8, %dma_start3A_14] : memref<2640x128xi32, #tpu.memory_space<hbm>> -> memref<80x128xi32, #tpu.memory_space<hbm>>
    tpu.enqueue_dma source(%dma_start3A_15 : memref<80x128xi32, #tpu.memory_space<hbm>>) target(%arg7 : memref<80x128xi32, #tpu.memory_space<vmem>>) target_semaphore(%arg17 : memref<!tpu.dma_semaphore, #tpu.memory_space<semaphore_mem>>)
    %mul3A_16 = arith.constant 625 : i32
    %mul3A_17 = arith.muli %arg1, %mul3A_16 : i32
    %dma_start3A_18 = arith.constant 0 : i32
    %dma_start3A_19 = arith.constant 0 : i32
    %dma_start3A_20 = tpu.memref_slice %arg13[%dma_start3A_18, %dma_start3A_19] : memref<640x32xf32, #tpu.memory_space<vmem>> -> memref<625x32xf32, #tpu.memory_space<vmem>>
    %dma_start3A_21 = arith.constant 0 : i32
    %dma_start3A_22 = tpu.memref_slice %arg2[%mul3A_17, %dma_start3A_21] : memref<10000x32xf32, #tpu.memory_space<hbm>> -> memref<625x32xf32, #tpu.memory_space<hbm>>
    %dma_start3A_23 = arith.constant 0 : i32
    %dma_start3A_24 = arith.constant 0 : i32
    %dma_start3A_25 = tpu.memref_slice %arg13[%dma_start3A_23, %dma_start3A_24] : memref<640x32xf32, #tpu.memory_space<vmem>> -> memref<625x32xf32, #tpu.memory_space<vmem>>
    %dma_start3A_26 = arith.constant 0 : i32
    %dma_start3A_27 = tpu.memref_slice %arg2[%mul3A_17, %dma_start3A_26] : memref<10000x32xf32, #tpu.memory_space<hbm>> -> memref<625x32xf32, #tpu.memory_space<hbm>>
    tpu.enqueue_dma source(%dma_start3A_27 : memref<625x32xf32, #tpu.memory_space<hbm>>) target(%dma_start3A_25 : memref<625x32xf32, #tpu.memory_space<vmem>>) target_semaphore(%arg18 : memref<!tpu.dma_semaphore, #tpu.memory_space<semaphore_mem>>)
    %broadcast_in_dim3A = arith.constant 0.000000e+00 : f32
    %broadcast_in_dim3A_28 = vector.broadcast %broadcast_in_dim3A : f32 to vector<16xf32>
    %scan3A = arith.constant 0 : i32
    %scan3A_29 = arith.constant 64 : i32
    %scan3A_30 = arith.addi %scan3A, %scan3A_29 : i32
    %scan3A_31 = arith.constant 1 : i32
    scf.for %scan3A_245 = %scan3A to %scan3A_30 step %scan3A_31  : i32 {
      %mul3A_246 = arith.constant 1 : i32
      %mul3A_247 = arith.muli %scan3A_245, %mul3A_246 : i32
      %add3A_248 = arith.constant 0 : i32
      %add3A_249 = arith.addi %add3A_248, %mul3A_247 : i32
      %swap3A = arith.index_cast %add3A_249 : i32 to index
      %swap3A_250 = arith.constant 0 : index
      %swap3A_251 = tpu.vector_load %arg12[%swap3A, %swap3A_250] {strides = array<i32>} : memref<64x32xf32, #tpu.memory_space<vmem>>, vector<16xf32>,
      tpu.vector_store %arg12[%swap3A, %swap3A_250], %broadcast_in_dim3A_28 {strides = array<i32>} : memref<64x32xf32, #tpu.memory_space<vmem>>, vector<16xf32>,
      %swap3A_252 = arith.index_cast %add3A_249 : i32 to index
      %swap3A_253 = arith.constant 16 : index
      %swap3A_254 = tpu.vector_load %arg12[%swap3A_252, %swap3A_253] {strides = array<i32>} : memref<64x32xf32, #tpu.memory_space<vmem>>, vector<16xf32>,
      tpu.vector_store %arg12[%swap3A_252, %swap3A_253], %broadcast_in_dim3A_28 {strides = array<i32>} : memref<64x32xf32, #tpu.memory_space<vmem>>, vector<16xf32>,
    }
    %scan3A_32 = arith.constant 64 : i32
    %mul3A_33 = arith.constant 640 : i32
    %mul3A_34 = arith.muli %arg1, %mul3A_33 : i32
    %add3A_35 = arith.constant 0 : i32
    %add3A_36 = arith.addi %mul3A_34, %add3A_35 : i32
    %dma_start3A_37 = arith.constant 0 : i32
    %dma_start3A_38 = tpu.memref_slice %arg14[%add3A_36, %dma_start3A_37] : memref<10240x32xf32, #tpu.memory_space<vmem_shared>> -> memref<64x32xf32, #tpu.memory_space<vmem_shared>>
    %dma_start3A_39 = arith.constant 0 : i32
    %dma_start3A_40 = tpu.memref_slice %arg14[%add3A_36, %dma_start3A_39] : memref<10240x32xf32, #tpu.memory_space<vmem_shared>> -> memref<64x32xf32, #tpu.memory_space<vmem_shared>>
    tpu.enqueue_dma source(%arg12 : memref<64x32xf32, #tpu.memory_space<vmem>>) target(%dma_start3A_40 : memref<64x32xf32, #tpu.memory_space<vmem_shared>>) target_semaphore(%arg20 : memref<!tpu.dma_semaphore, #tpu.memory_space<semaphore_mem>>)
    %add3A_41 = arith.constant 64 : i32
    %add3A_42 = arith.addi %mul3A_34, %add3A_41 : i32
    %dma_start3A_43 = arith.constant 0 : i32
    %dma_start3A_44 = tpu.memref_slice %arg14[%add3A_42, %dma_start3A_43] : memref<10240x32xf32, #tpu.memory_space<vmem_shared>> -> memref<64x32xf32, #tpu.memory_space<vmem_shared>>
    %dma_start3A_45 = arith.constant 0 : i32
    %dma_start3A_46 = tpu.memref_slice %arg14[%add3A_42, %dma_start3A_45] : memref<10240x32xf32, #tpu.memory_space<vmem_shared>> -> memref<64x32xf32, #tpu.memory_space<vmem_shared>>
    tpu.enqueue_dma source(%arg12 : memref<64x32xf32, #tpu.memory_space<vmem>>) target(%dma_start3A_46 : memref<64x32xf32, #tpu.memory_space<vmem_shared>>) target_semaphore(%arg21 : memref<!tpu.dma_semaphore, #tpu.memory_space<semaphore_mem>>)
    %add3A_47 = arith.constant 128 : i32
    %add3A_48 = arith.addi %mul3A_34, %add3A_47 : i32
    %dma_start3A_49 = arith.constant 0 : i32
    %dma_start3A_50 = tpu.memref_slice %arg14[%add3A_48, %dma_start3A_49] : memref<10240x32xf32, #tpu.memory_space<vmem_shared>> -> memref<64x32xf32, #tpu.memory_space<vmem_shared>>
    %dma_start3A_51 = arith.constant 0 : i32
    %dma_start3A_52 = tpu.memref_slice %arg14[%add3A_48, %dma_start3A_51] : memref<10240x32xf32, #tpu.memory_space<vmem_shared>> -> memref<64x32xf32, #tpu.memory_space<vmem_shared>>
    tpu.enqueue_dma source(%arg12 : memref<64x32xf32, #tpu.memory_space<vmem>>) target(%dma_start3A_52 : memref<64x32xf32, #tpu.memory_space<vmem_shared>>) target_semaphore(%arg22 : memref<!tpu.dma_semaphore, #tpu.memory_space<semaphore_mem>>)
    %add3A_53 = arith.constant 192 : i32
    %add3A_54 = arith.addi %mul3A_34, %add3A_53 : i32
    %dma_start3A_55 = arith.constant 0 : i32
    %dma_start3A_56 = tpu.memref_slice %arg14[%add3A_54, %dma_start3A_55] : memref<10240x32xf32, #tpu.memory_space<vmem_shared>> -> memref<64x32xf32, #tpu.memory_space<vmem_shared>>
    %dma_start3A_57 = arith.constant 0 : i32
    %dma_start3A_58 = tpu.memref_slice %arg14[%add3A_54, %dma_start3A_57] : memref<10240x32xf32, #tpu.memory_space<vmem_shared>> -> memref<64x32xf32, #tpu.memory_space<vmem_shared>>
    tpu.enqueue_dma source(%arg12 : memref<64x32xf32, #tpu.memory_space<vmem>>) target(%dma_start3A_58 : memref<64x32xf32, #tpu.memory_space<vmem_shared>>) target_semaphore(%arg23 : memref<!tpu.dma_semaphore, #tpu.memory_space<semaphore_mem>>)
    %add3A_59 = arith.constant 0 : i32
    %add3A_60 = arith.addi %mul3A_34, %add3A_59 : i32
    %dma_wait3A = arith.constant 0 : i32
    %dma_wait3A_61 = tpu.memref_slice %arg14[%add3A_60, %dma_wait3A] : memref<10240x32xf32, #tpu.memory_space<vmem_shared>> -> memref<64x32xf32, #tpu.memory_space<vmem_shared>>
    %dma_wait3A_62 = arith.constant 0 : i32
    %dma_wait3A_63 = tpu.memref_slice %arg14[%add3A_60, %dma_wait3A_62] : memref<10240x32xf32, #tpu.memory_space<vmem_shared>> -> memref<64x32xf32, #tpu.memory_space<vmem_shared>>
    tpu.wait_dma2 semaphore(%arg20 : memref<!tpu.dma_semaphore, #tpu.memory_space<semaphore_mem>>) src(%arg12 : memref<64x32xf32, #tpu.memory_space<vmem>>) dst(%dma_wait3A_63 : memref<64x32xf32, #tpu.memory_space<vmem_shared>>)
    %add3A_64 = arith.constant 256 : i32
    %add3A_65 = arith.addi %mul3A_34, %add3A_64 : i32
    %dma_start3A_66 = arith.constant 0 : i32
    %dma_start3A_67 = tpu.memref_slice %arg14[%add3A_65, %dma_start3A_66] : memref<10240x32xf32, #tpu.memory_space<vmem_shared>> -> memref<64x32xf32, #tpu.memory_space<vmem_shared>>
    %dma_start3A_68 = arith.constant 0 : i32
    %dma_start3A_69 = tpu.memref_slice %arg14[%add3A_65, %dma_start3A_68] : memref<10240x32xf32, #tpu.memory_space<vmem_shared>> -> memref<64x32xf32, #tpu.memory_space<vmem_shared>>
    tpu.enqueue_dma source(%arg12 : memref<64x32xf32, #tpu.memory_space<vmem>>) target(%dma_start3A_69 : memref<64x32xf32, #tpu.memory_space<vmem_shared>>) target_semaphore(%arg20 : memref<!tpu.dma_semaphore, #tpu.memory_space<semaphore_mem>>)
    %add3A_70 = arith.constant 64 : i32
    %add3A_71 = arith.addi %mul3A_34, %add3A_70 : i32
    %dma_wait3A_72 = arith.constant 0 : i32
    %dma_wait3A_73 = tpu.memref_slice %arg14[%add3A_71, %dma_wait3A_72] : memref<10240x32xf32, #tpu.memory_space<vmem_shared>> -> memref<64x32xf32, #tpu.memory_space<vmem_shared>>
    %dma_wait3A_74 = arith.constant 0 : i32
    %dma_wait3A_75 = tpu.memref_slice %arg14[%add3A_71, %dma_wait3A_74] : memref<10240x32xf32, #tpu.memory_space<vmem_shared>> -> memref<64x32xf32, #tpu.memory_space<vmem_shared>>
    tpu.wait_dma2 semaphore(%arg21 : memref<!tpu.dma_semaphore, #tpu.memory_space<semaphore_mem>>) src(%arg12 : memref<64x32xf32, #tpu.memory_space<vmem>>) dst(%dma_wait3A_75 : memref<64x32xf32, #tpu.memory_space<vmem_shared>>)
    %add3A_76 = arith.constant 320 : i32
    %add3A_77 = arith.addi %mul3A_34, %add3A_76 : i32
    %dma_start3A_78 = arith.constant 0 : i32
    %dma_start3A_79 = tpu.memref_slice %arg14[%add3A_77, %dma_start3A_78] : memref<10240x32xf32, #tpu.memory_space<vmem_shared>> -> memref<64x32xf32, #tpu.memory_space<vmem_shared>>
    %dma_start3A_80 = arith.constant 0 : i32
    %dma_start3A_81 = tpu.memref_slice %arg14[%add3A_77, %dma_start3A_80] : memref<10240x32xf32, #tpu.memory_space<vmem_shared>> -> memref<64x32xf32, #tpu.memory_space<vmem_shared>>
    tpu.enqueue_dma source(%arg12 : memref<64x32xf32, #tpu.memory_space<vmem>>) target(%dma_start3A_81 : memref<64x32xf32, #tpu.memory_space<vmem_shared>>) target_semaphore(%arg21 : memref<!tpu.dma_semaphore, #tpu.memory_space<semaphore_mem>>)
    %add3A_82 = arith.constant 128 : i32
    %add3A_83 = arith.addi %mul3A_34, %add3A_82 : i32
    %dma_wait3A_84 = arith.constant 0 : i32
    %dma_wait3A_85 = tpu.memref_slice %arg14[%add3A_83, %dma_wait3A_84] : memref<10240x32xf32, #tpu.memory_space<vmem_shared>> -> memref<64x32xf32, #tpu.memory_space<vmem_shared>>
    %dma_wait3A_86 = arith.constant 0 : i32
    %dma_wait3A_87 = tpu.memref_slice %arg14[%add3A_83, %dma_wait3A_86] : memref<10240x32xf32, #tpu.memory_space<vmem_shared>> -> memref<64x32xf32, #tpu.memory_space<vmem_shared>>
    tpu.wait_dma2 semaphore(%arg22 : memref<!tpu.dma_semaphore, #tpu.memory_space<semaphore_mem>>) src(%arg12 : memref<64x32xf32, #tpu.memory_space<vmem>>) dst(%dma_wait3A_87 : memref<64x32xf32, #tpu.memory_space<vmem_shared>>)
    %add3A_88 = arith.constant 384 : i32
    %add3A_89 = arith.addi %mul3A_34, %add3A_88 : i32
    %dma_start3A_90 = arith.constant 0 : i32
    %dma_start3A_91 = tpu.memref_slice %arg14[%add3A_89, %dma_start3A_90] : memref<10240x32xf32, #tpu.memory_space<vmem_shared>> -> memref<64x32xf32, #tpu.memory_space<vmem_shared>>
    %dma_start3A_92 = arith.constant 0 : i32
    %dma_start3A_93 = tpu.memref_slice %arg14[%add3A_89, %dma_start3A_92] : memref<10240x32xf32, #tpu.memory_space<vmem_shared>> -> memref<64x32xf32, #tpu.memory_space<vmem_shared>>
    tpu.enqueue_dma source(%arg12 : memref<64x32xf32, #tpu.memory_space<vmem>>) target(%dma_start3A_93 : memref<64x32xf32, #tpu.memory_space<vmem_shared>>) target_semaphore(%arg22 : memref<!tpu.dma_semaphore, #tpu.memory_space<semaphore_mem>>)
    %add3A_94 = arith.constant 192 : i32
    %add3A_95 = arith.addi %mul3A_34, %add3A_94 : i32
    %dma_wait3A_96 = arith.constant 0 : i32
    %dma_wait3A_97 = tpu.memref_slice %arg14[%add3A_95, %dma_wait3A_96] : memref<10240x32xf32, #tpu.memory_space<vmem_shared>> -> memref<64x32xf32, #tpu.memory_space<vmem_shared>>
    %dma_wait3A_98 = arith.constant 0 : i32
    %dma_wait3A_99 = tpu.memref_slice %arg14[%add3A_95, %dma_wait3A_98] : memref<10240x32xf32, #tpu.memory_space<vmem_shared>> -> memref<64x32xf32, #tpu.memory_space<vmem_shared>>
    tpu.wait_dma2 semaphore(%arg23 : memref<!tpu.dma_semaphore, #tpu.memory_space<semaphore_mem>>) src(%arg12 : memref<64x32xf32, #tpu.memory_space<vmem>>) dst(%dma_wait3A_99 : memref<64x32xf32, #tpu.memory_space<vmem_shared>>)
    %add3A_100 = arith.constant 448 : i32
    %add3A_101 = arith.addi %mul3A_34, %add3A_100 : i32
    %dma_start3A_102 = arith.constant 0 : i32
    %dma_start3A_103 = tpu.memref_slice %arg14[%add3A_101, %dma_start3A_102] : memref<10240x32xf32, #tpu.memory_space<vmem_shared>> -> memref<64x32xf32, #tpu.memory_space<vmem_shared>>
    %dma_start3A_104 = arith.constant 0 : i32
    %dma_start3A_105 = tpu.memref_slice %arg14[%add3A_101, %dma_start3A_104] : memref<10240x32xf32, #tpu.memory_space<vmem_shared>> -> memref<64x32xf32, #tpu.memory_space<vmem_shared>>
    tpu.enqueue_dma source(%arg12 : memref<64x32xf32, #tpu.memory_space<vmem>>) target(%dma_start3A_105 : memref<64x32xf32, #tpu.memory_space<vmem_shared>>) target_semaphore(%arg23 : memref<!tpu.dma_semaphore, #tpu.memory_space<semaphore_mem>>)
    %add3A_106 = arith.constant 256 : i32
    %add3A_107 = arith.addi %mul3A_34, %add3A_106 : i32
    %dma_wait3A_108 = arith.constant 0 : i32
    %dma_wait3A_109 = tpu.memref_slice %arg14[%add3A_107, %dma_wait3A_108] : memref<10240x32xf32, #tpu.memory_space<vmem_shared>> -> memref<64x32xf32, #tpu.memory_space<vmem_shared>>
    %dma_wait3A_110 = arith.constant 0 : i32
    %dma_wait3A_111 = tpu.memref_slice %arg14[%add3A_107, %dma_wait3A_110] : memref<10240x32xf32, #tpu.memory_space<vmem_shared>> -> memref<64x32xf32, #tpu.memory_space<vmem_shared>>
    tpu.wait_dma2 semaphore(%arg20 : memref<!tpu.dma_semaphore, #tpu.memory_space<semaphore_mem>>) src(%arg12 : memref<64x32xf32, #tpu.memory_space<vmem>>) dst(%dma_wait3A_111 : memref<64x32xf32, #tpu.memory_space<vmem_shared>>)
    %add3A_112 = arith.constant 512 : i32
    %add3A_113 = arith.addi %mul3A_34, %add3A_112 : i32
    %dma_start3A_114 = arith.constant 0 : i32
    %dma_start3A_115 = tpu.memref_slice %arg14[%add3A_113, %dma_start3A_114] : memref<10240x32xf32, #tpu.memory_space<vmem_shared>> -> memref<64x32xf32, #tpu.memory_space<vmem_shared>>
    %dma_start3A_116 = arith.constant 0 : i32
    %dma_start3A_117 = tpu.memref_slice %arg14[%add3A_113, %dma_start3A_116] : memref<10240x32xf32, #tpu.memory_space<vmem_shared>> -> memref<64x32xf32, #tpu.memory_space<vmem_shared>>
    tpu.enqueue_dma source(%arg12 : memref<64x32xf32, #tpu.memory_space<vmem>>) target(%dma_start3A_117 : memref<64x32xf32, #tpu.memory_space<vmem_shared>>) target_semaphore(%arg20 : memref<!tpu.dma_semaphore, #tpu.memory_space<semaphore_mem>>)
    %add3A_118 = arith.constant 320 : i32
    %add3A_119 = arith.addi %mul3A_34, %add3A_118 : i32
    %dma_wait3A_120 = arith.constant 0 : i32
    %dma_wait3A_121 = tpu.memref_slice %arg14[%add3A_119, %dma_wait3A_120] : memref<10240x32xf32, #tpu.memory_space<vmem_shared>> -> memref<64x32xf32, #tpu.memory_space<vmem_shared>>
    %dma_wait3A_122 = arith.constant 0 : i32
    %dma_wait3A_123 = tpu.memref_slice %arg14[%add3A_119, %dma_wait3A_122] : memref<10240x32xf32, #tpu.memory_space<vmem_shared>> -> memref<64x32xf32, #tpu.memory_space<vmem_shared>>
    tpu.wait_dma2 semaphore(%arg21 : memref<!tpu.dma_semaphore, #tpu.memory_space<semaphore_mem>>) src(%arg12 : memref<64x32xf32, #tpu.memory_space<vmem>>) dst(%dma_wait3A_123 : memref<64x32xf32, #tpu.memory_space<vmem_shared>>)
    %add3A_124 = arith.constant 576 : i32
    %add3A_125 = arith.addi %mul3A_34, %add3A_124 : i32
    %dma_start3A_126 = arith.constant 0 : i32
    %dma_start3A_127 = tpu.memref_slice %arg14[%add3A_125, %dma_start3A_126] : memref<10240x32xf32, #tpu.memory_space<vmem_shared>> -> memref<64x32xf32, #tpu.memory_space<vmem_shared>>
    %dma_start3A_128 = arith.constant 0 : i32
    %dma_start3A_129 = tpu.memref_slice %arg14[%add3A_125, %dma_start3A_128] : memref<10240x32xf32, #tpu.memory_space<vmem_shared>> -> memref<64x32xf32, #tpu.memory_space<vmem_shared>>
    tpu.enqueue_dma source(%arg12 : memref<64x32xf32, #tpu.memory_space<vmem>>) target(%dma_start3A_129 : memref<64x32xf32, #tpu.memory_space<vmem_shared>>) target_semaphore(%arg21 : memref<!tpu.dma_semaphore, #tpu.memory_space<semaphore_mem>>)
    %dma_wait3A_130 = arith.constant 0 : i32
    %dma_wait3A_131 = arith.constant 0 : i32
    %dma_wait3A_132 = tpu.memref_slice %arg13[%dma_wait3A_130, %dma_wait3A_131] : memref<640x32xf32, #tpu.memory_space<vmem>> -> memref<625x32xf32, #tpu.memory_space<vmem>>
    %dma_wait3A_133 = arith.constant 0 : i32
    %dma_wait3A_134 = tpu.memref_slice %arg2[%mul3A_17, %dma_wait3A_133] : memref<10000x32xf32, #tpu.memory_space<hbm>> -> memref<625x32xf32, #tpu.memory_space<hbm>>
    %dma_wait3A_135 = arith.constant 0 : i32
    %dma_wait3A_136 = arith.constant 0 : i32
    %dma_wait3A_137 = tpu.memref_slice %arg13[%dma_wait3A_135, %dma_wait3A_136] : memref<640x32xf32, #tpu.memory_space<vmem>> -> memref<625x32xf32, #tpu.memory_space<vmem>>
    %dma_wait3A_138 = arith.constant 0 : i32
    %dma_wait3A_139 = tpu.memref_slice %arg2[%mul3A_17, %dma_wait3A_138] : memref<10000x32xf32, #tpu.memory_space<hbm>> -> memref<625x32xf32, #tpu.memory_space<hbm>>
    tpu.wait_dma2 semaphore(%arg18 : memref<!tpu.dma_semaphore, #tpu.memory_space<semaphore_mem>>) src(%dma_wait3A_139 : memref<625x32xf32, #tpu.memory_space<hbm>>) dst(%dma_wait3A_137 : memref<625x32xf32, #tpu.memory_space<vmem>>)
    %mul3A_140 = arith.constant 625 : i32
    %mul3A_141 = arith.muli %arg1, %mul3A_140 : i32
    %dma_start3A_142 = arith.constant 0 : i32
    %dma_start3A_143 = arith.constant 0 : i32
    %dma_start3A_144 = tpu.memref_slice %arg13[%dma_start3A_142, %dma_start3A_143] : memref<640x32xf32, #tpu.memory_space<vmem>> -> memref<625x32xf32, #tpu.memory_space<vmem>>
    %dma_start3A_145 = arith.constant 0 : i32
    %dma_start3A_146 = tpu.memref_slice %arg15[%mul3A_141, %dma_start3A_145] : memref<10000x32xf32, #tpu.memory_space<vmem_shared>> -> memref<625x32xf32, #tpu.memory_space<vmem_shared>>
    %dma_start3A_147 = arith.constant 0 : i32
    %dma_start3A_148 = tpu.memref_slice %arg15[%mul3A_141, %dma_start3A_147] : memref<10000x32xf32, #tpu.memory_space<vmem_shared>> -> memref<625x32xf32, #tpu.memory_space<vmem_shared>>
    %dma_start3A_149 = arith.constant 0 : i32
    %dma_start3A_150 = arith.constant 0 : i32
    %dma_start3A_151 = tpu.memref_slice %arg13[%dma_start3A_149, %dma_start3A_150] : memref<640x32xf32, #tpu.memory_space<vmem>> -> memref<625x32xf32, #tpu.memory_space<vmem>>
    tpu.enqueue_dma source(%dma_start3A_151 : memref<625x32xf32, #tpu.memory_space<vmem>>) target(%dma_start3A_148 : memref<625x32xf32, #tpu.memory_space<vmem_shared>>) target_semaphore(%arg19 : memref<!tpu.dma_semaphore, #tpu.memory_space<semaphore_mem>>)
    %dma_wait3A_152 = arith.constant 0 : i32
    %dma_wait3A_153 = tpu.memref_slice %arg3[%select_n3A_8, %dma_wait3A_152] : memref<2640x128xi32, #tpu.memory_space<hbm>> -> memref<80x128xi32, #tpu.memory_space<hbm>>
    %dma_wait3A_154 = arith.constant 0 : i32
    %dma_wait3A_155 = tpu.memref_slice %arg3[%select_n3A_8, %dma_wait3A_154] : memref<2640x128xi32, #tpu.memory_space<hbm>> -> memref<80x128xi32, #tpu.memory_space<hbm>>
    tpu.wait_dma2 semaphore(%arg16 : memref<!tpu.dma_semaphore, #tpu.memory_space<semaphore_mem>>) src(%dma_wait3A_155 : memref<80x128xi32, #tpu.memory_space<hbm>>) dst(%arg6 : memref<80x128xi32, #tpu.memory_space<vmem>>)
    %dma_wait3A_156 = arith.constant 0 : i32
    %dma_wait3A_157 = tpu.memref_slice %arg4[%select_n3A_8, %dma_wait3A_156] : memref<2640x128xi32, #tpu.memory_space<hbm>> -> memref<80x128xi32, #tpu.memory_space<hbm>>
    %dma_wait3A_158 = arith.constant 0 : i32
    %dma_wait3A_159 = tpu.memref_slice %arg4[%select_n3A_8, %dma_wait3A_158] : memref<2640x128xi32, #tpu.memory_space<hbm>> -> memref<80x128xi32, #tpu.memory_space<hbm>>
    tpu.wait_dma2 semaphore(%arg17 : memref<!tpu.dma_semaphore, #tpu.memory_space<semaphore_mem>>) src(%dma_wait3A_159 : memref<80x128xi32, #tpu.memory_space<hbm>>) dst(%arg7 : memref<80x128xi32, #tpu.memory_space<vmem>>)
    %add3A_160 = arith.constant 384 : i32
    %add3A_161 = arith.addi %mul3A_34, %add3A_160 : i32
    %dma_wait3A_162 = arith.constant 0 : i32
    %dma_wait3A_163 = tpu.memref_slice %arg14[%add3A_161, %dma_wait3A_162] : memref<10240x32xf32, #tpu.memory_space<vmem_shared>> -> memref<64x32xf32, #tpu.memory_space<vmem_shared>>
    %dma_wait3A_164 = arith.constant 0 : i32
    %dma_wait3A_165 = tpu.memref_slice %arg14[%add3A_161, %dma_wait3A_164] : memref<10240x32xf32, #tpu.memory_space<vmem_shared>> -> memref<64x32xf32, #tpu.memory_space<vmem_shared>>
    tpu.wait_dma2 semaphore(%arg22 : memref<!tpu.dma_semaphore, #tpu.memory_space<semaphore_mem>>) src(%arg12 : memref<64x32xf32, #tpu.memory_space<vmem>>) dst(%dma_wait3A_165 : memref<64x32xf32, #tpu.memory_space<vmem_shared>>)
    %add3A_166 = arith.constant 448 : i32
    %add3A_167 = arith.addi %mul3A_34, %add3A_166 : i32
    %dma_wait3A_168 = arith.constant 0 : i32
    %dma_wait3A_169 = tpu.memref_slice %arg14[%add3A_167, %dma_wait3A_168] : memref<10240x32xf32, #tpu.memory_space<vmem_shared>> -> memref<64x32xf32, #tpu.memory_space<vmem_shared>>
    %dma_wait3A_170 = arith.constant 0 : i32
    %dma_wait3A_171 = tpu.memref_slice %arg14[%add3A_167, %dma_wait3A_170] : memref<10240x32xf32, #tpu.memory_space<vmem_shared>> -> memref<64x32xf32, #tpu.memory_space<vmem_shared>>
    tpu.wait_dma2 semaphore(%arg23 : memref<!tpu.dma_semaphore, #tpu.memory_space<semaphore_mem>>) src(%arg12 : memref<64x32xf32, #tpu.memory_space<vmem>>) dst(%dma_wait3A_171 : memref<64x32xf32, #tpu.memory_space<vmem_shared>>)
    %add3A_172 = arith.constant 512 : i32
    %add3A_173 = arith.addi %mul3A_34, %add3A_172 : i32
    %dma_wait3A_174 = arith.constant 0 : i32
    %dma_wait3A_175 = tpu.memref_slice %arg14[%add3A_173, %dma_wait3A_174] : memref<10240x32xf32, #tpu.memory_space<vmem_shared>> -> memref<64x32xf32, #tpu.memory_space<vmem_shared>>
    %dma_wait3A_176 = arith.constant 0 : i32
    %dma_wait3A_177 = tpu.memref_slice %arg14[%add3A_173, %dma_wait3A_176] : memref<10240x32xf32, #tpu.memory_space<vmem_shared>> -> memref<64x32xf32, #tpu.memory_space<vmem_shared>>
    tpu.wait_dma2 semaphore(%arg20 : memref<!tpu.dma_semaphore, #tpu.memory_space<semaphore_mem>>) src(%arg12 : memref<64x32xf32, #tpu.memory_space<vmem>>) dst(%dma_wait3A_177 : memref<64x32xf32, #tpu.memory_space<vmem_shared>>)
    %add3A_178 = arith.constant 576 : i32
    %add3A_179 = arith.addi %mul3A_34, %add3A_178 : i32
    %dma_wait3A_180 = arith.constant 0 : i32
    %dma_wait3A_181 = tpu.memref_slice %arg14[%add3A_179, %dma_wait3A_180] : memref<10240x32xf32, #tpu.memory_space<vmem_shared>> -> memref<64x32xf32, #tpu.memory_space<vmem_shared>>
    %dma_wait3A_182 = arith.constant 0 : i32
    %dma_wait3A_183 = tpu.memref_slice %arg14[%add3A_179, %dma_wait3A_182] : memref<10240x32xf32, #tpu.memory_space<vmem_shared>> -> memref<64x32xf32, #tpu.memory_space<vmem_shared>>
    tpu.wait_dma2 semaphore(%arg21 : memref<!tpu.dma_semaphore, #tpu.memory_space<semaphore_mem>>) src(%arg12 : memref<64x32xf32, #tpu.memory_space<vmem>>) dst(%dma_wait3A_183 : memref<64x32xf32, #tpu.memory_space<vmem_shared>>)
    %dma_wait3A_184 = arith.constant 0 : i32
    %dma_wait3A_185 = arith.constant 0 : i32
    %dma_wait3A_186 = tpu.memref_slice %arg13[%dma_wait3A_184, %dma_wait3A_185] : memref<640x32xf32, #tpu.memory_space<vmem>> -> memref<625x32xf32, #tpu.memory_space<vmem>>
    %dma_wait3A_187 = arith.constant 0 : i32
    %dma_wait3A_188 = tpu.memref_slice %arg15[%mul3A_141, %dma_wait3A_187] : memref<10000x32xf32, #tpu.memory_space<vmem_shared>> -> memref<625x32xf32, #tpu.memory_space<vmem_shared>>
    %dma_wait3A_189 = arith.constant 0 : i32
    %dma_wait3A_190 = tpu.memref_slice %arg15[%mul3A_141, %dma_wait3A_189] : memref<10000x32xf32, #tpu.memory_space<vmem_shared>> -> memref<625x32xf32, #tpu.memory_space<vmem_shared>>
    %dma_wait3A_191 = arith.constant 0 : i32
    %dma_wait3A_192 = arith.constant 0 : i32
    %dma_wait3A_193 = tpu.memref_slice %arg13[%dma_wait3A_191, %dma_wait3A_192] : memref<640x32xf32, #tpu.memory_space<vmem>> -> memref<625x32xf32, #tpu.memory_space<vmem>>
    tpu.wait_dma2 semaphore(%arg19 : memref<!tpu.dma_semaphore, #tpu.memory_space<semaphore_mem>>) src(%dma_wait3A_193 : memref<625x32xf32, #tpu.memory_space<vmem>>) dst(%dma_wait3A_190 : memref<625x32xf32, #tpu.memory_space<vmem_shared>>)
    %barrier3A = arith.constant 0 : index
    tpu.barrier barrier_id(%barrier3A)
    %dma_start3A_194 = arith.constant 0 : i32
    %dma_start3A_195 = arith.constant 0 : i32
    %dma_start3A_196 = tpu.memref_slice %arg6[%dma_start3A_194, %dma_start3A_195] : memref<80x128xi32, #tpu.memory_space<vmem>> -> memref<1x128xi32, #tpu.memory_space<vmem>>
    %dma_start3A_197 = tpu.memref_squeeze %dma_start3A_196 : memref<1x128xi32, #tpu.memory_space<vmem>> -> memref<128xi32, #tpu.memory_space<vmem>>
    %dma_start3A_198 = arith.constant 0 : i32
    %dma_start3A_199 = arith.constant 0 : i32
    %dma_start3A_200 = tpu.memref_slice %arg15[%dma_start3A_198, %dma_start3A_199] : memref<10000x32xf32, #tpu.memory_space<vmem_shared>> -> memref<10000x32xf32, #tpu.memory_space<vmem_shared>>
    tpu.enqueue_indirect_dma source(%dma_start3A_200 : memref<10000x32xf32, #tpu.memory_space<vmem_shared>>) target(%arg8 : memref<128x32xf32, #tpu.memory_space<vmem>>) offsets(%dma_start3A_197 : memref<128xi32, #tpu.memory_space<vmem>>) semaphore(%arg16 : memref<!tpu.dma_semaphore, #tpu.memory_space<semaphore_mem>>)
    %dma_start3A_201 = arith.constant 1 : i32
    %dma_start3A_202 = arith.constant 0 : i32
    %dma_start3A_203 = tpu.memref_slice %arg6[%dma_start3A_201, %dma_start3A_202] : memref<80x128xi32, #tpu.memory_space<vmem>> -> memref<1x128xi32, #tpu.memory_space<vmem>>
    %dma_start3A_204 = tpu.memref_squeeze %dma_start3A_203 : memref<1x128xi32, #tpu.memory_space<vmem>> -> memref<128xi32, #tpu.memory_space<vmem>>
    %dma_start3A_205 = arith.constant 0 : i32
    %dma_start3A_206 = arith.constant 0 : i32
    %dma_start3A_207 = tpu.memref_slice %arg15[%dma_start3A_205, %dma_start3A_206] : memref<10000x32xf32, #tpu.memory_space<vmem_shared>> -> memref<10000x32xf32, #tpu.memory_space<vmem_shared>>
    tpu.enqueue_indirect_dma source(%dma_start3A_207 : memref<10000x32xf32, #tpu.memory_space<vmem_shared>>) target(%arg9 : memref<128x32xf32, #tpu.memory_space<vmem>>) offsets(%dma_start3A_204 : memref<128xi32, #tpu.memory_space<vmem>>) semaphore(%arg17 : memref<!tpu.dma_semaphore, #tpu.memory_space<semaphore_mem>>)
    %sub3A = arith.constant 0 : i32
    %sub3A_208 = arith.subi %select_n3A, %sub3A : i32
    %sub3A_209 = arith.constant 4 : i32
    %sub3A_210 = arith.constant 1 : i32
    %sub3A_211 = arith.subi %sub3A_209, %sub3A_210 : i32
    %add3A_212 = arith.addi %sub3A_208, %sub3A_211 : i32
    %div3A = arith.constant 4 : i32
    %div3A_213 = arith.divsi %add3A_212, %div3A : i32
    %while3A = arith.constant 4 : i32
    %while3A_214 = arith.constant 0 : i32
    %while3A_215 = arith.constant 0 : i32
    %while3A_216 = arith.subi %div3A_213, %while3A_215 : i32
    %while3A_217 = arith.addi %while3A_215, %while3A_216 : i32
    %while3A_218 = arith.constant 1 : i32
    %while3A_219 = arith.divsi %while3A_216, %while3A_218 : i32
    %while3A_220 = arith.muli %while3A_219, %while3A_218 : i32
    %while3A_221 = arith.addi %while3A_215, %while3A_220 : i32
    %while3A_222 = arith.constant 1 : i32
    scf.for %while3A_245 = %while3A_215 to %while3A_221 step %while3A_222  : i32 {
      %mul3A_246 = arith.muli %while3A_245, %while3A : i32
      %add3A_247 = arith.addi %while3A_214, %mul3A_246 : i32
      %add3A_248 = arith.constant 0 : i32
      %add3A_249 = arith.addi %add3A_247, %add3A_248 : i32
      %sub3A_250 = arith.constant 2 : i32
      %sub3A_251 = arith.subi %add3A_249, %sub3A_250 : i32
      %ge3A = arith.constant 0 : i32
      %ge3A_252 = arith.cmpi sge, %sub3A_251, %ge3A : i32
      %convert_element_type3A = arith.extui %ge3A_252 : i1 to i32
      %cond3A = arith.constant 0 : i32
      %cond3A_253 = arith.cmpi ne, %convert_element_type3A, %cond3A : i32
      scf.if %cond3A_253 {
        %sub3A_352 = arith.constant 2 : i32
        %sub3A_353 = arith.subi %add3A_249, %sub3A_352 : i32
        %dma_wait3A_354 = arith.constant 0 : i32
        %dma_wait3A_355 = tpu.memref_slice %arg7[%sub3A_353, %dma_wait3A_354] : memref<80x128xi32, #tpu.memory_space<vmem>> -> memref<1x128xi32, #tpu.memory_space<vmem>>
        %dma_wait3A_356 = tpu.memref_squeeze %dma_wait3A_355 : memref<1x128xi32, #tpu.memory_space<vmem>> -> memref<128xi32, #tpu.memory_space<vmem>>
        %dma_wait3A_357 = arith.constant 0 : i32
        %dma_wait3A_358 = arith.constant 0 : i32
        %dma_wait3A_359 = tpu.memref_slice %arg14[%dma_wait3A_357, %dma_wait3A_358] : memref<10240x32xf32, #tpu.memory_space<vmem_shared>> -> memref<10240x32xf32, #tpu.memory_space<vmem_shared>>
        tpu.wait_indirect_dma semaphore(%arg22 : memref<!tpu.dma_semaphore, #tpu.memory_space<semaphore_mem>>) src(%arg10 : memref<128x32xf32, #tpu.memory_space<vmem>>) dst(%dma_wait3A_359 : memref<10240x32xf32, #tpu.memory_space<vmem_shared>>)
      } else {
      }
      %add3A_254 = arith.constant 2 : i32
      %add3A_255 = arith.addi %add3A_249, %add3A_254 : i32
      %lt3A = arith.cmpi slt, %add3A_255, %select_n3A : i32
      %convert_element_type3A_256 = arith.extui %lt3A : i1 to i32
      %cond3A_257 = arith.constant 0 : i32
      %cond3A_258 = arith.cmpi ne, %convert_element_type3A_256, %cond3A_257 : i32
      scf.if %cond3A_258 {
        %add3A_352 = arith.constant 2 : i32
        %add3A_353 = arith.addi %add3A_249, %add3A_352 : i32
        %dma_start3A_354 = arith.constant 0 : i32
        %dma_start3A_355 = tpu.memref_slice %arg6[%add3A_353, %dma_start3A_354] : memref<80x128xi32, #tpu.memory_space<vmem>> -> memref<1x128xi32, #tpu.memory_space<vmem>>
        %dma_start3A_356 = tpu.memref_squeeze %dma_start3A_355 : memref<1x128xi32, #tpu.memory_space<vmem>> -> memref<128xi32, #tpu.memory_space<vmem>>
        %dma_start3A_357 = arith.constant 0 : i32
        %dma_start3A_358 = arith.constant 0 : i32
        %dma_start3A_359 = tpu.memref_slice %arg15[%dma_start3A_357, %dma_start3A_358] : memref<10000x32xf32, #tpu.memory_space<vmem_shared>> -> memref<10000x32xf32, #tpu.memory_space<vmem_shared>>
        tpu.enqueue_indirect_dma source(%dma_start3A_359 : memref<10000x32xf32, #tpu.memory_space<vmem_shared>>) target(%arg10 : memref<128x32xf32, #tpu.memory_space<vmem>>) offsets(%dma_start3A_356 : memref<128xi32, #tpu.memory_space<vmem>>) semaphore(%arg18 : memref<!tpu.dma_semaphore, #tpu.memory_space<semaphore_mem>>)
      } else {
      }
      %dma_wait3A_259 = arith.constant 0 : i32
      %dma_wait3A_260 = tpu.memref_slice %arg6[%add3A_249, %dma_wait3A_259] : memref<80x128xi32, #tpu.memory_space<vmem>> -> memref<1x128xi32, #tpu.memory_space<vmem>>
      %dma_wait3A_261 = tpu.memref_squeeze %dma_wait3A_260 : memref<1x128xi32, #tpu.memory_space<vmem>> -> memref<128xi32, #tpu.memory_space<vmem>>
      %dma_wait3A_262 = arith.constant 0 : i32
      %dma_wait3A_263 = arith.constant 0 : i32
      %dma_wait3A_264 = tpu.memref_slice %arg15[%dma_wait3A_262, %dma_wait3A_263] : memref<10000x32xf32, #tpu.memory_space<vmem_shared>> -> memref<10000x32xf32, #tpu.memory_space<vmem_shared>>
      tpu.wait_indirect_dma semaphore(%arg16 : memref<!tpu.dma_semaphore, #tpu.memory_space<semaphore_mem>>) src(%dma_wait3A_264 : memref<10000x32xf32, #tpu.memory_space<vmem_shared>>) dst(%arg8 : memref<128x32xf32, #tpu.memory_space<vmem>>)
      %dma_start3A_265 = arith.constant 0 : i32
      %dma_start3A_266 = tpu.memref_slice %arg7[%add3A_249, %dma_start3A_265] : memref<80x128xi32, #tpu.memory_space<vmem>> -> memref<1x128xi32, #tpu.memory_space<vmem>>
      %dma_start3A_267 = tpu.memref_squeeze %dma_start3A_266 : memref<1x128xi32, #tpu.memory_space<vmem>> -> memref<128xi32, #tpu.memory_space<vmem>>
      %dma_start3A_268 = arith.constant 0 : i32
      %dma_start3A_269 = arith.constant 0 : i32
      %dma_start3A_270 = tpu.memref_slice %arg14[%dma_start3A_268, %dma_start3A_269] : memref<10240x32xf32, #tpu.memory_space<vmem_shared>> -> memref<10240x32xf32, #tpu.memory_space<vmem_shared>>
      tpu.enqueue_indirect_dma source(%arg8 : memref<128x32xf32, #tpu.memory_space<vmem>>) target(%dma_start3A_270 : memref<10240x32xf32, #tpu.memory_space<vmem_shared>>) offsets(%dma_start3A_267 : memref<128xi32, #tpu.memory_space<vmem>>) semaphore(%arg20 : memref<!tpu.dma_semaphore, #tpu.memory_space<semaphore_mem>>) {add = true}
      %add3A_271 = arith.constant 1 : i32
      %add3A_272 = arith.addi %add3A_247, %add3A_271 : i32
      %sub3A_273 = arith.constant 2 : i32
      %sub3A_274 = arith.subi %add3A_272, %sub3A_273 : i32
      %ge3A_275 = arith.constant 0 : i32
      %ge3A_276 = arith.cmpi sge, %sub3A_274, %ge3A_275 : i32
      %convert_element_type3A_277 = arith.extui %ge3A_276 : i1 to i32
      %cond3A_278 = arith.constant 0 : i32
      %cond3A_279 = arith.cmpi ne, %convert_element_type3A_277, %cond3A_278 : i32
      scf.if %cond3A_279 {
        %sub3A_352 = arith.constant 2 : i32
        %sub3A_353 = arith.subi %add3A_272, %sub3A_352 : i32
        %dma_wait3A_354 = arith.constant 0 : i32
        %dma_wait3A_355 = tpu.memref_slice %arg7[%sub3A_353, %dma_wait3A_354] : memref<80x128xi32, #tpu.memory_space<vmem>> -> memref<1x128xi32, #tpu.memory_space<vmem>>
        %dma_wait3A_356 = tpu.memref_squeeze %dma_wait3A_355 : memref<1x128xi32, #tpu.memory_space<vmem>> -> memref<128xi32, #tpu.memory_space<vmem>>
        %dma_wait3A_357 = arith.constant 0 : i32
        %dma_wait3A_358 = arith.constant 0 : i32
        %dma_wait3A_359 = tpu.memref_slice %arg14[%dma_wait3A_357, %dma_wait3A_358] : memref<10240x32xf32, #tpu.memory_space<vmem_shared>> -> memref<10240x32xf32, #tpu.memory_space<vmem_shared>>
        tpu.wait_indirect_dma semaphore(%arg23 : memref<!tpu.dma_semaphore, #tpu.memory_space<semaphore_mem>>) src(%arg11 : memref<128x32xf32, #tpu.memory_space<vmem>>) dst(%dma_wait3A_359 : memref<10240x32xf32, #tpu.memory_space<vmem_shared>>)
      } else {
      }
      %add3A_280 = arith.constant 2 : i32
      %add3A_281 = arith.addi %add3A_272, %add3A_280 : i32
      %lt3A_282 = arith.cmpi slt, %add3A_281, %select_n3A : i32
      %convert_element_type3A_283 = arith.extui %lt3A_282 : i1 to i32
      %cond3A_284 = arith.constant 0 : i32
      %cond3A_285 = arith.cmpi ne, %convert_element_type3A_283, %cond3A_284 : i32
      scf.if %cond3A_285 {
        %add3A_352 = arith.constant 2 : i32
        %add3A_353 = arith.addi %add3A_272, %add3A_352 : i32
        %dma_start3A_354 = arith.constant 0 : i32
        %dma_start3A_355 = tpu.memref_slice %arg6[%add3A_353, %dma_start3A_354] : memref<80x128xi32, #tpu.memory_space<vmem>> -> memref<1x128xi32, #tpu.memory_space<vmem>>
        %dma_start3A_356 = tpu.memref_squeeze %dma_start3A_355 : memref<1x128xi32, #tpu.memory_space<vmem>> -> memref<128xi32, #tpu.memory_space<vmem>>
        %dma_start3A_357 = arith.constant 0 : i32
        %dma_start3A_358 = arith.constant 0 : i32
        %dma_start3A_359 = tpu.memref_slice %arg15[%dma_start3A_357, %dma_start3A_358] : memref<10000x32xf32, #tpu.memory_space<vmem_shared>> -> memref<10000x32xf32, #tpu.memory_space<vmem_shared>>
        tpu.enqueue_indirect_dma source(%dma_start3A_359 : memref<10000x32xf32, #tpu.memory_space<vmem_shared>>) target(%arg11 : memref<128x32xf32, #tpu.memory_space<vmem>>) offsets(%dma_start3A_356 : memref<128xi32, #tpu.memory_space<vmem>>) semaphore(%arg19 : memref<!tpu.dma_semaphore, #tpu.memory_space<semaphore_mem>>)
      } else {
      }
      %dma_wait3A_286 = arith.constant 0 : i32
      %dma_wait3A_287 = tpu.memref_slice %arg6[%add3A_272, %dma_wait3A_286] : memref<80x128xi32, #tpu.memory_space<vmem>> -> memref<1x128xi32, #tpu.memory_space<vmem>>
      %dma_wait3A_288 = tpu.memref_squeeze %dma_wait3A_287 : memref<1x128xi32, #tpu.memory_space<vmem>> -> memref<128xi32, #tpu.memory_space<vmem>>
      %dma_wait3A_289 = arith.constant 0 : i32
      %dma_wait3A_290 = arith.constant 0 : i32
      %dma_wait3A_291 = tpu.memref_slice %arg15[%dma_wait3A_289, %dma_wait3A_290] : memref<10000x32xf32, #tpu.memory_space<vmem_shared>> -> memref<10000x32xf32, #tpu.memory_space<vmem_shared>>
      tpu.wait_indirect_dma semaphore(%arg17 : memref<!tpu.dma_semaphore, #tpu.memory_space<semaphore_mem>>) src(%dma_wait3A_291 : memref<10000x32xf32, #tpu.memory_space<vmem_shared>>) dst(%arg9 : memref<128x32xf32, #tpu.memory_space<vmem>>)
      %dma_start3A_292 = arith.constant 0 : i32
      %dma_start3A_293 = tpu.memref_slice %arg7[%add3A_272, %dma_start3A_292] : memref<80x128xi32, #tpu.memory_space<vmem>> -> memref<1x128xi32, #tpu.memory_space<vmem>>
      %dma_start3A_294 = tpu.memref_squeeze %dma_start3A_293 : memref<1x128xi32, #tpu.memory_space<vmem>> -> memref<128xi32, #tpu.memory_space<vmem>>
      %dma_start3A_295 = arith.constant 0 : i32
      %dma_start3A_296 = arith.constant 0 : i32
      %dma_start3A_297 = tpu.memref_slice %arg14[%dma_start3A_295, %dma_start3A_296] : memref<10240x32xf32, #tpu.memory_space<vmem_shared>> -> memref<10240x32xf32, #tpu.memory_space<vmem_shared>>
      tpu.enqueue_indirect_dma source(%arg9 : memref<128x32xf32, #tpu.memory_space<vmem>>) target(%dma_start3A_297 : memref<10240x32xf32, #tpu.memory_space<vmem_shared>>) offsets(%dma_start3A_294 : memref<128xi32, #tpu.memory_space<vmem>>) semaphore(%arg21 : memref<!tpu.dma_semaphore, #tpu.memory_space<semaphore_mem>>) {add = true}
      %add3A_298 = arith.constant 2 : i32
      %add3A_299 = arith.addi %add3A_247, %add3A_298 : i32
      %sub3A_300 = arith.constant 2 : i32
      %sub3A_301 = arith.subi %add3A_299, %sub3A_300 : i32
      %ge3A_302 = arith.constant 0 : i32
      %ge3A_303 = arith.cmpi sge, %sub3A_301, %ge3A_302 : i32
      %convert_element_type3A_304 = arith.extui %ge3A_303 : i1 to i32
      %cond3A_305 = arith.constant 0 : i32
      %cond3A_306 = arith.cmpi ne, %convert_element_type3A_304, %cond3A_305 : i32
      scf.if %cond3A_306 {
        %sub3A_352 = arith.constant 2 : i32
        %sub3A_353 = arith.subi %add3A_299, %sub3A_352 : i32
        %dma_wait3A_354 = arith.constant 0 : i32
        %dma_wait3A_355 = tpu.memref_slice %arg7[%sub3A_353, %dma_wait3A_354] : memref<80x128xi32, #tpu.memory_space<vmem>> -> memref<1x128xi32, #tpu.memory_space<vmem>>
        %dma_wait3A_356 = tpu.memref_squeeze %dma_wait3A_355 : memref<1x128xi32, #tpu.memory_space<vmem>> -> memref<128xi32, #tpu.memory_space<vmem>>
        %dma_wait3A_357 = arith.constant 0 : i32
        %dma_wait3A_358 = arith.constant 0 : i32
        %dma_wait3A_359 = tpu.memref_slice %arg14[%dma_wait3A_357, %dma_wait3A_358] : memref<10240x32xf32, #tpu.memory_space<vmem_shared>> -> memref<10240x32xf32, #tpu.memory_space<vmem_shared>>
        tpu.wait_indirect_dma semaphore(%arg20 : memref<!tpu.dma_semaphore, #tpu.memory_space<semaphore_mem>>) src(%arg8 : memref<128x32xf32, #tpu.memory_space<vmem>>) dst(%dma_wait3A_359 : memref<10240x32xf32, #tpu.memory_space<vmem_shared>>)
      } else {
      }
      %add3A_307 = arith.constant 2 : i32
      %add3A_308 = arith.addi %add3A_299, %add3A_307 : i32
      %lt3A_309 = arith.cmpi slt, %add3A_308, %select_n3A : i32
      %convert_element_type3A_310 = arith.extui %lt3A_309 : i1 to i32
      %cond3A_311 = arith.constant 0 : i32
      %cond3A_312 = arith.cmpi ne, %convert_element_type3A_310, %cond3A_311 : i32
      scf.if %cond3A_312 {
        %add3A_352 = arith.constant 2 : i32
        %add3A_353 = arith.addi %add3A_299, %add3A_352 : i32
        %dma_start3A_354 = arith.constant 0 : i32
        %dma_start3A_355 = tpu.memref_slice %arg6[%add3A_353, %dma_start3A_354] : memref<80x128xi32, #tpu.memory_space<vmem>> -> memref<1x128xi32, #tpu.memory_space<vmem>>
        %dma_start3A_356 = tpu.memref_squeeze %dma_start3A_355 : memref<1x128xi32, #tpu.memory_space<vmem>> -> memref<128xi32, #tpu.memory_space<vmem>>
        %dma_start3A_357 = arith.constant 0 : i32
        %dma_start3A_358 = arith.constant 0 : i32
        %dma_start3A_359 = tpu.memref_slice %arg15[%dma_start3A_357, %dma_start3A_358] : memref<10000x32xf32, #tpu.memory_space<vmem_shared>> -> memref<10000x32xf32, #tpu.memory_space<vmem_shared>>
        tpu.enqueue_indirect_dma source(%dma_start3A_359 : memref<10000x32xf32, #tpu.memory_space<vmem_shared>>) target(%arg8 : memref<128x32xf32, #tpu.memory_space<vmem>>) offsets(%dma_start3A_356 : memref<128xi32, #tpu.memory_space<vmem>>) semaphore(%arg16 : memref<!tpu.dma_semaphore, #tpu.memory_space<semaphore_mem>>)
      } else {
      }
      %dma_wait3A_313 = arith.constant 0 : i32
      %dma_wait3A_314 = tpu.memref_slice %arg6[%add3A_299, %dma_wait3A_313] : memref<80x128xi32, #tpu.memory_space<vmem>> -> memref<1x128xi32, #tpu.memory_space<vmem>>
      %dma_wait3A_315 = tpu.memref_squeeze %dma_wait3A_314 : memref<1x128xi32, #tpu.memory_space<vmem>> -> memref<128xi32, #tpu.memory_space<vmem>>
      %dma_wait3A_316 = arith.constant 0 : i32
      %dma_wait3A_317 = arith.constant 0 : i32
      %dma_wait3A_318 = tpu.memref_slice %arg15[%dma_wait3A_316, %dma_wait3A_317] : memref<10000x32xf32, #tpu.memory_space<vmem_shared>> -> memref<10000x32xf32, #tpu.memory_space<vmem_shared>>
      tpu.wait_indirect_dma semaphore(%arg18 : memref<!tpu.dma_semaphore, #tpu.memory_space<semaphore_mem>>) src(%dma_wait3A_318 : memref<10000x32xf32, #tpu.memory_space<vmem_shared>>) dst(%arg10 : memref<128x32xf32, #tpu.memory_space<vmem>>)
      %dma_start3A_319 = arith.constant 0 : i32
      %dma_start3A_320 = tpu.memref_slice %arg7[%add3A_299, %dma_start3A_319] : memref<80x128xi32, #tpu.memory_space<vmem>> -> memref<1x128xi32, #tpu.memory_space<vmem>>
      %dma_start3A_321 = tpu.memref_squeeze %dma_start3A_320 : memref<1x128xi32, #tpu.memory_space<vmem>> -> memref<128xi32, #tpu.memory_space<vmem>>
      %dma_start3A_322 = arith.constant 0 : i32
      %dma_start3A_323 = arith.constant 0 : i32
      %dma_start3A_324 = tpu.memref_slice %arg14[%dma_start3A_322, %dma_start3A_323] : memref<10240x32xf32, #tpu.memory_space<vmem_shared>> -> memref<10240x32xf32, #tpu.memory_space<vmem_shared>>
      tpu.enqueue_indirect_dma source(%arg10 : memref<128x32xf32, #tpu.memory_space<vmem>>) target(%dma_start3A_324 : memref<10240x32xf32, #tpu.memory_space<vmem_shared>>) offsets(%dma_start3A_321 : memref<128xi32, #tpu.memory_space<vmem>>) semaphore(%arg22 : memref<!tpu.dma_semaphore, #tpu.memory_space<semaphore_mem>>) {add = true}
      %add3A_325 = arith.constant 3 : i32
      %add3A_326 = arith.addi %add3A_247, %add3A_325 : i32
      %sub3A_327 = arith.constant 2 : i32
      %sub3A_328 = arith.subi %add3A_326, %sub3A_327 : i32
      %ge3A_329 = arith.constant 0 : i32
      %ge3A_330 = arith.cmpi sge, %sub3A_328, %ge3A_329 : i32
      %convert_element_type3A_331 = arith.extui %ge3A_330 : i1 to i32
      %cond3A_332 = arith.constant 0 : i32
      %cond3A_333 = arith.cmpi ne, %convert_element_type3A_331, %cond3A_332 : i32
      scf.if %cond3A_333 {
        %sub3A_352 = arith.constant 2 : i32
        %sub3A_353 = arith.subi %add3A_326, %sub3A_352 : i32
        %dma_wait3A_354 = arith.constant 0 : i32
        %dma_wait3A_355 = tpu.memref_slice %arg7[%sub3A_353, %dma_wait3A_354] : memref<80x128xi32, #tpu.memory_space<vmem>> -> memref<1x128xi32, #tpu.memory_space<vmem>>
        %dma_wait3A_356 = tpu.memref_squeeze %dma_wait3A_355 : memref<1x128xi32, #tpu.memory_space<vmem>> -> memref<128xi32, #tpu.memory_space<vmem>>
        %dma_wait3A_357 = arith.constant 0 : i32
        %dma_wait3A_358 = arith.constant 0 : i32
        %dma_wait3A_359 = tpu.memref_slice %arg14[%dma_wait3A_357, %dma_wait3A_358] : memref<10240x32xf32, #tpu.memory_space<vmem_shared>> -> memref<10240x32xf32, #tpu.memory_space<vmem_shared>>
        tpu.wait_indirect_dma semaphore(%arg21 : memref<!tpu.dma_semaphore, #tpu.memory_space<semaphore_mem>>) src(%arg9 : memref<128x32xf32, #tpu.memory_space<vmem>>) dst(%dma_wait3A_359 : memref<10240x32xf32, #tpu.memory_space<vmem_shared>>)
      } else {
      }
      %add3A_334 = arith.constant 2 : i32
      %add3A_335 = arith.addi %add3A_326, %add3A_334 : i32
      %lt3A_336 = arith.cmpi slt, %add3A_335, %select_n3A : i32
      %convert_element_type3A_337 = arith.extui %lt3A_336 : i1 to i32
      %cond3A_338 = arith.constant 0 : i32
      %cond3A_339 = arith.cmpi ne, %convert_element_type3A_337, %cond3A_338 : i32
      scf.if %cond3A_339 {
        %add3A_352 = arith.constant 2 : i32
        %add3A_353 = arith.addi %add3A_326, %add3A_352 : i32
        %dma_start3A_354 = arith.constant 0 : i32
        %dma_start3A_355 = tpu.memref_slice %arg6[%add3A_353, %dma_start3A_354] : memref<80x128xi32, #tpu.memory_space<vmem>> -> memref<1x128xi32, #tpu.memory_space<vmem>>
        %dma_start3A_356 = tpu.memref_squeeze %dma_start3A_355 : memref<1x128xi32, #tpu.memory_space<vmem>> -> memref<128xi32, #tpu.memory_space<vmem>>
        %dma_start3A_357 = arith.constant 0 : i32
        %dma_start3A_358 = arith.constant 0 : i32
        %dma_start3A_359 = tpu.memref_slice %arg15[%dma_start3A_357, %dma_start3A_358] : memref<10000x32xf32, #tpu.memory_space<vmem_shared>> -> memref<10000x32xf32, #tpu.memory_space<vmem_shared>>
        tpu.enqueue_indirect_dma source(%dma_start3A_359 : memref<10000x32xf32, #tpu.memory_space<vmem_shared>>) target(%arg9 : memref<128x32xf32, #tpu.memory_space<vmem>>) offsets(%dma_start3A_356 : memref<128xi32, #tpu.memory_space<vmem>>) semaphore(%arg17 : memref<!tpu.dma_semaphore, #tpu.memory_space<semaphore_mem>>)
      } else {
      }
      %dma_wait3A_340 = arith.constant 0 : i32
      %dma_wait3A_341 = tpu.memref_slice %arg6[%add3A_326, %dma_wait3A_340] : memref<80x128xi32, #tpu.memory_space<vmem>> -> memref<1x128xi32, #tpu.memory_space<vmem>>
      %dma_wait3A_342 = tpu.memref_squeeze %dma_wait3A_341 : memref<1x128xi32, #tpu.memory_space<vmem>> -> memref<128xi32, #tpu.memory_space<vmem>>
      %dma_wait3A_343 = arith.constant 0 : i32
      %dma_wait3A_344 = arith.constant 0 : i32
      %dma_wait3A_345 = tpu.memref_slice %arg15[%dma_wait3A_343, %dma_wait3A_344] : memref<10000x32xf32, #tpu.memory_space<vmem_shared>> -> memref<10000x32xf32, #tpu.memory_space<vmem_shared>>
      tpu.wait_indirect_dma semaphore(%arg19 : memref<!tpu.dma_semaphore, #tpu.memory_space<semaphore_mem>>) src(%dma_wait3A_345 : memref<10000x32xf32, #tpu.memory_space<vmem_shared>>) dst(%arg11 : memref<128x32xf32, #tpu.memory_space<vmem>>)
      %dma_start3A_346 = arith.constant 0 : i32
      %dma_start3A_347 = tpu.memref_slice %arg7[%add3A_326, %dma_start3A_346] : memref<80x128xi32, #tpu.memory_space<vmem>> -> memref<1x128xi32, #tpu.memory_space<vmem>>
      %dma_start3A_348 = tpu.memref_squeeze %dma_start3A_347 : memref<1x128xi32, #tpu.memory_space<vmem>> -> memref<128xi32, #tpu.memory_space<vmem>>
      %dma_start3A_349 = arith.constant 0 : i32
      %dma_start3A_350 = arith.constant 0 : i32
      %dma_start3A_351 = tpu.memref_slice %arg14[%dma_start3A_349, %dma_start3A_350] : memref<10240x32xf32, #tpu.memory_space<vmem_shared>> -> memref<10240x32xf32, #tpu.memory_space<vmem_shared>>
      tpu.enqueue_indirect_dma source(%arg11 : memref<128x32xf32, #tpu.memory_space<vmem>>) target(%dma_start3A_351 : memref<10240x32xf32, #tpu.memory_space<vmem_shared>>) offsets(%dma_start3A_348 : memref<128xi32, #tpu.memory_space<vmem>>) semaphore(%arg23 : memref<!tpu.dma_semaphore, #tpu.memory_space<semaphore_mem>>) {add = true}
    }
    %while3A_223 = arith.constant 1 : i32
    scf.for %while3A_245 = %while3A_221 to %while3A_217 step %while3A_223  : i32 {
      %mul3A_246 = arith.muli %while3A_245, %while3A : i32
      %add3A_247 = arith.addi %while3A_214, %mul3A_246 : i32
      %add3A_248 = arith.constant 0 : i32
      %add3A_249 = arith.addi %add3A_247, %add3A_248 : i32
      %sub3A_250 = arith.constant 2 : i32
      %sub3A_251 = arith.subi %add3A_249, %sub3A_250 : i32
      %ge3A = arith.constant 0 : i32
      %ge3A_252 = arith.cmpi sge, %sub3A_251, %ge3A : i32
      %convert_element_type3A = arith.extui %ge3A_252 : i1 to i32
      %cond3A = arith.constant 0 : i32
      %cond3A_253 = arith.cmpi ne, %convert_element_type3A, %cond3A : i32
      scf.if %cond3A_253 {
        %sub3A_352 = arith.constant 2 : i32
        %sub3A_353 = arith.subi %add3A_249, %sub3A_352 : i32
        %dma_wait3A_354 = arith.constant 0 : i32
        %dma_wait3A_355 = tpu.memref_slice %arg7[%sub3A_353, %dma_wait3A_354] : memref<80x128xi32, #tpu.memory_space<vmem>> -> memref<1x128xi32, #tpu.memory_space<vmem>>
        %dma_wait3A_356 = tpu.memref_squeeze %dma_wait3A_355 : memref<1x128xi32, #tpu.memory_space<vmem>> -> memref<128xi32, #tpu.memory_space<vmem>>
        %dma_wait3A_357 = arith.constant 0 : i32
        %dma_wait3A_358 = arith.constant 0 : i32
        %dma_wait3A_359 = tpu.memref_slice %arg14[%dma_wait3A_357, %dma_wait3A_358] : memref<10240x32xf32, #tpu.memory_space<vmem_shared>> -> memref<10240x32xf32, #tpu.memory_space<vmem_shared>>
        tpu.wait_indirect_dma semaphore(%arg22 : memref<!tpu.dma_semaphore, #tpu.memory_space<semaphore_mem>>) src(%arg10 : memref<128x32xf32, #tpu.memory_space<vmem>>) dst(%dma_wait3A_359 : memref<10240x32xf32, #tpu.memory_space<vmem_shared>>)
      } else {
      }
      %add3A_254 = arith.constant 2 : i32
      %add3A_255 = arith.addi %add3A_249, %add3A_254 : i32
      %lt3A = arith.cmpi slt, %add3A_255, %select_n3A : i32
      %convert_element_type3A_256 = arith.extui %lt3A : i1 to i32
      %cond3A_257 = arith.constant 0 : i32
      %cond3A_258 = arith.cmpi ne, %convert_element_type3A_256, %cond3A_257 : i32
      scf.if %cond3A_258 {
        %add3A_352 = arith.constant 2 : i32
        %add3A_353 = arith.addi %add3A_249, %add3A_352 : i32
        %dma_start3A_354 = arith.constant 0 : i32
        %dma_start3A_355 = tpu.memref_slice %arg6[%add3A_353, %dma_start3A_354] : memref<80x128xi32, #tpu.memory_space<vmem>> -> memref<1x128xi32, #tpu.memory_space<vmem>>
        %dma_start3A_356 = tpu.memref_squeeze %dma_start3A_355 : memref<1x128xi32, #tpu.memory_space<vmem>> -> memref<128xi32, #tpu.memory_space<vmem>>
        %dma_start3A_357 = arith.constant 0 : i32
        %dma_start3A_358 = arith.constant 0 : i32
        %dma_start3A_359 = tpu.memref_slice %arg15[%dma_start3A_357, %dma_start3A_358] : memref<10000x32xf32, #tpu.memory_space<vmem_shared>> -> memref<10000x32xf32, #tpu.memory_space<vmem_shared>>
        tpu.enqueue_indirect_dma source(%dma_start3A_359 : memref<10000x32xf32, #tpu.memory_space<vmem_shared>>) target(%arg10 : memref<128x32xf32, #tpu.memory_space<vmem>>) offsets(%dma_start3A_356 : memref<128xi32, #tpu.memory_space<vmem>>) semaphore(%arg18 : memref<!tpu.dma_semaphore, #tpu.memory_space<semaphore_mem>>)
      } else {
      }
      %dma_wait3A_259 = arith.constant 0 : i32
      %dma_wait3A_260 = tpu.memref_slice %arg6[%add3A_249, %dma_wait3A_259] : memref<80x128xi32, #tpu.memory_space<vmem>> -> memref<1x128xi32, #tpu.memory_space<vmem>>
      %dma_wait3A_261 = tpu.memref_squeeze %dma_wait3A_260 : memref<1x128xi32, #tpu.memory_space<vmem>> -> memref<128xi32, #tpu.memory_space<vmem>>
      %dma_wait3A_262 = arith.constant 0 : i32
      %dma_wait3A_263 = arith.constant 0 : i32
      %dma_wait3A_264 = tpu.memref_slice %arg15[%dma_wait3A_262, %dma_wait3A_263] : memref<10000x32xf32, #tpu.memory_space<vmem_shared>> -> memref<10000x32xf32, #tpu.memory_space<vmem_shared>>
      tpu.wait_indirect_dma semaphore(%arg16 : memref<!tpu.dma_semaphore, #tpu.memory_space<semaphore_mem>>) src(%dma_wait3A_264 : memref<10000x32xf32, #tpu.memory_space<vmem_shared>>) dst(%arg8 : memref<128x32xf32, #tpu.memory_space<vmem>>)
      %dma_start3A_265 = arith.constant 0 : i32
      %dma_start3A_266 = tpu.memref_slice %arg7[%add3A_249, %dma_start3A_265] : memref<80x128xi32, #tpu.memory_space<vmem>> -> memref<1x128xi32, #tpu.memory_space<vmem>>
      %dma_start3A_267 = tpu.memref_squeeze %dma_start3A_266 : memref<1x128xi32, #tpu.memory_space<vmem>> -> memref<128xi32, #tpu.memory_space<vmem>>
      %dma_start3A_268 = arith.constant 0 : i32
      %dma_start3A_269 = arith.constant 0 : i32
      %dma_start3A_270 = tpu.memref_slice %arg14[%dma_start3A_268, %dma_start3A_269] : memref<10240x32xf32, #tpu.memory_space<vmem_shared>> -> memref<10240x32xf32, #tpu.memory_space<vmem_shared>>
      tpu.enqueue_indirect_dma source(%arg8 : memref<128x32xf32, #tpu.memory_space<vmem>>) target(%dma_start3A_270 : memref<10240x32xf32, #tpu.memory_space<vmem_shared>>) offsets(%dma_start3A_267 : memref<128xi32, #tpu.memory_space<vmem>>) semaphore(%arg20 : memref<!tpu.dma_semaphore, #tpu.memory_space<semaphore_mem>>) {add = true}
      %add3A_271 = arith.constant 1 : i32
      %add3A_272 = arith.addi %add3A_247, %add3A_271 : i32
      %sub3A_273 = arith.constant 2 : i32
      %sub3A_274 = arith.subi %add3A_272, %sub3A_273 : i32
      %ge3A_275 = arith.constant 0 : i32
      %ge3A_276 = arith.cmpi sge, %sub3A_274, %ge3A_275 : i32
      %convert_element_type3A_277 = arith.extui %ge3A_276 : i1 to i32
      %cond3A_278 = arith.constant 0 : i32
      %cond3A_279 = arith.cmpi ne, %convert_element_type3A_277, %cond3A_278 : i32
      scf.if %cond3A_279 {
        %sub3A_352 = arith.constant 2 : i32
        %sub3A_353 = arith.subi %add3A_272, %sub3A_352 : i32
        %dma_wait3A_354 = arith.constant 0 : i32
        %dma_wait3A_355 = tpu.memref_slice %arg7[%sub3A_353, %dma_wait3A_354] : memref<80x128xi32, #tpu.memory_space<vmem>> -> memref<1x128xi32, #tpu.memory_space<vmem>>
        %dma_wait3A_356 = tpu.memref_squeeze %dma_wait3A_355 : memref<1x128xi32, #tpu.memory_space<vmem>> -> memref<128xi32, #tpu.memory_space<vmem>>
        %dma_wait3A_357 = arith.constant 0 : i32
        %dma_wait3A_358 = arith.constant 0 : i32
        %dma_wait3A_359 = tpu.memref_slice %arg14[%dma_wait3A_357, %dma_wait3A_358] : memref<10240x32xf32, #tpu.memory_space<vmem_shared>> -> memref<10240x32xf32, #tpu.memory_space<vmem_shared>>
        tpu.wait_indirect_dma semaphore(%arg23 : memref<!tpu.dma_semaphore, #tpu.memory_space<semaphore_mem>>) src(%arg11 : memref<128x32xf32, #tpu.memory_space<vmem>>) dst(%dma_wait3A_359 : memref<10240x32xf32, #tpu.memory_space<vmem_shared>>)
      } else {
      }
      %add3A_280 = arith.constant 2 : i32
      %add3A_281 = arith.addi %add3A_272, %add3A_280 : i32
      %lt3A_282 = arith.cmpi slt, %add3A_281, %select_n3A : i32
      %convert_element_type3A_283 = arith.extui %lt3A_282 : i1 to i32
      %cond3A_284 = arith.constant 0 : i32
      %cond3A_285 = arith.cmpi ne, %convert_element_type3A_283, %cond3A_284 : i32
      scf.if %cond3A_285 {
        %add3A_352 = arith.constant 2 : i32
        %add3A_353 = arith.addi %add3A_272, %add3A_352 : i32
        %dma_start3A_354 = arith.constant 0 : i32
        %dma_start3A_355 = tpu.memref_slice %arg6[%add3A_353, %dma_start3A_354] : memref<80x128xi32, #tpu.memory_space<vmem>> -> memref<1x128xi32, #tpu.memory_space<vmem>>
        %dma_start3A_356 = tpu.memref_squeeze %dma_start3A_355 : memref<1x128xi32, #tpu.memory_space<vmem>> -> memref<128xi32, #tpu.memory_space<vmem>>
        %dma_start3A_357 = arith.constant 0 : i32
        %dma_start3A_358 = arith.constant 0 : i32
        %dma_start3A_359 = tpu.memref_slice %arg15[%dma_start3A_357, %dma_start3A_358] : memref<10000x32xf32, #tpu.memory_space<vmem_shared>> -> memref<10000x32xf32, #tpu.memory_space<vmem_shared>>
        tpu.enqueue_indirect_dma source(%dma_start3A_359 : memref<10000x32xf32, #tpu.memory_space<vmem_shared>>) target(%arg11 : memref<128x32xf32, #tpu.memory_space<vmem>>) offsets(%dma_start3A_356 : memref<128xi32, #tpu.memory_space<vmem>>) semaphore(%arg19 : memref<!tpu.dma_semaphore, #tpu.memory_space<semaphore_mem>>)
      } else {
      }
      %dma_wait3A_286 = arith.constant 0 : i32
      %dma_wait3A_287 = tpu.memref_slice %arg6[%add3A_272, %dma_wait3A_286] : memref<80x128xi32, #tpu.memory_space<vmem>> -> memref<1x128xi32, #tpu.memory_space<vmem>>
      %dma_wait3A_288 = tpu.memref_squeeze %dma_wait3A_287 : memref<1x128xi32, #tpu.memory_space<vmem>> -> memref<128xi32, #tpu.memory_space<vmem>>
      %dma_wait3A_289 = arith.constant 0 : i32
      %dma_wait3A_290 = arith.constant 0 : i32
      %dma_wait3A_291 = tpu.memref_slice %arg15[%dma_wait3A_289, %dma_wait3A_290] : memref<10000x32xf32, #tpu.memory_space<vmem_shared>> -> memref<10000x32xf32, #tpu.memory_space<vmem_shared>>
      tpu.wait_indirect_dma semaphore(%arg17 : memref<!tpu.dma_semaphore, #tpu.memory_space<semaphore_mem>>) src(%dma_wait3A_291 : memref<10000x32xf32, #tpu.memory_space<vmem_shared>>) dst(%arg9 : memref<128x32xf32, #tpu.memory_space<vmem>>)
      %dma_start3A_292 = arith.constant 0 : i32
      %dma_start3A_293 = tpu.memref_slice %arg7[%add3A_272, %dma_start3A_292] : memref<80x128xi32, #tpu.memory_space<vmem>> -> memref<1x128xi32, #tpu.memory_space<vmem>>
      %dma_start3A_294 = tpu.memref_squeeze %dma_start3A_293 : memref<1x128xi32, #tpu.memory_space<vmem>> -> memref<128xi32, #tpu.memory_space<vmem>>
      %dma_start3A_295 = arith.constant 0 : i32
      %dma_start3A_296 = arith.constant 0 : i32
      %dma_start3A_297 = tpu.memref_slice %arg14[%dma_start3A_295, %dma_start3A_296] : memref<10240x32xf32, #tpu.memory_space<vmem_shared>> -> memref<10240x32xf32, #tpu.memory_space<vmem_shared>>
      tpu.enqueue_indirect_dma source(%arg9 : memref<128x32xf32, #tpu.memory_space<vmem>>) target(%dma_start3A_297 : memref<10240x32xf32, #tpu.memory_space<vmem_shared>>) offsets(%dma_start3A_294 : memref<128xi32, #tpu.memory_space<vmem>>) semaphore(%arg21 : memref<!tpu.dma_semaphore, #tpu.memory_space<semaphore_mem>>) {add = true}
      %add3A_298 = arith.constant 2 : i32
      %add3A_299 = arith.addi %add3A_247, %add3A_298 : i32
      %sub3A_300 = arith.constant 2 : i32
      %sub3A_301 = arith.subi %add3A_299, %sub3A_300 : i32
      %ge3A_302 = arith.constant 0 : i32
      %ge3A_303 = arith.cmpi sge, %sub3A_301, %ge3A_302 : i32
      %convert_element_type3A_304 = arith.extui %ge3A_303 : i1 to i32
      %cond3A_305 = arith.constant 0 : i32
      %cond3A_306 = arith.cmpi ne, %convert_element_type3A_304, %cond3A_305 : i32
      scf.if %cond3A_306 {
        %sub3A_352 = arith.constant 2 : i32
        %sub3A_353 = arith.subi %add3A_299, %sub3A_352 : i32
        %dma_wait3A_354 = arith.constant 0 : i32
        %dma_wait3A_355 = tpu.memref_slice %arg7[%sub3A_353, %dma_wait3A_354] : memref<80x128xi32, #tpu.memory_space<vmem>> -> memref<1x128xi32, #tpu.memory_space<vmem>>
        %dma_wait3A_356 = tpu.memref_squeeze %dma_wait3A_355 : memref<1x128xi32, #tpu.memory_space<vmem>> -> memref<128xi32, #tpu.memory_space<vmem>>
        %dma_wait3A_357 = arith.constant 0 : i32
        %dma_wait3A_358 = arith.constant 0 : i32
        %dma_wait3A_359 = tpu.memref_slice %arg14[%dma_wait3A_357, %dma_wait3A_358] : memref<10240x32xf32, #tpu.memory_space<vmem_shared>> -> memref<10240x32xf32, #tpu.memory_space<vmem_shared>>
        tpu.wait_indirect_dma semaphore(%arg20 : memref<!tpu.dma_semaphore, #tpu.memory_space<semaphore_mem>>) src(%arg8 : memref<128x32xf32, #tpu.memory_space<vmem>>) dst(%dma_wait3A_359 : memref<10240x32xf32, #tpu.memory_space<vmem_shared>>)
      } else {
      }
      %add3A_307 = arith.constant 2 : i32
      %add3A_308 = arith.addi %add3A_299, %add3A_307 : i32
      %lt3A_309 = arith.cmpi slt, %add3A_308, %select_n3A : i32
      %convert_element_type3A_310 = arith.extui %lt3A_309 : i1 to i32
      %cond3A_311 = arith.constant 0 : i32
      %cond3A_312 = arith.cmpi ne, %convert_element_type3A_310, %cond3A_311 : i32
      scf.if %cond3A_312 {
        %add3A_352 = arith.constant 2 : i32
        %add3A_353 = arith.addi %add3A_299, %add3A_352 : i32
        %dma_start3A_354 = arith.constant 0 : i32
        %dma_start3A_355 = tpu.memref_slice %arg6[%add3A_353, %dma_start3A_354] : memref<80x128xi32, #tpu.memory_space<vmem>> -> memref<1x128xi32, #tpu.memory_space<vmem>>
        %dma_start3A_356 = tpu.memref_squeeze %dma_start3A_355 : memref<1x128xi32, #tpu.memory_space<vmem>> -> memref<128xi32, #tpu.memory_space<vmem>>
        %dma_start3A_357 = arith.constant 0 : i32
        %dma_start3A_358 = arith.constant 0 : i32
        %dma_start3A_359 = tpu.memref_slice %arg15[%dma_start3A_357, %dma_start3A_358] : memref<10000x32xf32, #tpu.memory_space<vmem_shared>> -> memref<10000x32xf32, #tpu.memory_space<vmem_shared>>
        tpu.enqueue_indirect_dma source(%dma_start3A_359 : memref<10000x32xf32, #tpu.memory_space<vmem_shared>>) target(%arg8 : memref<128x32xf32, #tpu.memory_space<vmem>>) offsets(%dma_start3A_356 : memref<128xi32, #tpu.memory_space<vmem>>) semaphore(%arg16 : memref<!tpu.dma_semaphore, #tpu.memory_space<semaphore_mem>>)
      } else {
      }
      %dma_wait3A_313 = arith.constant 0 : i32
      %dma_wait3A_314 = tpu.memref_slice %arg6[%add3A_299, %dma_wait3A_313] : memref<80x128xi32, #tpu.memory_space<vmem>> -> memref<1x128xi32, #tpu.memory_space<vmem>>
      %dma_wait3A_315 = tpu.memref_squeeze %dma_wait3A_314 : memref<1x128xi32, #tpu.memory_space<vmem>> -> memref<128xi32, #tpu.memory_space<vmem>>
      %dma_wait3A_316 = arith.constant 0 : i32
      %dma_wait3A_317 = arith.constant 0 : i32
      %dma_wait3A_318 = tpu.memref_slice %arg15[%dma_wait3A_316, %dma_wait3A_317] : memref<10000x32xf32, #tpu.memory_space<vmem_shared>> -> memref<10000x32xf32, #tpu.memory_space<vmem_shared>>
      tpu.wait_indirect_dma semaphore(%arg18 : memref<!tpu.dma_semaphore, #tpu.memory_space<semaphore_mem>>) src(%dma_wait3A_318 : memref<10000x32xf32, #tpu.memory_space<vmem_shared>>) dst(%arg10 : memref<128x32xf32, #tpu.memory_space<vmem>>)
      %dma_start3A_319 = arith.constant 0 : i32
      %dma_start3A_320 = tpu.memref_slice %arg7[%add3A_299, %dma_start3A_319] : memref<80x128xi32, #tpu.memory_space<vmem>> -> memref<1x128xi32, #tpu.memory_space<vmem>>
      %dma_start3A_321 = tpu.memref_squeeze %dma_start3A_320 : memref<1x128xi32, #tpu.memory_space<vmem>> -> memref<128xi32, #tpu.memory_space<vmem>>
      %dma_start3A_322 = arith.constant 0 : i32
      %dma_start3A_323 = arith.constant 0 : i32
      %dma_start3A_324 = tpu.memref_slice %arg14[%dma_start3A_322, %dma_start3A_323] : memref<10240x32xf32, #tpu.memory_space<vmem_shared>> -> memref<10240x32xf32, #tpu.memory_space<vmem_shared>>
      tpu.enqueue_indirect_dma source(%arg10 : memref<128x32xf32, #tpu.memory_space<vmem>>) target(%dma_start3A_324 : memref<10240x32xf32, #tpu.memory_space<vmem_shared>>) offsets(%dma_start3A_321 : memref<128xi32, #tpu.memory_space<vmem>>) semaphore(%arg22 : memref<!tpu.dma_semaphore, #tpu.memory_space<semaphore_mem>>) {add = true}
      %add3A_325 = arith.constant 3 : i32
      %add3A_326 = arith.addi %add3A_247, %add3A_325 : i32
      %sub3A_327 = arith.constant 2 : i32
      %sub3A_328 = arith.subi %add3A_326, %sub3A_327 : i32
      %ge3A_329 = arith.constant 0 : i32
      %ge3A_330 = arith.cmpi sge, %sub3A_328, %ge3A_329 : i32
      %convert_element_type3A_331 = arith.extui %ge3A_330 : i1 to i32
      %cond3A_332 = arith.constant 0 : i32
      %cond3A_333 = arith.cmpi ne, %convert_element_type3A_331, %cond3A_332 : i32
      scf.if %cond3A_333 {
        %sub3A_352 = arith.constant 2 : i32
        %sub3A_353 = arith.subi %add3A_326, %sub3A_352 : i32
        %dma_wait3A_354 = arith.constant 0 : i32
        %dma_wait3A_355 = tpu.memref_slice %arg7[%sub3A_353, %dma_wait3A_354] : memref<80x128xi32, #tpu.memory_space<vmem>> -> memref<1x128xi32, #tpu.memory_space<vmem>>
        %dma_wait3A_356 = tpu.memref_squeeze %dma_wait3A_355 : memref<1x128xi32, #tpu.memory_space<vmem>> -> memref<128xi32, #tpu.memory_space<vmem>>
        %dma_wait3A_357 = arith.constant 0 : i32
        %dma_wait3A_358 = arith.constant 0 : i32
        %dma_wait3A_359 = tpu.memref_slice %arg14[%dma_wait3A_357, %dma_wait3A_358] : memref<10240x32xf32, #tpu.memory_space<vmem_shared>> -> memref<10240x32xf32, #tpu.memory_space<vmem_shared>>
        tpu.wait_indirect_dma semaphore(%arg21 : memref<!tpu.dma_semaphore, #tpu.memory_space<semaphore_mem>>) src(%arg9 : memref<128x32xf32, #tpu.memory_space<vmem>>) dst(%dma_wait3A_359 : memref<10240x32xf32, #tpu.memory_space<vmem_shared>>)
      } else {
      }
      %add3A_334 = arith.constant 2 : i32
      %add3A_335 = arith.addi %add3A_326, %add3A_334 : i32
      %lt3A_336 = arith.cmpi slt, %add3A_335, %select_n3A : i32
      %convert_element_type3A_337 = arith.extui %lt3A_336 : i1 to i32
      %cond3A_338 = arith.constant 0 : i32
      %cond3A_339 = arith.cmpi ne, %convert_element_type3A_337, %cond3A_338 : i32
      scf.if %cond3A_339 {
        %add3A_352 = arith.constant 2 : i32
        %add3A_353 = arith.addi %add3A_326, %add3A_352 : i32
        %dma_start3A_354 = arith.constant 0 : i32
        %dma_start3A_355 = tpu.memref_slice %arg6[%add3A_353, %dma_start3A_354] : memref<80x128xi32, #tpu.memory_space<vmem>> -> memref<1x128xi32, #tpu.memory_space<vmem>>
        %dma_start3A_356 = tpu.memref_squeeze %dma_start3A_355 : memref<1x128xi32, #tpu.memory_space<vmem>> -> memref<128xi32, #tpu.memory_space<vmem>>
        %dma_start3A_357 = arith.constant 0 : i32
        %dma_start3A_358 = arith.constant 0 : i32
        %dma_start3A_359 = tpu.memref_slice %arg15[%dma_start3A_357, %dma_start3A_358] : memref<10000x32xf32, #tpu.memory_space<vmem_shared>> -> memref<10000x32xf32, #tpu.memory_space<vmem_shared>>
        tpu.enqueue_indirect_dma source(%dma_start3A_359 : memref<10000x32xf32, #tpu.memory_space<vmem_shared>>) target(%arg9 : memref<128x32xf32, #tpu.memory_space<vmem>>) offsets(%dma_start3A_356 : memref<128xi32, #tpu.memory_space<vmem>>) semaphore(%arg17 : memref<!tpu.dma_semaphore, #tpu.memory_space<semaphore_mem>>)
      } else {
      }
      %dma_wait3A_340 = arith.constant 0 : i32
      %dma_wait3A_341 = tpu.memref_slice %arg6[%add3A_326, %dma_wait3A_340] : memref<80x128xi32, #tpu.memory_space<vmem>> -> memref<1x128xi32, #tpu.memory_space<vmem>>
      %dma_wait3A_342 = tpu.memref_squeeze %dma_wait3A_341 : memref<1x128xi32, #tpu.memory_space<vmem>> -> memref<128xi32, #tpu.memory_space<vmem>>
      %dma_wait3A_343 = arith.constant 0 : i32
      %dma_wait3A_344 = arith.constant 0 : i32
      %dma_wait3A_345 = tpu.memref_slice %arg15[%dma_wait3A_343, %dma_wait3A_344] : memref<10000x32xf32, #tpu.memory_space<vmem_shared>> -> memref<10000x32xf32, #tpu.memory_space<vmem_shared>>
      tpu.wait_indirect_dma semaphore(%arg19 : memref<!tpu.dma_semaphore, #tpu.memory_space<semaphore_mem>>) src(%dma_wait3A_345 : memref<10000x32xf32, #tpu.memory_space<vmem_shared>>) dst(%arg11 : memref<128x32xf32, #tpu.memory_space<vmem>>)
      %dma_start3A_346 = arith.constant 0 : i32
      %dma_start3A_347 = tpu.memref_slice %arg7[%add3A_326, %dma_start3A_346] : memref<80x128xi32, #tpu.memory_space<vmem>> -> memref<1x128xi32, #tpu.memory_space<vmem>>
      %dma_start3A_348 = tpu.memref_squeeze %dma_start3A_347 : memref<1x128xi32, #tpu.memory_space<vmem>> -> memref<128xi32, #tpu.memory_space<vmem>>
      %dma_start3A_349 = arith.constant 0 : i32
      %dma_start3A_350 = arith.constant 0 : i32
      %dma_start3A_351 = tpu.memref_slice %arg14[%dma_start3A_349, %dma_start3A_350] : memref<10240x32xf32, #tpu.memory_space<vmem_shared>> -> memref<10240x32xf32, #tpu.memory_space<vmem_shared>>
      tpu.enqueue_indirect_dma source(%arg11 : memref<128x32xf32, #tpu.memory_space<vmem>>) target(%dma_start3A_351 : memref<10240x32xf32, #tpu.memory_space<vmem_shared>>) offsets(%dma_start3A_348 : memref<128xi32, #tpu.memory_space<vmem>>) semaphore(%arg23 : memref<!tpu.dma_semaphore, #tpu.memory_space<semaphore_mem>>) {add = true}
    }
    %sub3A_224 = arith.constant 4 : i32
    %sub3A_225 = arith.subi %select_n3A, %sub3A_224 : i32
    %add3A_226 = arith.constant 2 : i32
    %add3A_227 = arith.addi %sub3A_225, %add3A_226 : i32
    %dma_wait3A_228 = arith.constant 0 : i32
    %dma_wait3A_229 = tpu.memref_slice %arg7[%add3A_227, %dma_wait3A_228] : memref<80x128xi32, #tpu.memory_space<vmem>> -> memref<1x128xi32, #tpu.memory_space<vmem>>
    %dma_wait3A_230 = tpu.memref_squeeze %dma_wait3A_229 : memref<1x128xi32, #tpu.memory_space<vmem>> -> memref<128xi32, #tpu.memory_space<vmem>>
    %dma_wait3A_231 = arith.constant 0 : i32
    %dma_wait3A_232 = arith.constant 0 : i32
    %dma_wait3A_233 = tpu.memref_slice %arg14[%dma_wait3A_231, %dma_wait3A_232] : memref<10240x32xf32, #tpu.memory_space<vmem_shared>> -> memref<10240x32xf32, #tpu.memory_space<vmem_shared>>
    tpu.wait_indirect_dma semaphore(%arg22 : memref<!tpu.dma_semaphore, #tpu.memory_space<semaphore_mem>>) src(%arg10 : memref<128x32xf32, #tpu.memory_space<vmem>>) dst(%dma_wait3A_233 : memref<10240x32xf32, #tpu.memory_space<vmem_shared>>)
    %sub3A_234 = arith.constant 4 : i32
    %sub3A_235 = arith.subi %select_n3A, %sub3A_234 : i32
    %add3A_236 = arith.constant 3 : i32
    %add3A_237 = arith.addi %sub3A_235, %add3A_236 : i32
    %dma_wait3A_238 = arith.constant 0 : i32
    %dma_wait3A_239 = tpu.memref_slice %arg7[%add3A_237, %dma_wait3A_238] : memref<80x128xi32, #tpu.memory_space<vmem>> -> memref<1x128xi32, #tpu.memory_space<vmem>>
    %dma_wait3A_240 = tpu.memref_squeeze %dma_wait3A_239 : memref<1x128xi32, #tpu.memory_space<vmem>> -> memref<128xi32, #tpu.memory_space<vmem>>
    %dma_wait3A_241 = arith.constant 0 : i32
    %dma_wait3A_242 = arith.constant 0 : i32
    %dma_wait3A_243 = tpu.memref_slice %arg14[%dma_wait3A_241, %dma_wait3A_242] : memref<10240x32xf32, #tpu.memory_space<vmem_shared>> -> memref<10240x32xf32, #tpu.memory_space<vmem_shared>>
    tpu.wait_indirect_dma semaphore(%arg23 : memref<!tpu.dma_semaphore, #tpu.memory_space<semaphore_mem>>) src(%arg11 : memref<128x32xf32, #tpu.memory_space<vmem>>) dst(%dma_wait3A_243 : memref<10240x32xf32, #tpu.memory_space<vmem_shared>>)
    %barrier3A_244 = arith.constant 0 : index
    tpu.barrier barrier_id(%barrier3A_244)
    "tpu.region"() ({
      %run_scoped3A = tpu.sem_alloc : memref<!tpu.dma_semaphore, #tpu.memory_space<semaphore_mem>>
      %dma_start3A_245 = arith.constant 0 : i32
      %dma_start3A_246 = tpu.memref_slice %arg14[%mul3A_34, %dma_start3A_245] : memref<10240x32xf32, #tpu.memory_space<vmem_shared>> -> memref<640x32xf32, #tpu.memory_space<vmem_shared>>
      %dma_start3A_247 = arith.constant 0 : i32
      %dma_start3A_248 = tpu.memref_slice %arg14[%mul3A_34, %dma_start3A_247] : memref<10240x32xf32, #tpu.memory_space<vmem_shared>> -> memref<640x32xf32, #tpu.memory_space<vmem_shared>>
      tpu.enqueue_dma source(%dma_start3A_248 : memref<640x32xf32, #tpu.memory_space<vmem_shared>>) target(%arg13 : memref<640x32xf32, #tpu.memory_space<vmem>>) target_semaphore(%run_scoped3A : memref<!tpu.dma_semaphore, #tpu.memory_space<semaphore_mem>>)
      %dma_wait3A_249 = arith.constant 0 : i32
      %dma_wait3A_250 = tpu.memref_slice %arg14[%mul3A_34, %dma_wait3A_249] : memref<10240x32xf32, #tpu.memory_space<vmem_shared>> -> memref<640x32xf32, #tpu.memory_space<vmem_shared>>
      %dma_wait3A_251 = arith.constant 0 : i32
      %dma_wait3A_252 = tpu.memref_slice %arg14[%mul3A_34, %dma_wait3A_251] : memref<10240x32xf32, #tpu.memory_space<vmem_shared>> -> memref<640x32xf32, #tpu.memory_space<vmem_shared>>
      tpu.wait_dma2 semaphore(%run_scoped3A : memref<!tpu.dma_semaphore, #tpu.memory_space<semaphore_mem>>) src(%dma_wait3A_252 : memref<640x32xf32, #tpu.memory_space<vmem_shared>>) dst(%arg13 : memref<640x32xf32, #tpu.memory_space<vmem>>)
      tpu.yield
    }) : () -> ()
    "tpu.region"() ({
      %run_scoped3A = tpu.sem_alloc : memref<!tpu.dma_semaphore, #tpu.memory_space<semaphore_mem>>
      %dma_start3A_245 = arith.constant 0 : i32
      %dma_start3A_246 = tpu.memref_slice %arg5[%arg0, %mul3A_34, %dma_start3A_245] : memref<2x10240x32xf32, #tpu.memory_space<hbm>> -> memref<1x640x32xf32, #tpu.memory_space<hbm>>
      %dma_start3A_247 = tpu.memref_squeeze %dma_start3A_246 : memref<1x640x32xf32, #tpu.memory_space<hbm>> -> memref<640x32xf32, #tpu.memory_space<hbm>>
      %dma_start3A_248 = arith.constant 0 : i32
      %dma_start3A_249 = tpu.memref_slice %arg5[%arg0, %mul3A_34, %dma_start3A_248] : memref<2x10240x32xf32, #tpu.memory_space<hbm>> -> memref<1x640x32xf32, #tpu.memory_space<hbm>>
      %dma_start3A_250 = tpu.memref_squeeze %dma_start3A_249 : memref<1x640x32xf32, #tpu.memory_space<hbm>> -> memref<640x32xf32, #tpu.memory_space<hbm>>
      tpu.enqueue_dma source(%arg13 : memref<640x32xf32, #tpu.memory_space<vmem>>) target(%dma_start3A_250 : memref<640x32xf32, #tpu.memory_space<hbm>>) target_semaphore(%run_scoped3A : memref<!tpu.dma_semaphore, #tpu.memory_space<semaphore_mem>>)
      %dma_wait3A_251 = arith.constant 0 : i32
      %dma_wait3A_252 = tpu.memref_slice %arg5[%arg0, %mul3A_34, %dma_wait3A_251] : memref<2x10240x32xf32, #tpu.memory_space<hbm>> -> memref<1x640x32xf32, #tpu.memory_space<hbm>>
      %dma_wait3A_253 = tpu.memref_squeeze %dma_wait3A_252 : memref<1x640x32xf32, #tpu.memory_space<hbm>> -> memref<640x32xf32, #tpu.memory_space<hbm>>
      %dma_wait3A_254 = arith.constant 0 : i32
      %dma_wait3A_255 = tpu.memref_slice %arg5[%arg0, %mul3A_34, %dma_wait3A_254] : memref<2x10240x32xf32, #tpu.memory_space<hbm>> -> memref<1x640x32xf32, #tpu.memory_space<hbm>>
      %dma_wait3A_256 = tpu.memref_squeeze %dma_wait3A_255 : memref<1x640x32xf32, #tpu.memory_space<hbm>> -> memref<640x32xf32, #tpu.memory_space<hbm>>
      tpu.wait_dma2 semaphore(%run_scoped3A : memref<!tpu.dma_semaphore, #tpu.memory_space<semaphore_mem>>) src(%arg13 : memref<640x32xf32, #tpu.memory_space<vmem>>) dst(%dma_wait3A_256 : memref<640x32xf32, #tpu.memory_space<hbm>>)
      tpu.yield
    }) : () -> ()
    return
  }
}

#map = affine_map<(d0, d1) -> (0, 0, 0)>
#map1 = affine_map<(d0, d1) -> (0, 0)>
module attributes {stable_mosaic.version = 14 : i64} {
  func.func @_hist_kernel(%arg0: i32, %arg1: i32, %arg2: memref<32x640x16xi32, #tpu.memory_space<hbm>>, %arg3: memref<32x10240xf32, #tpu.memory_space<hbm>>, %arg4: memref<640x16xi32, #tpu.memory_space<vmem>>, %arg5: memref<10240xf32, #tpu.memory_space<vmem>>, %arg6: memref<!tpu.dma_semaphore, #tpu.memory_space<semaphore_mem>>) attributes {dimension_semantics = [#tpu.dimension_semantics<core_parallel>, #tpu.dimension_semantics<subcore_parallel>], iteration_bounds = array<i64: 2, 16>, scalar_prefetch = 0 : i64, scratch_operands = 3 : i64, tpu.core_type = #tpu.core_type<sc_vector_subcore>, window_params = [{transform_indices = #map}, {transform_indices = #map1}]} {
    %mul3A = arith.constant 2 : i32
    %mul3A_0 = arith.muli %arg1, %mul3A : i32
    %add3A = arith.addi %mul3A_0, %arg0 : i32
    %dma_start3A = arith.constant 0 : i32
    %dma_start3A_1 = arith.constant 0 : i32
    %dma_start3A_2 = tpu.memref_slice %arg2[%add3A, %dma_start3A, %dma_start3A_1] : memref<32x640x16xi32, #tpu.memory_space<hbm>> -> memref<1x640x16xi32, #tpu.memory_space<hbm>>
    %dma_start3A_3 = tpu.memref_squeeze %dma_start3A_2 : memref<1x640x16xi32, #tpu.memory_space<hbm>> -> memref<640x16xi32, #tpu.memory_space<hbm>>
    %dma_start3A_4 = arith.constant 0 : i32
    %dma_start3A_5 = arith.constant 0 : i32
    %dma_start3A_6 = tpu.memref_slice %arg2[%add3A, %dma_start3A_4, %dma_start3A_5] : memref<32x640x16xi32, #tpu.memory_space<hbm>> -> memref<1x640x16xi32, #tpu.memory_space<hbm>>
    %dma_start3A_7 = tpu.memref_squeeze %dma_start3A_6 : memref<1x640x16xi32, #tpu.memory_space<hbm>> -> memref<640x16xi32, #tpu.memory_space<hbm>>
    tpu.enqueue_dma source(%dma_start3A_7 : memref<640x16xi32, #tpu.memory_space<hbm>>) target(%arg4 : memref<640x16xi32, #tpu.memory_space<vmem>>) target_semaphore(%arg6 : memref<!tpu.dma_semaphore, #tpu.memory_space<semaphore_mem>>)
    %broadcast_in_dim3A = arith.constant 0.000000e+00 : f32
    %broadcast_in_dim3A_8 = vector.broadcast %broadcast_in_dim3A : f32 to vector<16xf32>
    %broadcast_in_dim3A_9 = arith.constant 1.000000e+00 : f32
    %broadcast_in_dim3A_10 = vector.broadcast %broadcast_in_dim3A_9 : f32 to vector<16xf32>
    %scan3A = arith.constant 0 : i32
    %scan3A_11 = arith.constant 640 : i32
    %scan3A_12 = arith.addi %scan3A, %scan3A_11 : i32
    %scan3A_13 = arith.constant 1 : i32
    scf.for %scan3A_27 = %scan3A to %scan3A_12 step %scan3A_13  : i32 {
      %mul3A_28 = arith.constant 1 : i32
      %mul3A_29 = arith.muli %scan3A_27, %mul3A_28 : i32
      %add3A_30 = arith.constant 0 : i32
      %add3A_31 = arith.addi %add3A_30, %mul3A_29 : i32
      %mul3A_32 = arith.constant 16 : i32
      %mul3A_33 = arith.muli %add3A_31, %mul3A_32 : i32
      %swap3A = arith.index_cast %mul3A_33 : i32 to index
      %swap3A_34 = tpu.vector_load %arg5[%swap3A] {strides = array<i32>} : memref<10240xf32, #tpu.memory_space<vmem>>, vector<16xf32>,
      tpu.vector_store %arg5[%swap3A], %broadcast_in_dim3A_8 {strides = array<i32>} : memref<10240xf32, #tpu.memory_space<vmem>>, vector<16xf32>,
    }
    %scan3A_14 = arith.constant 640 : i32
    %dma_wait3A = arith.constant 0 : i32
    %dma_wait3A_15 = arith.constant 0 : i32
    %dma_wait3A_16 = tpu.memref_slice %arg2[%add3A, %dma_wait3A, %dma_wait3A_15] : memref<32x640x16xi32, #tpu.memory_space<hbm>> -> memref<1x640x16xi32, #tpu.memory_space<hbm>>
    %dma_wait3A_17 = tpu.memref_squeeze %dma_wait3A_16 : memref<1x640x16xi32, #tpu.memory_space<hbm>> -> memref<640x16xi32, #tpu.memory_space<hbm>>
    %dma_wait3A_18 = arith.constant 0 : i32
    %dma_wait3A_19 = arith.constant 0 : i32
    %dma_wait3A_20 = tpu.memref_slice %arg2[%add3A, %dma_wait3A_18, %dma_wait3A_19] : memref<32x640x16xi32, #tpu.memory_space<hbm>> -> memref<1x640x16xi32, #tpu.memory_space<hbm>>
    %dma_wait3A_21 = tpu.memref_squeeze %dma_wait3A_20 : memref<1x640x16xi32, #tpu.memory_space<hbm>> -> memref<640x16xi32, #tpu.memory_space<hbm>>
    tpu.wait_dma2 semaphore(%arg6 : memref<!tpu.dma_semaphore, #tpu.memory_space<semaphore_mem>>) src(%dma_wait3A_21 : memref<640x16xi32, #tpu.memory_space<hbm>>) dst(%arg4 : memref<640x16xi32, #tpu.memory_space<vmem>>)
    %scan3A_22 = arith.constant 0 : i32
    %scan3A_23 = arith.constant 640 : i32
    %scan3A_24 = arith.addi %scan3A_22, %scan3A_23 : i32
    %scan3A_25 = arith.constant 1 : i32
    scf.for %scan3A_27 = %scan3A_22 to %scan3A_24 step %scan3A_25  : i32 {
      %mul3A_28 = arith.constant 1 : i32
      %mul3A_29 = arith.muli %scan3A_27, %mul3A_28 : i32
      %add3A_30 = arith.constant 0 : i32
      %add3A_31 = arith.addi %add3A_30, %mul3A_29 : i32
      %get3A = arith.index_cast %add3A_31 : i32 to index
      %get3A_32 = arith.constant 0 : index
      %get3A_33 = tpu.vector_load %arg4[%get3A, %get3A_32] {strides = array<i32>} : memref<640x16xi32, #tpu.memory_space<vmem>>, vector<16xi32>,
      tpu.vector_store_idx %arg5[%get3A_33], %broadcast_in_dim3A_10 {add = true} : memref<10240xf32, #tpu.memory_space<vmem>>[vector<16xi32>], vector<16xf32>,
    }
    %scan3A_26 = arith.constant 640 : i32
    "tpu.region"() ({
      %run_scoped3A = tpu.sem_alloc : memref<!tpu.dma_semaphore, #tpu.memory_space<semaphore_mem>>
      %dma_start3A_27 = arith.constant 0 : i32
      %dma_start3A_28 = tpu.memref_slice %arg3[%add3A, %dma_start3A_27] : memref<32x10240xf32, #tpu.memory_space<hbm>> -> memref<1x10240xf32, #tpu.memory_space<hbm>>
      %dma_start3A_29 = tpu.memref_squeeze %dma_start3A_28 : memref<1x10240xf32, #tpu.memory_space<hbm>> -> memref<10240xf32, #tpu.memory_space<hbm>>
      %dma_start3A_30 = arith.constant 0 : i32
      %dma_start3A_31 = tpu.memref_slice %arg3[%add3A, %dma_start3A_30] : memref<32x10240xf32, #tpu.memory_space<hbm>> -> memref<1x10240xf32, #tpu.memory_space<hbm>>
      %dma_start3A_32 = tpu.memref_squeeze %dma_start3A_31 : memref<1x10240xf32, #tpu.memory_space<hbm>> -> memref<10240xf32, #tpu.memory_space<hbm>>
      tpu.enqueue_dma source(%arg5 : memref<10240xf32, #tpu.memory_space<vmem>>) target(%dma_start3A_32 : memref<10240xf32, #tpu.memory_space<hbm>>) target_semaphore(%run_scoped3A : memref<!tpu.dma_semaphore, #tpu.memory_space<semaphore_mem>>)
      %dma_wait3A_33 = arith.constant 0 : i32
      %dma_wait3A_34 = tpu.memref_slice %arg3[%add3A, %dma_wait3A_33] : memref<32x10240xf32, #tpu.memory_space<hbm>> -> memref<1x10240xf32, #tpu.memory_space<hbm>>
      %dma_wait3A_35 = tpu.memref_squeeze %dma_wait3A_34 : memref<1x10240xf32, #tpu.memory_space<hbm>> -> memref<10240xf32, #tpu.memory_space<hbm>>
      %dma_wait3A_36 = arith.constant 0 : i32
      %dma_wait3A_37 = tpu.memref_slice %arg3[%add3A, %dma_wait3A_36] : memref<32x10240xf32, #tpu.memory_space<hbm>> -> memref<1x10240xf32, #tpu.memory_space<hbm>>
      %dma_wait3A_38 = tpu.memref_squeeze %dma_wait3A_37 : memref<1x10240xf32, #tpu.memory_space<hbm>> -> memref<10240xf32, #tpu.memory_space<hbm>>
      tpu.wait_dma2 semaphore(%run_scoped3A : memref<!tpu.dma_semaphore, #tpu.memory_space<semaphore_mem>>) src(%arg5 : memref<10240xf32, #tpu.memory_space<vmem>>) dst(%dma_wait3A_38 : memref<10240xf32, #tpu.memory_space<hbm>>)
      tpu.yield
    }) : () -> ()
    return
  }
}

#map = affine_map<(d0, d1) -> (0, 0)>
#map1 = affine_map<(d0, d1) -> (0, 0, 0)>
module attributes {stable_mosaic.version = 14 : i64} {
  func.func @_msgpass_kernel(%arg0: i32, %arg1: i32, %arg2: memref<10000x32xf32, #tpu.memory_space<hbm>>, %arg3: memref<2640x128xi32, #tpu.memory_space<hbm>>, %arg4: memref<2640x128xi32, #tpu.memory_space<hbm>>, %arg5: memref<2x10240x32xf32, #tpu.memory_space<hbm>>, %arg6: memref<80x128xi32, #tpu.memory_space<vmem>>, %arg7: memref<80x128xi32, #tpu.memory_space<vmem>>, %arg8: memref<128x32xf32, #tpu.memory_space<vmem>>, %arg9: memref<128x32xf32, #tpu.memory_space<vmem>>, %arg10: memref<128x32xf32, #tpu.memory_space<vmem>>, %arg11: memref<128x32xf32, #tpu.memory_space<vmem>>, %arg12: memref<64x32xf32, #tpu.memory_space<vmem>>, %arg13: memref<640x32xf32, #tpu.memory_space<vmem>>, %arg14: memref<10240x32xf32, #tpu.memory_space<vmem_shared>>, %arg15: memref<10000x32xf32, #tpu.memory_space<vmem_shared>>, %arg16: memref<!tpu.dma_semaphore, #tpu.memory_space<semaphore_mem>>, %arg17: memref<!tpu.dma_semaphore, #tpu.memory_space<semaphore_mem>>, %arg18: memref<!tpu.dma_semaphore, #tpu.memory_space<semaphore_mem>>, %arg19: memref<!tpu.dma_semaphore, #tpu.memory_space<semaphore_mem>>, %arg20: memref<!tpu.dma_semaphore, #tpu.memory_space<semaphore_mem>>, %arg21: memref<!tpu.dma_semaphore, #tpu.memory_space<semaphore_mem>>, %arg22: memref<!tpu.dma_semaphore, #tpu.memory_space<semaphore_mem>>, %arg23: memref<!tpu.dma_semaphore, #tpu.memory_space<semaphore_mem>>) attributes {dimension_semantics = [#tpu.dimension_semantics<core_parallel>, #tpu.dimension_semantics<subcore_parallel>], iteration_bounds = array<i64: 2, 16>, scalar_prefetch = 0 : i64, scratch_operands = 18 : i64, tpu.core_type = #tpu.core_type<sc_vector_subcore>, window_params = [{transform_indices = #map}, {transform_indices = #map}, {transform_indices = #map}, {transform_indices = #map1}]} {
    %eq3A = arith.constant 0 : i32
    %eq3A_0 = arith.cmpi eq, %arg0, %eq3A : i32
    %jit3A = arith.constant 80 : i32
    %jit3A_1 = arith.constant 80 : i32
    %select_n3A = arith.select %eq3A_0, %jit3A, %jit3A_1 : i32
    %eq3A_2 = arith.constant 0 : i32
    %eq3A_3 = arith.cmpi eq, %arg0, %eq3A_2 : i32
    %mul3A = arith.constant 80 : i32
    %mul3A_4 = arith.muli %arg1, %mul3A : i32
    %mul3A_5 = arith.constant 80 : i32
    %mul3A_6 = arith.muli %arg1, %mul3A_5 : i32
    %add3A = arith.constant 1280 : i32
    %add3A_7 = arith.addi %add3A, %mul3A_6 : i32
    %select_n3A_8 = arith.select %eq3A_3, %mul3A_4, %add3A_7 : i32
    %dma_start3A = arith.constant 0 : i32
    %dma_start3A_9 = tpu.memref_slice %arg3[%select_n3A_8, %dma_start3A] : memref<2640x128xi32, #tpu.memory_space<hbm>> -> memref<80x128xi32, #tpu.memory_space<hbm>>
    %dma_start3A_10 = arith.constant 0 : i32
    %dma_start3A_11 = tpu.memref_slice %arg3[%select_n3A_8, %dma_start3A_10] : memref<2640x128xi32, #tpu.memory_space<hbm>> -> memref<80x128xi32, #tpu.memory_space<hbm>>
    tpu.enqueue_dma source(%dma_start3A_11 : memref<80x128xi32, #tpu.memory_space<hbm>>) target(%arg6 : memref<80x128xi32, #tpu.memory_space<vmem>>) target_semaphore(%arg16 : memref<!tpu.dma_semaphore, #tpu.memory_space<semaphore_mem>>)
    %dma_start3A_12 = arith.constant 0 : i32
    %dma_start3A_13 = tpu.memref_slice %arg4[%select_n3A_8, %dma_start3A_12] : memref<2640x128xi32, #tpu.memory_space<hbm>> -> memref<80x128xi32, #tpu.memory_space<hbm>>
    %dma_start3A_14 = arith.constant 0 : i32
    %dma_start3A_15 = tpu.memref_slice %arg4[%select_n3A_8, %dma_start3A_14] : memref<2640x128xi32, #tpu.memory_space<hbm>> -> memref<80x128xi32, #tpu.memory_space<hbm>>
    tpu.enqueue_dma source(%dma_start3A_15 : memref<80x128xi32, #tpu.memory_space<hbm>>) target(%arg7 : memref<80x128xi32, #tpu.memory_space<vmem>>) target_semaphore(%arg17 : memref<!tpu.dma_semaphore, #tpu.memory_space<semaphore_mem>>)
    %mul3A_16 = arith.constant 625 : i32
    %mul3A_17 = arith.muli %arg1, %mul3A_16 : i32
    %dma_start3A_18 = arith.constant 0 : i32
    %dma_start3A_19 = arith.constant 0 : i32
    %dma_start3A_20 = tpu.memref_slice %arg13[%dma_start3A_18, %dma_start3A_19] : memref<640x32xf32, #tpu.memory_space<vmem>> -> memref<625x32xf32, #tpu.memory_space<vmem>>
    %dma_start3A_21 = arith.constant 0 : i32
    %dma_start3A_22 = tpu.memref_slice %arg2[%mul3A_17, %dma_start3A_21] : memref<10000x32xf32, #tpu.memory_space<hbm>> -> memref<625x32xf32, #tpu.memory_space<hbm>>
    %dma_start3A_23 = arith.constant 0 : i32
    %dma_start3A_24 = arith.constant 0 : i32
    %dma_start3A_25 = tpu.memref_slice %arg13[%dma_start3A_23, %dma_start3A_24] : memref<640x32xf32, #tpu.memory_space<vmem>> -> memref<625x32xf32, #tpu.memory_space<vmem>>
    %dma_start3A_26 = arith.constant 0 : i32
    %dma_start3A_27 = tpu.memref_slice %arg2[%mul3A_17, %dma_start3A_26] : memref<10000x32xf32, #tpu.memory_space<hbm>> -> memref<625x32xf32, #tpu.memory_space<hbm>>
    tpu.enqueue_dma source(%dma_start3A_27 : memref<625x32xf32, #tpu.memory_space<hbm>>) target(%dma_start3A_25 : memref<625x32xf32, #tpu.memory_space<vmem>>) target_semaphore(%arg18 : memref<!tpu.dma_semaphore, #tpu.memory_space<semaphore_mem>>)
    %broadcast_in_dim3A = arith.constant 0.000000e+00 : f32
    %broadcast_in_dim3A_28 = vector.broadcast %broadcast_in_dim3A : f32 to vector<16xf32>
    %scan3A = arith.constant 0 : i32
    %scan3A_29 = arith.constant 64 : i32
    %scan3A_30 = arith.addi %scan3A, %scan3A_29 : i32
    %scan3A_31 = arith.constant 1 : i32
    scf.for %scan3A_245 = %scan3A to %scan3A_30 step %scan3A_31  : i32 {
      %mul3A_246 = arith.constant 1 : i32
      %mul3A_247 = arith.muli %scan3A_245, %mul3A_246 : i32
      %add3A_248 = arith.constant 0 : i32
      %add3A_249 = arith.addi %add3A_248, %mul3A_247 : i32
      %swap3A = arith.index_cast %add3A_249 : i32 to index
      %swap3A_250 = arith.constant 0 : index
      %swap3A_251 = tpu.vector_load %arg12[%swap3A, %swap3A_250] {strides = array<i32>} : memref<64x32xf32, #tpu.memory_space<vmem>>, vector<16xf32>,
      tpu.vector_store %arg12[%swap3A, %swap3A_250], %broadcast_in_dim3A_28 {strides = array<i32>} : memref<64x32xf32, #tpu.memory_space<vmem>>, vector<16xf32>,
      %swap3A_252 = arith.index_cast %add3A_249 : i32 to index
      %swap3A_253 = arith.constant 16 : index
      %swap3A_254 = tpu.vector_load %arg12[%swap3A_252, %swap3A_253] {strides = array<i32>} : memref<64x32xf32, #tpu.memory_space<vmem>>, vector<16xf32>,
      tpu.vector_store %arg12[%swap3A_252, %swap3A_253], %broadcast_in_dim3A_28 {strides = array<i32>} : memref<64x32xf32, #tpu.memory_space<vmem>>, vector<16xf32>,
    }
    %scan3A_32 = arith.constant 64 : i32
    %mul3A_33 = arith.constant 640 : i32
    %mul3A_34 = arith.muli %arg1, %mul3A_33 : i32
    %add3A_35 = arith.constant 0 : i32
    %add3A_36 = arith.addi %mul3A_34, %add3A_35 : i32
    %dma_start3A_37 = arith.constant 0 : i32
    %dma_start3A_38 = tpu.memref_slice %arg14[%add3A_36, %dma_start3A_37] : memref<10240x32xf32, #tpu.memory_space<vmem_shared>> -> memref<64x32xf32, #tpu.memory_space<vmem_shared>>
    %dma_start3A_39 = arith.constant 0 : i32
    %dma_start3A_40 = tpu.memref_slice %arg14[%add3A_36, %dma_start3A_39] : memref<10240x32xf32, #tpu.memory_space<vmem_shared>> -> memref<64x32xf32, #tpu.memory_space<vmem_shared>>
    tpu.enqueue_dma source(%arg12 : memref<64x32xf32, #tpu.memory_space<vmem>>) target(%dma_start3A_40 : memref<64x32xf32, #tpu.memory_space<vmem_shared>>) target_semaphore(%arg20 : memref<!tpu.dma_semaphore, #tpu.memory_space<semaphore_mem>>)
    %add3A_41 = arith.constant 64 : i32
    %add3A_42 = arith.addi %mul3A_34, %add3A_41 : i32
    %dma_start3A_43 = arith.constant 0 : i32
    %dma_start3A_44 = tpu.memref_slice %arg14[%add3A_42, %dma_start3A_43] : memref<10240x32xf32, #tpu.memory_space<vmem_shared>> -> memref<64x32xf32, #tpu.memory_space<vmem_shared>>
    %dma_start3A_45 = arith.constant 0 : i32
    %dma_start3A_46 = tpu.memref_slice %arg14[%add3A_42, %dma_start3A_45] : memref<10240x32xf32, #tpu.memory_space<vmem_shared>> -> memref<64x32xf32, #tpu.memory_space<vmem_shared>>
    tpu.enqueue_dma source(%arg12 : memref<64x32xf32, #tpu.memory_space<vmem>>) target(%dma_start3A_46 : memref<64x32xf32, #tpu.memory_space<vmem_shared>>) target_semaphore(%arg21 : memref<!tpu.dma_semaphore, #tpu.memory_space<semaphore_mem>>)
    %add3A_47 = arith.constant 128 : i32
    %add3A_48 = arith.addi %mul3A_34, %add3A_47 : i32
    %dma_start3A_49 = arith.constant 0 : i32
    %dma_start3A_50 = tpu.memref_slice %arg14[%add3A_48, %dma_start3A_49] : memref<10240x32xf32, #tpu.memory_space<vmem_shared>> -> memref<64x32xf32, #tpu.memory_space<vmem_shared>>
    %dma_start3A_51 = arith.constant 0 : i32
    %dma_start3A_52 = tpu.memref_slice %arg14[%add3A_48, %dma_start3A_51] : memref<10240x32xf32, #tpu.memory_space<vmem_shared>> -> memref<64x32xf32, #tpu.memory_space<vmem_shared>>
    tpu.enqueue_dma source(%arg12 : memref<64x32xf32, #tpu.memory_space<vmem>>) target(%dma_start3A_52 : memref<64x32xf32, #tpu.memory_space<vmem_shared>>) target_semaphore(%arg22 : memref<!tpu.dma_semaphore, #tpu.memory_space<semaphore_mem>>)
    %add3A_53 = arith.constant 192 : i32
    %add3A_54 = arith.addi %mul3A_34, %add3A_53 : i32
    %dma_start3A_55 = arith.constant 0 : i32
    %dma_start3A_56 = tpu.memref_slice %arg14[%add3A_54, %dma_start3A_55] : memref<10240x32xf32, #tpu.memory_space<vmem_shared>> -> memref<64x32xf32, #tpu.memory_space<vmem_shared>>
    %dma_start3A_57 = arith.constant 0 : i32
    %dma_start3A_58 = tpu.memref_slice %arg14[%add3A_54, %dma_start3A_57] : memref<10240x32xf32, #tpu.memory_space<vmem_shared>> -> memref<64x32xf32, #tpu.memory_space<vmem_shared>>
    tpu.enqueue_dma source(%arg12 : memref<64x32xf32, #tpu.memory_space<vmem>>) target(%dma_start3A_58 : memref<64x32xf32, #tpu.memory_space<vmem_shared>>) target_semaphore(%arg23 : memref<!tpu.dma_semaphore, #tpu.memory_space<semaphore_mem>>)
    %add3A_59 = arith.constant 0 : i32
    %add3A_60 = arith.addi %mul3A_34, %add3A_59 : i32
    %dma_wait3A = arith.constant 0 : i32
    %dma_wait3A_61 = tpu.memref_slice %arg14[%add3A_60, %dma_wait3A] : memref<10240x32xf32, #tpu.memory_space<vmem_shared>> -> memref<64x32xf32, #tpu.memory_space<vmem_shared>>
    %dma_wait3A_62 = arith.constant 0 : i32
    %dma_wait3A_63 = tpu.memref_slice %arg14[%add3A_60, %dma_wait3A_62] : memref<10240x32xf32, #tpu.memory_space<vmem_shared>> -> memref<64x32xf32, #tpu.memory_space<vmem_shared>>
    tpu.wait_dma2 semaphore(%arg20 : memref<!tpu.dma_semaphore, #tpu.memory_space<semaphore_mem>>) src(%arg12 : memref<64x32xf32, #tpu.memory_space<vmem>>) dst(%dma_wait3A_63 : memref<64x32xf32, #tpu.memory_space<vmem_shared>>)
    %add3A_64 = arith.constant 256 : i32
    %add3A_65 = arith.addi %mul3A_34, %add3A_64 : i32
    %dma_start3A_66 = arith.constant 0 : i32
    %dma_start3A_67 = tpu.memref_slice %arg14[%add3A_65, %dma_start3A_66] : memref<10240x32xf32, #tpu.memory_space<vmem_shared>> -> memref<64x32xf32, #tpu.memory_space<vmem_shared>>
    %dma_start3A_68 = arith.constant 0 : i32
    %dma_start3A_69 = tpu.memref_slice %arg14[%add3A_65, %dma_start3A_68] : memref<10240x32xf32, #tpu.memory_space<vmem_shared>> -> memref<64x32xf32, #tpu.memory_space<vmem_shared>>
    tpu.enqueue_dma source(%arg12 : memref<64x32xf32, #tpu.memory_space<vmem>>) target(%dma_start3A_69 : memref<64x32xf32, #tpu.memory_space<vmem_shared>>) target_semaphore(%arg20 : memref<!tpu.dma_semaphore, #tpu.memory_space<semaphore_mem>>)
    %add3A_70 = arith.constant 64 : i32
    %add3A_71 = arith.addi %mul3A_34, %add3A_70 : i32
    %dma_wait3A_72 = arith.constant 0 : i32
    %dma_wait3A_73 = tpu.memref_slice %arg14[%add3A_71, %dma_wait3A_72] : memref<10240x32xf32, #tpu.memory_space<vmem_shared>> -> memref<64x32xf32, #tpu.memory_space<vmem_shared>>
    %dma_wait3A_74 = arith.constant 0 : i32
    %dma_wait3A_75 = tpu.memref_slice %arg14[%add3A_71, %dma_wait3A_74] : memref<10240x32xf32, #tpu.memory_space<vmem_shared>> -> memref<64x32xf32, #tpu.memory_space<vmem_shared>>
    tpu.wait_dma2 semaphore(%arg21 : memref<!tpu.dma_semaphore, #tpu.memory_space<semaphore_mem>>) src(%arg12 : memref<64x32xf32, #tpu.memory_space<vmem>>) dst(%dma_wait3A_75 : memref<64x32xf32, #tpu.memory_space<vmem_shared>>)
    %add3A_76 = arith.constant 320 : i32
    %add3A_77 = arith.addi %mul3A_34, %add3A_76 : i32
    %dma_start3A_78 = arith.constant 0 : i32
    %dma_start3A_79 = tpu.memref_slice %arg14[%add3A_77, %dma_start3A_78] : memref<10240x32xf32, #tpu.memory_space<vmem_shared>> -> memref<64x32xf32, #tpu.memory_space<vmem_shared>>
    %dma_start3A_80 = arith.constant 0 : i32
    %dma_start3A_81 = tpu.memref_slice %arg14[%add3A_77, %dma_start3A_80] : memref<10240x32xf32, #tpu.memory_space<vmem_shared>> -> memref<64x32xf32, #tpu.memory_space<vmem_shared>>
    tpu.enqueue_dma source(%arg12 : memref<64x32xf32, #tpu.memory_space<vmem>>) target(%dma_start3A_81 : memref<64x32xf32, #tpu.memory_space<vmem_shared>>) target_semaphore(%arg21 : memref<!tpu.dma_semaphore, #tpu.memory_space<semaphore_mem>>)
    %add3A_82 = arith.constant 128 : i32
    %add3A_83 = arith.addi %mul3A_34, %add3A_82 : i32
    %dma_wait3A_84 = arith.constant 0 : i32
    %dma_wait3A_85 = tpu.memref_slice %arg14[%add3A_83, %dma_wait3A_84] : memref<10240x32xf32, #tpu.memory_space<vmem_shared>> -> memref<64x32xf32, #tpu.memory_space<vmem_shared>>
    %dma_wait3A_86 = arith.constant 0 : i32
    %dma_wait3A_87 = tpu.memref_slice %arg14[%add3A_83, %dma_wait3A_86] : memref<10240x32xf32, #tpu.memory_space<vmem_shared>> -> memref<64x32xf32, #tpu.memory_space<vmem_shared>>
    tpu.wait_dma2 semaphore(%arg22 : memref<!tpu.dma_semaphore, #tpu.memory_space<semaphore_mem>>) src(%arg12 : memref<64x32xf32, #tpu.memory_space<vmem>>) dst(%dma_wait3A_87 : memref<64x32xf32, #tpu.memory_space<vmem_shared>>)
    %add3A_88 = arith.constant 384 : i32
    %add3A_89 = arith.addi %mul3A_34, %add3A_88 : i32
    %dma_start3A_90 = arith.constant 0 : i32
    %dma_start3A_91 = tpu.memref_slice %arg14[%add3A_89, %dma_start3A_90] : memref<10240x32xf32, #tpu.memory_space<vmem_shared>> -> memref<64x32xf32, #tpu.memory_space<vmem_shared>>
    %dma_start3A_92 = arith.constant 0 : i32
    %dma_start3A_93 = tpu.memref_slice %arg14[%add3A_89, %dma_start3A_92] : memref<10240x32xf32, #tpu.memory_space<vmem_shared>> -> memref<64x32xf32, #tpu.memory_space<vmem_shared>>
    tpu.enqueue_dma source(%arg12 : memref<64x32xf32, #tpu.memory_space<vmem>>) target(%dma_start3A_93 : memref<64x32xf32, #tpu.memory_space<vmem_shared>>) target_semaphore(%arg22 : memref<!tpu.dma_semaphore, #tpu.memory_space<semaphore_mem>>)
    %add3A_94 = arith.constant 192 : i32
    %add3A_95 = arith.addi %mul3A_34, %add3A_94 : i32
    %dma_wait3A_96 = arith.constant 0 : i32
    %dma_wait3A_97 = tpu.memref_slice %arg14[%add3A_95, %dma_wait3A_96] : memref<10240x32xf32, #tpu.memory_space<vmem_shared>> -> memref<64x32xf32, #tpu.memory_space<vmem_shared>>
    %dma_wait3A_98 = arith.constant 0 : i32
    %dma_wait3A_99 = tpu.memref_slice %arg14[%add3A_95, %dma_wait3A_98] : memref<10240x32xf32, #tpu.memory_space<vmem_shared>> -> memref<64x32xf32, #tpu.memory_space<vmem_shared>>
    tpu.wait_dma2 semaphore(%arg23 : memref<!tpu.dma_semaphore, #tpu.memory_space<semaphore_mem>>) src(%arg12 : memref<64x32xf32, #tpu.memory_space<vmem>>) dst(%dma_wait3A_99 : memref<64x32xf32, #tpu.memory_space<vmem_shared>>)
    %add3A_100 = arith.constant 448 : i32
    %add3A_101 = arith.addi %mul3A_34, %add3A_100 : i32
    %dma_start3A_102 = arith.constant 0 : i32
    %dma_start3A_103 = tpu.memref_slice %arg14[%add3A_101, %dma_start3A_102] : memref<10240x32xf32, #tpu.memory_space<vmem_shared>> -> memref<64x32xf32, #tpu.memory_space<vmem_shared>>
    %dma_start3A_104 = arith.constant 0 : i32
    %dma_start3A_105 = tpu.memref_slice %arg14[%add3A_101, %dma_start3A_104] : memref<10240x32xf32, #tpu.memory_space<vmem_shared>> -> memref<64x32xf32, #tpu.memory_space<vmem_shared>>
    tpu.enqueue_dma source(%arg12 : memref<64x32xf32, #tpu.memory_space<vmem>>) target(%dma_start3A_105 : memref<64x32xf32, #tpu.memory_space<vmem_shared>>) target_semaphore(%arg23 : memref<!tpu.dma_semaphore, #tpu.memory_space<semaphore_mem>>)
    %add3A_106 = arith.constant 256 : i32
    %add3A_107 = arith.addi %mul3A_34, %add3A_106 : i32
    %dma_wait3A_108 = arith.constant 0 : i32
    %dma_wait3A_109 = tpu.memref_slice %arg14[%add3A_107, %dma_wait3A_108] : memref<10240x32xf32, #tpu.memory_space<vmem_shared>> -> memref<64x32xf32, #tpu.memory_space<vmem_shared>>
    %dma_wait3A_110 = arith.constant 0 : i32
    %dma_wait3A_111 = tpu.memref_slice %arg14[%add3A_107, %dma_wait3A_110] : memref<10240x32xf32, #tpu.memory_space<vmem_shared>> -> memref<64x32xf32, #tpu.memory_space<vmem_shared>>
    tpu.wait_dma2 semaphore(%arg20 : memref<!tpu.dma_semaphore, #tpu.memory_space<semaphore_mem>>) src(%arg12 : memref<64x32xf32, #tpu.memory_space<vmem>>) dst(%dma_wait3A_111 : memref<64x32xf32, #tpu.memory_space<vmem_shared>>)
    %add3A_112 = arith.constant 512 : i32
    %add3A_113 = arith.addi %mul3A_34, %add3A_112 : i32
    %dma_start3A_114 = arith.constant 0 : i32
    %dma_start3A_115 = tpu.memref_slice %arg14[%add3A_113, %dma_start3A_114] : memref<10240x32xf32, #tpu.memory_space<vmem_shared>> -> memref<64x32xf32, #tpu.memory_space<vmem_shared>>
    %dma_start3A_116 = arith.constant 0 : i32
    %dma_start3A_117 = tpu.memref_slice %arg14[%add3A_113, %dma_start3A_116] : memref<10240x32xf32, #tpu.memory_space<vmem_shared>> -> memref<64x32xf32, #tpu.memory_space<vmem_shared>>
    tpu.enqueue_dma source(%arg12 : memref<64x32xf32, #tpu.memory_space<vmem>>) target(%dma_start3A_117 : memref<64x32xf32, #tpu.memory_space<vmem_shared>>) target_semaphore(%arg20 : memref<!tpu.dma_semaphore, #tpu.memory_space<semaphore_mem>>)
    %add3A_118 = arith.constant 320 : i32
    %add3A_119 = arith.addi %mul3A_34, %add3A_118 : i32
    %dma_wait3A_120 = arith.constant 0 : i32
    %dma_wait3A_121 = tpu.memref_slice %arg14[%add3A_119, %dma_wait3A_120] : memref<10240x32xf32, #tpu.memory_space<vmem_shared>> -> memref<64x32xf32, #tpu.memory_space<vmem_shared>>
    %dma_wait3A_122 = arith.constant 0 : i32
    %dma_wait3A_123 = tpu.memref_slice %arg14[%add3A_119, %dma_wait3A_122] : memref<10240x32xf32, #tpu.memory_space<vmem_shared>> -> memref<64x32xf32, #tpu.memory_space<vmem_shared>>
    tpu.wait_dma2 semaphore(%arg21 : memref<!tpu.dma_semaphore, #tpu.memory_space<semaphore_mem>>) src(%arg12 : memref<64x32xf32, #tpu.memory_space<vmem>>) dst(%dma_wait3A_123 : memref<64x32xf32, #tpu.memory_space<vmem_shared>>)
    %add3A_124 = arith.constant 576 : i32
    %add3A_125 = arith.addi %mul3A_34, %add3A_124 : i32
    %dma_start3A_126 = arith.constant 0 : i32
    %dma_start3A_127 = tpu.memref_slice %arg14[%add3A_125, %dma_start3A_126] : memref<10240x32xf32, #tpu.memory_space<vmem_shared>> -> memref<64x32xf32, #tpu.memory_space<vmem_shared>>
    %dma_start3A_128 = arith.constant 0 : i32
    %dma_start3A_129 = tpu.memref_slice %arg14[%add3A_125, %dma_start3A_128] : memref<10240x32xf32, #tpu.memory_space<vmem_shared>> -> memref<64x32xf32, #tpu.memory_space<vmem_shared>>
    tpu.enqueue_dma source(%arg12 : memref<64x32xf32, #tpu.memory_space<vmem>>) target(%dma_start3A_129 : memref<64x32xf32, #tpu.memory_space<vmem_shared>>) target_semaphore(%arg21 : memref<!tpu.dma_semaphore, #tpu.memory_space<semaphore_mem>>)
    %dma_wait3A_130 = arith.constant 0 : i32
    %dma_wait3A_131 = arith.constant 0 : i32
    %dma_wait3A_132 = tpu.memref_slice %arg13[%dma_wait3A_130, %dma_wait3A_131] : memref<640x32xf32, #tpu.memory_space<vmem>> -> memref<625x32xf32, #tpu.memory_space<vmem>>
    %dma_wait3A_133 = arith.constant 0 : i32
    %dma_wait3A_134 = tpu.memref_slice %arg2[%mul3A_17, %dma_wait3A_133] : memref<10000x32xf32, #tpu.memory_space<hbm>> -> memref<625x32xf32, #tpu.memory_space<hbm>>
    %dma_wait3A_135 = arith.constant 0 : i32
    %dma_wait3A_136 = arith.constant 0 : i32
    %dma_wait3A_137 = tpu.memref_slice %arg13[%dma_wait3A_135, %dma_wait3A_136] : memref<640x32xf32, #tpu.memory_space<vmem>> -> memref<625x32xf32, #tpu.memory_space<vmem>>
    %dma_wait3A_138 = arith.constant 0 : i32
    %dma_wait3A_139 = tpu.memref_slice %arg2[%mul3A_17, %dma_wait3A_138] : memref<10000x32xf32, #tpu.memory_space<hbm>> -> memref<625x32xf32, #tpu.memory_space<hbm>>
    tpu.wait_dma2 semaphore(%arg18 : memref<!tpu.dma_semaphore, #tpu.memory_space<semaphore_mem>>) src(%dma_wait3A_139 : memref<625x32xf32, #tpu.memory_space<hbm>>) dst(%dma_wait3A_137 : memref<625x32xf32, #tpu.memory_space<vmem>>)
    %mul3A_140 = arith.constant 625 : i32
    %mul3A_141 = arith.muli %arg1, %mul3A_140 : i32
    %dma_start3A_142 = arith.constant 0 : i32
    %dma_start3A_143 = arith.constant 0 : i32
    %dma_start3A_144 = tpu.memref_slice %arg13[%dma_start3A_142, %dma_start3A_143] : memref<640x32xf32, #tpu.memory_space<vmem>> -> memref<625x32xf32, #tpu.memory_space<vmem>>
    %dma_start3A_145 = arith.constant 0 : i32
    %dma_start3A_146 = tpu.memref_slice %arg15[%mul3A_141, %dma_start3A_145] : memref<10000x32xf32, #tpu.memory_space<vmem_shared>> -> memref<625x32xf32, #tpu.memory_space<vmem_shared>>
    %dma_start3A_147 = arith.constant 0 : i32
    %dma_start3A_148 = tpu.memref_slice %arg15[%mul3A_141, %dma_start3A_147] : memref<10000x32xf32, #tpu.memory_space<vmem_shared>> -> memref<625x32xf32, #tpu.memory_space<vmem_shared>>
    %dma_start3A_149 = arith.constant 0 : i32
    %dma_start3A_150 = arith.constant 0 : i32
    %dma_start3A_151 = tpu.memref_slice %arg13[%dma_start3A_149, %dma_start3A_150] : memref<640x32xf32, #tpu.memory_space<vmem>> -> memref<625x32xf32, #tpu.memory_space<vmem>>
    tpu.enqueue_dma source(%dma_start3A_151 : memref<625x32xf32, #tpu.memory_space<vmem>>) target(%dma_start3A_148 : memref<625x32xf32, #tpu.memory_space<vmem_shared>>) target_semaphore(%arg19 : memref<!tpu.dma_semaphore, #tpu.memory_space<semaphore_mem>>)
    %dma_wait3A_152 = arith.constant 0 : i32
    %dma_wait3A_153 = tpu.memref_slice %arg3[%select_n3A_8, %dma_wait3A_152] : memref<2640x128xi32, #tpu.memory_space<hbm>> -> memref<80x128xi32, #tpu.memory_space<hbm>>
    %dma_wait3A_154 = arith.constant 0 : i32
    %dma_wait3A_155 = tpu.memref_slice %arg3[%select_n3A_8, %dma_wait3A_154] : memref<2640x128xi32, #tpu.memory_space<hbm>> -> memref<80x128xi32, #tpu.memory_space<hbm>>
    tpu.wait_dma2 semaphore(%arg16 : memref<!tpu.dma_semaphore, #tpu.memory_space<semaphore_mem>>) src(%dma_wait3A_155 : memref<80x128xi32, #tpu.memory_space<hbm>>) dst(%arg6 : memref<80x128xi32, #tpu.memory_space<vmem>>)
    %dma_wait3A_156 = arith.constant 0 : i32
    %dma_wait3A_157 = tpu.memref_slice %arg4[%select_n3A_8, %dma_wait3A_156] : memref<2640x128xi32, #tpu.memory_space<hbm>> -> memref<80x128xi32, #tpu.memory_space<hbm>>
    %dma_wait3A_158 = arith.constant 0 : i32
    %dma_wait3A_159 = tpu.memref_slice %arg4[%select_n3A_8, %dma_wait3A_158] : memref<2640x128xi32, #tpu.memory_space<hbm>> -> memref<80x128xi32, #tpu.memory_space<hbm>>
    tpu.wait_dma2 semaphore(%arg17 : memref<!tpu.dma_semaphore, #tpu.memory_space<semaphore_mem>>) src(%dma_wait3A_159 : memref<80x128xi32, #tpu.memory_space<hbm>>) dst(%arg7 : memref<80x128xi32, #tpu.memory_space<vmem>>)
    %add3A_160 = arith.constant 384 : i32
    %add3A_161 = arith.addi %mul3A_34, %add3A_160 : i32
    %dma_wait3A_162 = arith.constant 0 : i32
    %dma_wait3A_163 = tpu.memref_slice %arg14[%add3A_161, %dma_wait3A_162] : memref<10240x32xf32, #tpu.memory_space<vmem_shared>> -> memref<64x32xf32, #tpu.memory_space<vmem_shared>>
    %dma_wait3A_164 = arith.constant 0 : i32
    %dma_wait3A_165 = tpu.memref_slice %arg14[%add3A_161, %dma_wait3A_164] : memref<10240x32xf32, #tpu.memory_space<vmem_shared>> -> memref<64x32xf32, #tpu.memory_space<vmem_shared>>
    tpu.wait_dma2 semaphore(%arg22 : memref<!tpu.dma_semaphore, #tpu.memory_space<semaphore_mem>>) src(%arg12 : memref<64x32xf32, #tpu.memory_space<vmem>>) dst(%dma_wait3A_165 : memref<64x32xf32, #tpu.memory_space<vmem_shared>>)
    %add3A_166 = arith.constant 448 : i32
    %add3A_167 = arith.addi %mul3A_34, %add3A_166 : i32
    %dma_wait3A_168 = arith.constant 0 : i32
    %dma_wait3A_169 = tpu.memref_slice %arg14[%add3A_167, %dma_wait3A_168] : memref<10240x32xf32, #tpu.memory_space<vmem_shared>> -> memref<64x32xf32, #tpu.memory_space<vmem_shared>>
    %dma_wait3A_170 = arith.constant 0 : i32
    %dma_wait3A_171 = tpu.memref_slice %arg14[%add3A_167, %dma_wait3A_170] : memref<10240x32xf32, #tpu.memory_space<vmem_shared>> -> memref<64x32xf32, #tpu.memory_space<vmem_shared>>
    tpu.wait_dma2 semaphore(%arg23 : memref<!tpu.dma_semaphore, #tpu.memory_space<semaphore_mem>>) src(%arg12 : memref<64x32xf32, #tpu.memory_space<vmem>>) dst(%dma_wait3A_171 : memref<64x32xf32, #tpu.memory_space<vmem_shared>>)
    %add3A_172 = arith.constant 512 : i32
    %add3A_173 = arith.addi %mul3A_34, %add3A_172 : i32
    %dma_wait3A_174 = arith.constant 0 : i32
    %dma_wait3A_175 = tpu.memref_slice %arg14[%add3A_173, %dma_wait3A_174] : memref<10240x32xf32, #tpu.memory_space<vmem_shared>> -> memref<64x32xf32, #tpu.memory_space<vmem_shared>>
    %dma_wait3A_176 = arith.constant 0 : i32
    %dma_wait3A_177 = tpu.memref_slice %arg14[%add3A_173, %dma_wait3A_176] : memref<10240x32xf32, #tpu.memory_space<vmem_shared>> -> memref<64x32xf32, #tpu.memory_space<vmem_shared>>
    tpu.wait_dma2 semaphore(%arg20 : memref<!tpu.dma_semaphore, #tpu.memory_space<semaphore_mem>>) src(%arg12 : memref<64x32xf32, #tpu.memory_space<vmem>>) dst(%dma_wait3A_177 : memref<64x32xf32, #tpu.memory_space<vmem_shared>>)
    %add3A_178 = arith.constant 576 : i32
    %add3A_179 = arith.addi %mul3A_34, %add3A_178 : i32
    %dma_wait3A_180 = arith.constant 0 : i32
    %dma_wait3A_181 = tpu.memref_slice %arg14[%add3A_179, %dma_wait3A_180] : memref<10240x32xf32, #tpu.memory_space<vmem_shared>> -> memref<64x32xf32, #tpu.memory_space<vmem_shared>>
    %dma_wait3A_182 = arith.constant 0 : i32
    %dma_wait3A_183 = tpu.memref_slice %arg14[%add3A_179, %dma_wait3A_182] : memref<10240x32xf32, #tpu.memory_space<vmem_shared>> -> memref<64x32xf32, #tpu.memory_space<vmem_shared>>
    tpu.wait_dma2 semaphore(%arg21 : memref<!tpu.dma_semaphore, #tpu.memory_space<semaphore_mem>>) src(%arg12 : memref<64x32xf32, #tpu.memory_space<vmem>>) dst(%dma_wait3A_183 : memref<64x32xf32, #tpu.memory_space<vmem_shared>>)
    %dma_wait3A_184 = arith.constant 0 : i32
    %dma_wait3A_185 = arith.constant 0 : i32
    %dma_wait3A_186 = tpu.memref_slice %arg13[%dma_wait3A_184, %dma_wait3A_185] : memref<640x32xf32, #tpu.memory_space<vmem>> -> memref<625x32xf32, #tpu.memory_space<vmem>>
    %dma_wait3A_187 = arith.constant 0 : i32
    %dma_wait3A_188 = tpu.memref_slice %arg15[%mul3A_141, %dma_wait3A_187] : memref<10000x32xf32, #tpu.memory_space<vmem_shared>> -> memref<625x32xf32, #tpu.memory_space<vmem_shared>>
    %dma_wait3A_189 = arith.constant 0 : i32
    %dma_wait3A_190 = tpu.memref_slice %arg15[%mul3A_141, %dma_wait3A_189] : memref<10000x32xf32, #tpu.memory_space<vmem_shared>> -> memref<625x32xf32, #tpu.memory_space<vmem_shared>>
    %dma_wait3A_191 = arith.constant 0 : i32
    %dma_wait3A_192 = arith.constant 0 : i32
    %dma_wait3A_193 = tpu.memref_slice %arg13[%dma_wait3A_191, %dma_wait3A_192] : memref<640x32xf32, #tpu.memory_space<vmem>> -> memref<625x32xf32, #tpu.memory_space<vmem>>
    tpu.wait_dma2 semaphore(%arg19 : memref<!tpu.dma_semaphore, #tpu.memory_space<semaphore_mem>>) src(%dma_wait3A_193 : memref<625x32xf32, #tpu.memory_space<vmem>>) dst(%dma_wait3A_190 : memref<625x32xf32, #tpu.memory_space<vmem_shared>>)
    %barrier3A = arith.constant 0 : index
    tpu.barrier barrier_id(%barrier3A)
    %dma_start3A_194 = arith.constant 0 : i32
    %dma_start3A_195 = arith.constant 0 : i32
    %dma_start3A_196 = tpu.memref_slice %arg6[%dma_start3A_194, %dma_start3A_195] : memref<80x128xi32, #tpu.memory_space<vmem>> -> memref<1x128xi32, #tpu.memory_space<vmem>>
    %dma_start3A_197 = tpu.memref_squeeze %dma_start3A_196 : memref<1x128xi32, #tpu.memory_space<vmem>> -> memref<128xi32, #tpu.memory_space<vmem>>
    %dma_start3A_198 = arith.constant 0 : i32
    %dma_start3A_199 = arith.constant 0 : i32
    %dma_start3A_200 = tpu.memref_slice %arg15[%dma_start3A_198, %dma_start3A_199] : memref<10000x32xf32, #tpu.memory_space<vmem_shared>> -> memref<10000x32xf32, #tpu.memory_space<vmem_shared>>
    tpu.enqueue_indirect_dma source(%dma_start3A_200 : memref<10000x32xf32, #tpu.memory_space<vmem_shared>>) target(%arg8 : memref<128x32xf32, #tpu.memory_space<vmem>>) offsets(%dma_start3A_197 : memref<128xi32, #tpu.memory_space<vmem>>) semaphore(%arg16 : memref<!tpu.dma_semaphore, #tpu.memory_space<semaphore_mem>>)
    %dma_start3A_201 = arith.constant 1 : i32
    %dma_start3A_202 = arith.constant 0 : i32
    %dma_start3A_203 = tpu.memref_slice %arg6[%dma_start3A_201, %dma_start3A_202] : memref<80x128xi32, #tpu.memory_space<vmem>> -> memref<1x128xi32, #tpu.memory_space<vmem>>
    %dma_start3A_204 = tpu.memref_squeeze %dma_start3A_203 : memref<1x128xi32, #tpu.memory_space<vmem>> -> memref<128xi32, #tpu.memory_space<vmem>>
    %dma_start3A_205 = arith.constant 0 : i32
    %dma_start3A_206 = arith.constant 0 : i32
    %dma_start3A_207 = tpu.memref_slice %arg15[%dma_start3A_205, %dma_start3A_206] : memref<10000x32xf32, #tpu.memory_space<vmem_shared>> -> memref<10000x32xf32, #tpu.memory_space<vmem_shared>>
    tpu.enqueue_indirect_dma source(%dma_start3A_207 : memref<10000x32xf32, #tpu.memory_space<vmem_shared>>) target(%arg9 : memref<128x32xf32, #tpu.memory_space<vmem>>) offsets(%dma_start3A_204 : memref<128xi32, #tpu.memory_space<vmem>>) semaphore(%arg17 : memref<!tpu.dma_semaphore, #tpu.memory_space<semaphore_mem>>)
    %sub3A = arith.constant 0 : i32
    %sub3A_208 = arith.subi %select_n3A, %sub3A : i32
    %sub3A_209 = arith.constant 4 : i32
    %sub3A_210 = arith.constant 1 : i32
    %sub3A_211 = arith.subi %sub3A_209, %sub3A_210 : i32
    %add3A_212 = arith.addi %sub3A_208, %sub3A_211 : i32
    %div3A = arith.constant 4 : i32
    %div3A_213 = arith.divsi %add3A_212, %div3A : i32
    %while3A = arith.constant 4 : i32
    %while3A_214 = arith.constant 0 : i32
    %while3A_215 = arith.constant 0 : i32
    %while3A_216 = arith.subi %div3A_213, %while3A_215 : i32
    %while3A_217 = arith.addi %while3A_215, %while3A_216 : i32
    %while3A_218 = arith.constant 1 : i32
    %while3A_219 = arith.divsi %while3A_216, %while3A_218 : i32
    %while3A_220 = arith.muli %while3A_219, %while3A_218 : i32
    %while3A_221 = arith.addi %while3A_215, %while3A_220 : i32
    %while3A_222 = arith.constant 1 : i32
    scf.for %while3A_245 = %while3A_215 to %while3A_221 step %while3A_222  : i32 {
      %mul3A_246 = arith.muli %while3A_245, %while3A : i32
      %add3A_247 = arith.addi %while3A_214, %mul3A_246 : i32
      %add3A_248 = arith.constant 0 : i32
      %add3A_249 = arith.addi %add3A_247, %add3A_248 : i32
      %sub3A_250 = arith.constant 2 : i32
      %sub3A_251 = arith.subi %add3A_249, %sub3A_250 : i32
      %ge3A = arith.constant 0 : i32
      %ge3A_252 = arith.cmpi sge, %sub3A_251, %ge3A : i32
      %convert_element_type3A = arith.extui %ge3A_252 : i1 to i32
      %cond3A = arith.constant 0 : i32
      %cond3A_253 = arith.cmpi ne, %convert_element_type3A, %cond3A : i32
      scf.if %cond3A_253 {
        %sub3A_352 = arith.constant 2 : i32
        %sub3A_353 = arith.subi %add3A_249, %sub3A_352 : i32
        %dma_wait3A_354 = arith.constant 0 : i32
        %dma_wait3A_355 = tpu.memref_slice %arg7[%sub3A_353, %dma_wait3A_354] : memref<80x128xi32, #tpu.memory_space<vmem>> -> memref<1x128xi32, #tpu.memory_space<vmem>>
        %dma_wait3A_356 = tpu.memref_squeeze %dma_wait3A_355 : memref<1x128xi32, #tpu.memory_space<vmem>> -> memref<128xi32, #tpu.memory_space<vmem>>
        %dma_wait3A_357 = arith.constant 0 : i32
        %dma_wait3A_358 = arith.constant 0 : i32
        %dma_wait3A_359 = tpu.memref_slice %arg14[%dma_wait3A_357, %dma_wait3A_358] : memref<10240x32xf32, #tpu.memory_space<vmem_shared>> -> memref<10240x32xf32, #tpu.memory_space<vmem_shared>>
        tpu.wait_indirect_dma semaphore(%arg22 : memref<!tpu.dma_semaphore, #tpu.memory_space<semaphore_mem>>) src(%arg10 : memref<128x32xf32, #tpu.memory_space<vmem>>) dst(%dma_wait3A_359 : memref<10240x32xf32, #tpu.memory_space<vmem_shared>>)
      } else {
      }
      %add3A_254 = arith.constant 2 : i32
      %add3A_255 = arith.addi %add3A_249, %add3A_254 : i32
      %lt3A = arith.cmpi slt, %add3A_255, %select_n3A : i32
      %convert_element_type3A_256 = arith.extui %lt3A : i1 to i32
      %cond3A_257 = arith.constant 0 : i32
      %cond3A_258 = arith.cmpi ne, %convert_element_type3A_256, %cond3A_257 : i32
      scf.if %cond3A_258 {
        %add3A_352 = arith.constant 2 : i32
        %add3A_353 = arith.addi %add3A_249, %add3A_352 : i32
        %dma_start3A_354 = arith.constant 0 : i32
        %dma_start3A_355 = tpu.memref_slice %arg6[%add3A_353, %dma_start3A_354] : memref<80x128xi32, #tpu.memory_space<vmem>> -> memref<1x128xi32, #tpu.memory_space<vmem>>
        %dma_start3A_356 = tpu.memref_squeeze %dma_start3A_355 : memref<1x128xi32, #tpu.memory_space<vmem>> -> memref<128xi32, #tpu.memory_space<vmem>>
        %dma_start3A_357 = arith.constant 0 : i32
        %dma_start3A_358 = arith.constant 0 : i32
        %dma_start3A_359 = tpu.memref_slice %arg15[%dma_start3A_357, %dma_start3A_358] : memref<10000x32xf32, #tpu.memory_space<vmem_shared>> -> memref<10000x32xf32, #tpu.memory_space<vmem_shared>>
        tpu.enqueue_indirect_dma source(%dma_start3A_359 : memref<10000x32xf32, #tpu.memory_space<vmem_shared>>) target(%arg10 : memref<128x32xf32, #tpu.memory_space<vmem>>) offsets(%dma_start3A_356 : memref<128xi32, #tpu.memory_space<vmem>>) semaphore(%arg18 : memref<!tpu.dma_semaphore, #tpu.memory_space<semaphore_mem>>)
      } else {
      }
      %dma_wait3A_259 = arith.constant 0 : i32
      %dma_wait3A_260 = tpu.memref_slice %arg6[%add3A_249, %dma_wait3A_259] : memref<80x128xi32, #tpu.memory_space<vmem>> -> memref<1x128xi32, #tpu.memory_space<vmem>>
      %dma_wait3A_261 = tpu.memref_squeeze %dma_wait3A_260 : memref<1x128xi32, #tpu.memory_space<vmem>> -> memref<128xi32, #tpu.memory_space<vmem>>
      %dma_wait3A_262 = arith.constant 0 : i32
      %dma_wait3A_263 = arith.constant 0 : i32
      %dma_wait3A_264 = tpu.memref_slice %arg15[%dma_wait3A_262, %dma_wait3A_263] : memref<10000x32xf32, #tpu.memory_space<vmem_shared>> -> memref<10000x32xf32, #tpu.memory_space<vmem_shared>>
      tpu.wait_indirect_dma semaphore(%arg16 : memref<!tpu.dma_semaphore, #tpu.memory_space<semaphore_mem>>) src(%dma_wait3A_264 : memref<10000x32xf32, #tpu.memory_space<vmem_shared>>) dst(%arg8 : memref<128x32xf32, #tpu.memory_space<vmem>>)
      %dma_start3A_265 = arith.constant 0 : i32
      %dma_start3A_266 = tpu.memref_slice %arg7[%add3A_249, %dma_start3A_265] : memref<80x128xi32, #tpu.memory_space<vmem>> -> memref<1x128xi32, #tpu.memory_space<vmem>>
      %dma_start3A_267 = tpu.memref_squeeze %dma_start3A_266 : memref<1x128xi32, #tpu.memory_space<vmem>> -> memref<128xi32, #tpu.memory_space<vmem>>
      %dma_start3A_268 = arith.constant 0 : i32
      %dma_start3A_269 = arith.constant 0 : i32
      %dma_start3A_270 = tpu.memref_slice %arg14[%dma_start3A_268, %dma_start3A_269] : memref<10240x32xf32, #tpu.memory_space<vmem_shared>> -> memref<10240x32xf32, #tpu.memory_space<vmem_shared>>
      tpu.enqueue_indirect_dma source(%arg8 : memref<128x32xf32, #tpu.memory_space<vmem>>) target(%dma_start3A_270 : memref<10240x32xf32, #tpu.memory_space<vmem_shared>>) offsets(%dma_start3A_267 : memref<128xi32, #tpu.memory_space<vmem>>) semaphore(%arg20 : memref<!tpu.dma_semaphore, #tpu.memory_space<semaphore_mem>>) {add = true}
      %add3A_271 = arith.constant 1 : i32
      %add3A_272 = arith.addi %add3A_247, %add3A_271 : i32
      %sub3A_273 = arith.constant 2 : i32
      %sub3A_274 = arith.subi %add3A_272, %sub3A_273 : i32
      %ge3A_275 = arith.constant 0 : i32
      %ge3A_276 = arith.cmpi sge, %sub3A_274, %ge3A_275 : i32
      %convert_element_type3A_277 = arith.extui %ge3A_276 : i1 to i32
      %cond3A_278 = arith.constant 0 : i32
      %cond3A_279 = arith.cmpi ne, %convert_element_type3A_277, %cond3A_278 : i32
      scf.if %cond3A_279 {
        %sub3A_352 = arith.constant 2 : i32
        %sub3A_353 = arith.subi %add3A_272, %sub3A_352 : i32
        %dma_wait3A_354 = arith.constant 0 : i32
        %dma_wait3A_355 = tpu.memref_slice %arg7[%sub3A_353, %dma_wait3A_354] : memref<80x128xi32, #tpu.memory_space<vmem>> -> memref<1x128xi32, #tpu.memory_space<vmem>>
        %dma_wait3A_356 = tpu.memref_squeeze %dma_wait3A_355 : memref<1x128xi32, #tpu.memory_space<vmem>> -> memref<128xi32, #tpu.memory_space<vmem>>
        %dma_wait3A_357 = arith.constant 0 : i32
        %dma_wait3A_358 = arith.constant 0 : i32
        %dma_wait3A_359 = tpu.memref_slice %arg14[%dma_wait3A_357, %dma_wait3A_358] : memref<10240x32xf32, #tpu.memory_space<vmem_shared>> -> memref<10240x32xf32, #tpu.memory_space<vmem_shared>>
        tpu.wait_indirect_dma semaphore(%arg23 : memref<!tpu.dma_semaphore, #tpu.memory_space<semaphore_mem>>) src(%arg11 : memref<128x32xf32, #tpu.memory_space<vmem>>) dst(%dma_wait3A_359 : memref<10240x32xf32, #tpu.memory_space<vmem_shared>>)
      } else {
      }
      %add3A_280 = arith.constant 2 : i32
      %add3A_281 = arith.addi %add3A_272, %add3A_280 : i32
      %lt3A_282 = arith.cmpi slt, %add3A_281, %select_n3A : i32
      %convert_element_type3A_283 = arith.extui %lt3A_282 : i1 to i32
      %cond3A_284 = arith.constant 0 : i32
      %cond3A_285 = arith.cmpi ne, %convert_element_type3A_283, %cond3A_284 : i32
      scf.if %cond3A_285 {
        %add3A_352 = arith.constant 2 : i32
        %add3A_353 = arith.addi %add3A_272, %add3A_352 : i32
        %dma_start3A_354 = arith.constant 0 : i32
        %dma_start3A_355 = tpu.memref_slice %arg6[%add3A_353, %dma_start3A_354] : memref<80x128xi32, #tpu.memory_space<vmem>> -> memref<1x128xi32, #tpu.memory_space<vmem>>
        %dma_start3A_356 = tpu.memref_squeeze %dma_start3A_355 : memref<1x128xi32, #tpu.memory_space<vmem>> -> memref<128xi32, #tpu.memory_space<vmem>>
        %dma_start3A_357 = arith.constant 0 : i32
        %dma_start3A_358 = arith.constant 0 : i32
        %dma_start3A_359 = tpu.memref_slice %arg15[%dma_start3A_357, %dma_start3A_358] : memref<10000x32xf32, #tpu.memory_space<vmem_shared>> -> memref<10000x32xf32, #tpu.memory_space<vmem_shared>>
        tpu.enqueue_indirect_dma source(%dma_start3A_359 : memref<10000x32xf32, #tpu.memory_space<vmem_shared>>) target(%arg11 : memref<128x32xf32, #tpu.memory_space<vmem>>) offsets(%dma_start3A_356 : memref<128xi32, #tpu.memory_space<vmem>>) semaphore(%arg19 : memref<!tpu.dma_semaphore, #tpu.memory_space<semaphore_mem>>)
      } else {
      }
      %dma_wait3A_286 = arith.constant 0 : i32
      %dma_wait3A_287 = tpu.memref_slice %arg6[%add3A_272, %dma_wait3A_286] : memref<80x128xi32, #tpu.memory_space<vmem>> -> memref<1x128xi32, #tpu.memory_space<vmem>>
      %dma_wait3A_288 = tpu.memref_squeeze %dma_wait3A_287 : memref<1x128xi32, #tpu.memory_space<vmem>> -> memref<128xi32, #tpu.memory_space<vmem>>
      %dma_wait3A_289 = arith.constant 0 : i32
      %dma_wait3A_290 = arith.constant 0 : i32
      %dma_wait3A_291 = tpu.memref_slice %arg15[%dma_wait3A_289, %dma_wait3A_290] : memref<10000x32xf32, #tpu.memory_space<vmem_shared>> -> memref<10000x32xf32, #tpu.memory_space<vmem_shared>>
      tpu.wait_indirect_dma semaphore(%arg17 : memref<!tpu.dma_semaphore, #tpu.memory_space<semaphore_mem>>) src(%dma_wait3A_291 : memref<10000x32xf32, #tpu.memory_space<vmem_shared>>) dst(%arg9 : memref<128x32xf32, #tpu.memory_space<vmem>>)
      %dma_start3A_292 = arith.constant 0 : i32
      %dma_start3A_293 = tpu.memref_slice %arg7[%add3A_272, %dma_start3A_292] : memref<80x128xi32, #tpu.memory_space<vmem>> -> memref<1x128xi32, #tpu.memory_space<vmem>>
      %dma_start3A_294 = tpu.memref_squeeze %dma_start3A_293 : memref<1x128xi32, #tpu.memory_space<vmem>> -> memref<128xi32, #tpu.memory_space<vmem>>
      %dma_start3A_295 = arith.constant 0 : i32
      %dma_start3A_296 = arith.constant 0 : i32
      %dma_start3A_297 = tpu.memref_slice %arg14[%dma_start3A_295, %dma_start3A_296] : memref<10240x32xf32, #tpu.memory_space<vmem_shared>> -> memref<10240x32xf32, #tpu.memory_space<vmem_shared>>
      tpu.enqueue_indirect_dma source(%arg9 : memref<128x32xf32, #tpu.memory_space<vmem>>) target(%dma_start3A_297 : memref<10240x32xf32, #tpu.memory_space<vmem_shared>>) offsets(%dma_start3A_294 : memref<128xi32, #tpu.memory_space<vmem>>) semaphore(%arg21 : memref<!tpu.dma_semaphore, #tpu.memory_space<semaphore_mem>>) {add = true}
      %add3A_298 = arith.constant 2 : i32
      %add3A_299 = arith.addi %add3A_247, %add3A_298 : i32
      %sub3A_300 = arith.constant 2 : i32
      %sub3A_301 = arith.subi %add3A_299, %sub3A_300 : i32
      %ge3A_302 = arith.constant 0 : i32
      %ge3A_303 = arith.cmpi sge, %sub3A_301, %ge3A_302 : i32
      %convert_element_type3A_304 = arith.extui %ge3A_303 : i1 to i32
      %cond3A_305 = arith.constant 0 : i32
      %cond3A_306 = arith.cmpi ne, %convert_element_type3A_304, %cond3A_305 : i32
      scf.if %cond3A_306 {
        %sub3A_352 = arith.constant 2 : i32
        %sub3A_353 = arith.subi %add3A_299, %sub3A_352 : i32
        %dma_wait3A_354 = arith.constant 0 : i32
        %dma_wait3A_355 = tpu.memref_slice %arg7[%sub3A_353, %dma_wait3A_354] : memref<80x128xi32, #tpu.memory_space<vmem>> -> memref<1x128xi32, #tpu.memory_space<vmem>>
        %dma_wait3A_356 = tpu.memref_squeeze %dma_wait3A_355 : memref<1x128xi32, #tpu.memory_space<vmem>> -> memref<128xi32, #tpu.memory_space<vmem>>
        %dma_wait3A_357 = arith.constant 0 : i32
        %dma_wait3A_358 = arith.constant 0 : i32
        %dma_wait3A_359 = tpu.memref_slice %arg14[%dma_wait3A_357, %dma_wait3A_358] : memref<10240x32xf32, #tpu.memory_space<vmem_shared>> -> memref<10240x32xf32, #tpu.memory_space<vmem_shared>>
        tpu.wait_indirect_dma semaphore(%arg20 : memref<!tpu.dma_semaphore, #tpu.memory_space<semaphore_mem>>) src(%arg8 : memref<128x32xf32, #tpu.memory_space<vmem>>) dst(%dma_wait3A_359 : memref<10240x32xf32, #tpu.memory_space<vmem_shared>>)
      } else {
      }
      %add3A_307 = arith.constant 2 : i32
      %add3A_308 = arith.addi %add3A_299, %add3A_307 : i32
      %lt3A_309 = arith.cmpi slt, %add3A_308, %select_n3A : i32
      %convert_element_type3A_310 = arith.extui %lt3A_309 : i1 to i32
      %cond3A_311 = arith.constant 0 : i32
      %cond3A_312 = arith.cmpi ne, %convert_element_type3A_310, %cond3A_311 : i32
      scf.if %cond3A_312 {
        %add3A_352 = arith.constant 2 : i32
        %add3A_353 = arith.addi %add3A_299, %add3A_352 : i32
        %dma_start3A_354 = arith.constant 0 : i32
        %dma_start3A_355 = tpu.memref_slice %arg6[%add3A_353, %dma_start3A_354] : memref<80x128xi32, #tpu.memory_space<vmem>> -> memref<1x128xi32, #tpu.memory_space<vmem>>
        %dma_start3A_356 = tpu.memref_squeeze %dma_start3A_355 : memref<1x128xi32, #tpu.memory_space<vmem>> -> memref<128xi32, #tpu.memory_space<vmem>>
        %dma_start3A_357 = arith.constant 0 : i32
        %dma_start3A_358 = arith.constant 0 : i32
        %dma_start3A_359 = tpu.memref_slice %arg15[%dma_start3A_357, %dma_start3A_358] : memref<10000x32xf32, #tpu.memory_space<vmem_shared>> -> memref<10000x32xf32, #tpu.memory_space<vmem_shared>>
        tpu.enqueue_indirect_dma source(%dma_start3A_359 : memref<10000x32xf32, #tpu.memory_space<vmem_shared>>) target(%arg8 : memref<128x32xf32, #tpu.memory_space<vmem>>) offsets(%dma_start3A_356 : memref<128xi32, #tpu.memory_space<vmem>>) semaphore(%arg16 : memref<!tpu.dma_semaphore, #tpu.memory_space<semaphore_mem>>)
      } else {
      }
      %dma_wait3A_313 = arith.constant 0 : i32
      %dma_wait3A_314 = tpu.memref_slice %arg6[%add3A_299, %dma_wait3A_313] : memref<80x128xi32, #tpu.memory_space<vmem>> -> memref<1x128xi32, #tpu.memory_space<vmem>>
      %dma_wait3A_315 = tpu.memref_squeeze %dma_wait3A_314 : memref<1x128xi32, #tpu.memory_space<vmem>> -> memref<128xi32, #tpu.memory_space<vmem>>
      %dma_wait3A_316 = arith.constant 0 : i32
      %dma_wait3A_317 = arith.constant 0 : i32
      %dma_wait3A_318 = tpu.memref_slice %arg15[%dma_wait3A_316, %dma_wait3A_317] : memref<10000x32xf32, #tpu.memory_space<vmem_shared>> -> memref<10000x32xf32, #tpu.memory_space<vmem_shared>>
      tpu.wait_indirect_dma semaphore(%arg18 : memref<!tpu.dma_semaphore, #tpu.memory_space<semaphore_mem>>) src(%dma_wait3A_318 : memref<10000x32xf32, #tpu.memory_space<vmem_shared>>) dst(%arg10 : memref<128x32xf32, #tpu.memory_space<vmem>>)
      %dma_start3A_319 = arith.constant 0 : i32
      %dma_start3A_320 = tpu.memref_slice %arg7[%add3A_299, %dma_start3A_319] : memref<80x128xi32, #tpu.memory_space<vmem>> -> memref<1x128xi32, #tpu.memory_space<vmem>>
      %dma_start3A_321 = tpu.memref_squeeze %dma_start3A_320 : memref<1x128xi32, #tpu.memory_space<vmem>> -> memref<128xi32, #tpu.memory_space<vmem>>
      %dma_start3A_322 = arith.constant 0 : i32
      %dma_start3A_323 = arith.constant 0 : i32
      %dma_start3A_324 = tpu.memref_slice %arg14[%dma_start3A_322, %dma_start3A_323] : memref<10240x32xf32, #tpu.memory_space<vmem_shared>> -> memref<10240x32xf32, #tpu.memory_space<vmem_shared>>
      tpu.enqueue_indirect_dma source(%arg10 : memref<128x32xf32, #tpu.memory_space<vmem>>) target(%dma_start3A_324 : memref<10240x32xf32, #tpu.memory_space<vmem_shared>>) offsets(%dma_start3A_321 : memref<128xi32, #tpu.memory_space<vmem>>) semaphore(%arg22 : memref<!tpu.dma_semaphore, #tpu.memory_space<semaphore_mem>>) {add = true}
      %add3A_325 = arith.constant 3 : i32
      %add3A_326 = arith.addi %add3A_247, %add3A_325 : i32
      %sub3A_327 = arith.constant 2 : i32
      %sub3A_328 = arith.subi %add3A_326, %sub3A_327 : i32
      %ge3A_329 = arith.constant 0 : i32
      %ge3A_330 = arith.cmpi sge, %sub3A_328, %ge3A_329 : i32
      %convert_element_type3A_331 = arith.extui %ge3A_330 : i1 to i32
      %cond3A_332 = arith.constant 0 : i32
      %cond3A_333 = arith.cmpi ne, %convert_element_type3A_331, %cond3A_332 : i32
      scf.if %cond3A_333 {
        %sub3A_352 = arith.constant 2 : i32
        %sub3A_353 = arith.subi %add3A_326, %sub3A_352 : i32
        %dma_wait3A_354 = arith.constant 0 : i32
        %dma_wait3A_355 = tpu.memref_slice %arg7[%sub3A_353, %dma_wait3A_354] : memref<80x128xi32, #tpu.memory_space<vmem>> -> memref<1x128xi32, #tpu.memory_space<vmem>>
        %dma_wait3A_356 = tpu.memref_squeeze %dma_wait3A_355 : memref<1x128xi32, #tpu.memory_space<vmem>> -> memref<128xi32, #tpu.memory_space<vmem>>
        %dma_wait3A_357 = arith.constant 0 : i32
        %dma_wait3A_358 = arith.constant 0 : i32
        %dma_wait3A_359 = tpu.memref_slice %arg14[%dma_wait3A_357, %dma_wait3A_358] : memref<10240x32xf32, #tpu.memory_space<vmem_shared>> -> memref<10240x32xf32, #tpu.memory_space<vmem_shared>>
        tpu.wait_indirect_dma semaphore(%arg21 : memref<!tpu.dma_semaphore, #tpu.memory_space<semaphore_mem>>) src(%arg9 : memref<128x32xf32, #tpu.memory_space<vmem>>) dst(%dma_wait3A_359 : memref<10240x32xf32, #tpu.memory_space<vmem_shared>>)
      } else {
      }
      %add3A_334 = arith.constant 2 : i32
      %add3A_335 = arith.addi %add3A_326, %add3A_334 : i32
      %lt3A_336 = arith.cmpi slt, %add3A_335, %select_n3A : i32
      %convert_element_type3A_337 = arith.extui %lt3A_336 : i1 to i32
      %cond3A_338 = arith.constant 0 : i32
      %cond3A_339 = arith.cmpi ne, %convert_element_type3A_337, %cond3A_338 : i32
      scf.if %cond3A_339 {
        %add3A_352 = arith.constant 2 : i32
        %add3A_353 = arith.addi %add3A_326, %add3A_352 : i32
        %dma_start3A_354 = arith.constant 0 : i32
        %dma_start3A_355 = tpu.memref_slice %arg6[%add3A_353, %dma_start3A_354] : memref<80x128xi32, #tpu.memory_space<vmem>> -> memref<1x128xi32, #tpu.memory_space<vmem>>
        %dma_start3A_356 = tpu.memref_squeeze %dma_start3A_355 : memref<1x128xi32, #tpu.memory_space<vmem>> -> memref<128xi32, #tpu.memory_space<vmem>>
        %dma_start3A_357 = arith.constant 0 : i32
        %dma_start3A_358 = arith.constant 0 : i32
        %dma_start3A_359 = tpu.memref_slice %arg15[%dma_start3A_357, %dma_start3A_358] : memref<10000x32xf32, #tpu.memory_space<vmem_shared>> -> memref<10000x32xf32, #tpu.memory_space<vmem_shared>>
        tpu.enqueue_indirect_dma source(%dma_start3A_359 : memref<10000x32xf32, #tpu.memory_space<vmem_shared>>) target(%arg9 : memref<128x32xf32, #tpu.memory_space<vmem>>) offsets(%dma_start3A_356 : memref<128xi32, #tpu.memory_space<vmem>>) semaphore(%arg17 : memref<!tpu.dma_semaphore, #tpu.memory_space<semaphore_mem>>)
      } else {
      }
      %dma_wait3A_340 = arith.constant 0 : i32
      %dma_wait3A_341 = tpu.memref_slice %arg6[%add3A_326, %dma_wait3A_340] : memref<80x128xi32, #tpu.memory_space<vmem>> -> memref<1x128xi32, #tpu.memory_space<vmem>>
      %dma_wait3A_342 = tpu.memref_squeeze %dma_wait3A_341 : memref<1x128xi32, #tpu.memory_space<vmem>> -> memref<128xi32, #tpu.memory_space<vmem>>
      %dma_wait3A_343 = arith.constant 0 : i32
      %dma_wait3A_344 = arith.constant 0 : i32
      %dma_wait3A_345 = tpu.memref_slice %arg15[%dma_wait3A_343, %dma_wait3A_344] : memref<10000x32xf32, #tpu.memory_space<vmem_shared>> -> memref<10000x32xf32, #tpu.memory_space<vmem_shared>>
      tpu.wait_indirect_dma semaphore(%arg19 : memref<!tpu.dma_semaphore, #tpu.memory_space<semaphore_mem>>) src(%dma_wait3A_345 : memref<10000x32xf32, #tpu.memory_space<vmem_shared>>) dst(%arg11 : memref<128x32xf32, #tpu.memory_space<vmem>>)
      %dma_start3A_346 = arith.constant 0 : i32
      %dma_start3A_347 = tpu.memref_slice %arg7[%add3A_326, %dma_start3A_346] : memref<80x128xi32, #tpu.memory_space<vmem>> -> memref<1x128xi32, #tpu.memory_space<vmem>>
      %dma_start3A_348 = tpu.memref_squeeze %dma_start3A_347 : memref<1x128xi32, #tpu.memory_space<vmem>> -> memref<128xi32, #tpu.memory_space<vmem>>
      %dma_start3A_349 = arith.constant 0 : i32
      %dma_start3A_350 = arith.constant 0 : i32
      %dma_start3A_351 = tpu.memref_slice %arg14[%dma_start3A_349, %dma_start3A_350] : memref<10240x32xf32, #tpu.memory_space<vmem_shared>> -> memref<10240x32xf32, #tpu.memory_space<vmem_shared>>
      tpu.enqueue_indirect_dma source(%arg11 : memref<128x32xf32, #tpu.memory_space<vmem>>) target(%dma_start3A_351 : memref<10240x32xf32, #tpu.memory_space<vmem_shared>>) offsets(%dma_start3A_348 : memref<128xi32, #tpu.memory_space<vmem>>) semaphore(%arg23 : memref<!tpu.dma_semaphore, #tpu.memory_space<semaphore_mem>>) {add = true}
    }
    %while3A_223 = arith.constant 1 : i32
    scf.for %while3A_245 = %while3A_221 to %while3A_217 step %while3A_223  : i32 {
      %mul3A_246 = arith.muli %while3A_245, %while3A : i32
      %add3A_247 = arith.addi %while3A_214, %mul3A_246 : i32
      %add3A_248 = arith.constant 0 : i32
      %add3A_249 = arith.addi %add3A_247, %add3A_248 : i32
      %sub3A_250 = arith.constant 2 : i32
      %sub3A_251 = arith.subi %add3A_249, %sub3A_250 : i32
      %ge3A = arith.constant 0 : i32
      %ge3A_252 = arith.cmpi sge, %sub3A_251, %ge3A : i32
      %convert_element_type3A = arith.extui %ge3A_252 : i1 to i32
      %cond3A = arith.constant 0 : i32
      %cond3A_253 = arith.cmpi ne, %convert_element_type3A, %cond3A : i32
      scf.if %cond3A_253 {
        %sub3A_352 = arith.constant 2 : i32
        %sub3A_353 = arith.subi %add3A_249, %sub3A_352 : i32
        %dma_wait3A_354 = arith.constant 0 : i32
        %dma_wait3A_355 = tpu.memref_slice %arg7[%sub3A_353, %dma_wait3A_354] : memref<80x128xi32, #tpu.memory_space<vmem>> -> memref<1x128xi32, #tpu.memory_space<vmem>>
        %dma_wait3A_356 = tpu.memref_squeeze %dma_wait3A_355 : memref<1x128xi32, #tpu.memory_space<vmem>> -> memref<128xi32, #tpu.memory_space<vmem>>
        %dma_wait3A_357 = arith.constant 0 : i32
        %dma_wait3A_358 = arith.constant 0 : i32
        %dma_wait3A_359 = tpu.memref_slice %arg14[%dma_wait3A_357, %dma_wait3A_358] : memref<10240x32xf32, #tpu.memory_space<vmem_shared>> -> memref<10240x32xf32, #tpu.memory_space<vmem_shared>>
        tpu.wait_indirect_dma semaphore(%arg22 : memref<!tpu.dma_semaphore, #tpu.memory_space<semaphore_mem>>) src(%arg10 : memref<128x32xf32, #tpu.memory_space<vmem>>) dst(%dma_wait3A_359 : memref<10240x32xf32, #tpu.memory_space<vmem_shared>>)
      } else {
      }
      %add3A_254 = arith.constant 2 : i32
      %add3A_255 = arith.addi %add3A_249, %add3A_254 : i32
      %lt3A = arith.cmpi slt, %add3A_255, %select_n3A : i32
      %convert_element_type3A_256 = arith.extui %lt3A : i1 to i32
      %cond3A_257 = arith.constant 0 : i32
      %cond3A_258 = arith.cmpi ne, %convert_element_type3A_256, %cond3A_257 : i32
      scf.if %cond3A_258 {
        %add3A_352 = arith.constant 2 : i32
        %add3A_353 = arith.addi %add3A_249, %add3A_352 : i32
        %dma_start3A_354 = arith.constant 0 : i32
        %dma_start3A_355 = tpu.memref_slice %arg6[%add3A_353, %dma_start3A_354] : memref<80x128xi32, #tpu.memory_space<vmem>> -> memref<1x128xi32, #tpu.memory_space<vmem>>
        %dma_start3A_356 = tpu.memref_squeeze %dma_start3A_355 : memref<1x128xi32, #tpu.memory_space<vmem>> -> memref<128xi32, #tpu.memory_space<vmem>>
        %dma_start3A_357 = arith.constant 0 : i32
        %dma_start3A_358 = arith.constant 0 : i32
        %dma_start3A_359 = tpu.memref_slice %arg15[%dma_start3A_357, %dma_start3A_358] : memref<10000x32xf32, #tpu.memory_space<vmem_shared>> -> memref<10000x32xf32, #tpu.memory_space<vmem_shared>>
        tpu.enqueue_indirect_dma source(%dma_start3A_359 : memref<10000x32xf32, #tpu.memory_space<vmem_shared>>) target(%arg10 : memref<128x32xf32, #tpu.memory_space<vmem>>) offsets(%dma_start3A_356 : memref<128xi32, #tpu.memory_space<vmem>>) semaphore(%arg18 : memref<!tpu.dma_semaphore, #tpu.memory_space<semaphore_mem>>)
      } else {
      }
      %dma_wait3A_259 = arith.constant 0 : i32
      %dma_wait3A_260 = tpu.memref_slice %arg6[%add3A_249, %dma_wait3A_259] : memref<80x128xi32, #tpu.memory_space<vmem>> -> memref<1x128xi32, #tpu.memory_space<vmem>>
      %dma_wait3A_261 = tpu.memref_squeeze %dma_wait3A_260 : memref<1x128xi32, #tpu.memory_space<vmem>> -> memref<128xi32, #tpu.memory_space<vmem>>
      %dma_wait3A_262 = arith.constant 0 : i32
      %dma_wait3A_263 = arith.constant 0 : i32
      %dma_wait3A_264 = tpu.memref_slice %arg15[%dma_wait3A_262, %dma_wait3A_263] : memref<10000x32xf32, #tpu.memory_space<vmem_shared>> -> memref<10000x32xf32, #tpu.memory_space<vmem_shared>>
      tpu.wait_indirect_dma semaphore(%arg16 : memref<!tpu.dma_semaphore, #tpu.memory_space<semaphore_mem>>) src(%dma_wait3A_264 : memref<10000x32xf32, #tpu.memory_space<vmem_shared>>) dst(%arg8 : memref<128x32xf32, #tpu.memory_space<vmem>>)
      %dma_start3A_265 = arith.constant 0 : i32
      %dma_start3A_266 = tpu.memref_slice %arg7[%add3A_249, %dma_start3A_265] : memref<80x128xi32, #tpu.memory_space<vmem>> -> memref<1x128xi32, #tpu.memory_space<vmem>>
      %dma_start3A_267 = tpu.memref_squeeze %dma_start3A_266 : memref<1x128xi32, #tpu.memory_space<vmem>> -> memref<128xi32, #tpu.memory_space<vmem>>
      %dma_start3A_268 = arith.constant 0 : i32
      %dma_start3A_269 = arith.constant 0 : i32
      %dma_start3A_270 = tpu.memref_slice %arg14[%dma_start3A_268, %dma_start3A_269] : memref<10240x32xf32, #tpu.memory_space<vmem_shared>> -> memref<10240x32xf32, #tpu.memory_space<vmem_shared>>
      tpu.enqueue_indirect_dma source(%arg8 : memref<128x32xf32, #tpu.memory_space<vmem>>) target(%dma_start3A_270 : memref<10240x32xf32, #tpu.memory_space<vmem_shared>>) offsets(%dma_start3A_267 : memref<128xi32, #tpu.memory_space<vmem>>) semaphore(%arg20 : memref<!tpu.dma_semaphore, #tpu.memory_space<semaphore_mem>>) {add = true}
      %add3A_271 = arith.constant 1 : i32
      %add3A_272 = arith.addi %add3A_247, %add3A_271 : i32
      %sub3A_273 = arith.constant 2 : i32
      %sub3A_274 = arith.subi %add3A_272, %sub3A_273 : i32
      %ge3A_275 = arith.constant 0 : i32
      %ge3A_276 = arith.cmpi sge, %sub3A_274, %ge3A_275 : i32
      %convert_element_type3A_277 = arith.extui %ge3A_276 : i1 to i32
      %cond3A_278 = arith.constant 0 : i32
      %cond3A_279 = arith.cmpi ne, %convert_element_type3A_277, %cond3A_278 : i32
      scf.if %cond3A_279 {
        %sub3A_352 = arith.constant 2 : i32
        %sub3A_353 = arith.subi %add3A_272, %sub3A_352 : i32
        %dma_wait3A_354 = arith.constant 0 : i32
        %dma_wait3A_355 = tpu.memref_slice %arg7[%sub3A_353, %dma_wait3A_354] : memref<80x128xi32, #tpu.memory_space<vmem>> -> memref<1x128xi32, #tpu.memory_space<vmem>>
        %dma_wait3A_356 = tpu.memref_squeeze %dma_wait3A_355 : memref<1x128xi32, #tpu.memory_space<vmem>> -> memref<128xi32, #tpu.memory_space<vmem>>
        %dma_wait3A_357 = arith.constant 0 : i32
        %dma_wait3A_358 = arith.constant 0 : i32
        %dma_wait3A_359 = tpu.memref_slice %arg14[%dma_wait3A_357, %dma_wait3A_358] : memref<10240x32xf32, #tpu.memory_space<vmem_shared>> -> memref<10240x32xf32, #tpu.memory_space<vmem_shared>>
        tpu.wait_indirect_dma semaphore(%arg23 : memref<!tpu.dma_semaphore, #tpu.memory_space<semaphore_mem>>) src(%arg11 : memref<128x32xf32, #tpu.memory_space<vmem>>) dst(%dma_wait3A_359 : memref<10240x32xf32, #tpu.memory_space<vmem_shared>>)
      } else {
      }
      %add3A_280 = arith.constant 2 : i32
      %add3A_281 = arith.addi %add3A_272, %add3A_280 : i32
      %lt3A_282 = arith.cmpi slt, %add3A_281, %select_n3A : i32
      %convert_element_type3A_283 = arith.extui %lt3A_282 : i1 to i32
      %cond3A_284 = arith.constant 0 : i32
      %cond3A_285 = arith.cmpi ne, %convert_element_type3A_283, %cond3A_284 : i32
      scf.if %cond3A_285 {
        %add3A_352 = arith.constant 2 : i32
        %add3A_353 = arith.addi %add3A_272, %add3A_352 : i32
        %dma_start3A_354 = arith.constant 0 : i32
        %dma_start3A_355 = tpu.memref_slice %arg6[%add3A_353, %dma_start3A_354] : memref<80x128xi32, #tpu.memory_space<vmem>> -> memref<1x128xi32, #tpu.memory_space<vmem>>
        %dma_start3A_356 = tpu.memref_squeeze %dma_start3A_355 : memref<1x128xi32, #tpu.memory_space<vmem>> -> memref<128xi32, #tpu.memory_space<vmem>>
        %dma_start3A_357 = arith.constant 0 : i32
        %dma_start3A_358 = arith.constant 0 : i32
        %dma_start3A_359 = tpu.memref_slice %arg15[%dma_start3A_357, %dma_start3A_358] : memref<10000x32xf32, #tpu.memory_space<vmem_shared>> -> memref<10000x32xf32, #tpu.memory_space<vmem_shared>>
        tpu.enqueue_indirect_dma source(%dma_start3A_359 : memref<10000x32xf32, #tpu.memory_space<vmem_shared>>) target(%arg11 : memref<128x32xf32, #tpu.memory_space<vmem>>) offsets(%dma_start3A_356 : memref<128xi32, #tpu.memory_space<vmem>>) semaphore(%arg19 : memref<!tpu.dma_semaphore, #tpu.memory_space<semaphore_mem>>)
      } else {
      }
      %dma_wait3A_286 = arith.constant 0 : i32
      %dma_wait3A_287 = tpu.memref_slice %arg6[%add3A_272, %dma_wait3A_286] : memref<80x128xi32, #tpu.memory_space<vmem>> -> memref<1x128xi32, #tpu.memory_space<vmem>>
      %dma_wait3A_288 = tpu.memref_squeeze %dma_wait3A_287 : memref<1x128xi32, #tpu.memory_space<vmem>> -> memref<128xi32, #tpu.memory_space<vmem>>
      %dma_wait3A_289 = arith.constant 0 : i32
      %dma_wait3A_290 = arith.constant 0 : i32
      %dma_wait3A_291 = tpu.memref_slice %arg15[%dma_wait3A_289, %dma_wait3A_290] : memref<10000x32xf32, #tpu.memory_space<vmem_shared>> -> memref<10000x32xf32, #tpu.memory_space<vmem_shared>>
      tpu.wait_indirect_dma semaphore(%arg17 : memref<!tpu.dma_semaphore, #tpu.memory_space<semaphore_mem>>) src(%dma_wait3A_291 : memref<10000x32xf32, #tpu.memory_space<vmem_shared>>) dst(%arg9 : memref<128x32xf32, #tpu.memory_space<vmem>>)
      %dma_start3A_292 = arith.constant 0 : i32
      %dma_start3A_293 = tpu.memref_slice %arg7[%add3A_272, %dma_start3A_292] : memref<80x128xi32, #tpu.memory_space<vmem>> -> memref<1x128xi32, #tpu.memory_space<vmem>>
      %dma_start3A_294 = tpu.memref_squeeze %dma_start3A_293 : memref<1x128xi32, #tpu.memory_space<vmem>> -> memref<128xi32, #tpu.memory_space<vmem>>
      %dma_start3A_295 = arith.constant 0 : i32
      %dma_start3A_296 = arith.constant 0 : i32
      %dma_start3A_297 = tpu.memref_slice %arg14[%dma_start3A_295, %dma_start3A_296] : memref<10240x32xf32, #tpu.memory_space<vmem_shared>> -> memref<10240x32xf32, #tpu.memory_space<vmem_shared>>
      tpu.enqueue_indirect_dma source(%arg9 : memref<128x32xf32, #tpu.memory_space<vmem>>) target(%dma_start3A_297 : memref<10240x32xf32, #tpu.memory_space<vmem_shared>>) offsets(%dma_start3A_294 : memref<128xi32, #tpu.memory_space<vmem>>) semaphore(%arg21 : memref<!tpu.dma_semaphore, #tpu.memory_space<semaphore_mem>>) {add = true}
      %add3A_298 = arith.constant 2 : i32
      %add3A_299 = arith.addi %add3A_247, %add3A_298 : i32
      %sub3A_300 = arith.constant 2 : i32
      %sub3A_301 = arith.subi %add3A_299, %sub3A_300 : i32
      %ge3A_302 = arith.constant 0 : i32
      %ge3A_303 = arith.cmpi sge, %sub3A_301, %ge3A_302 : i32
      %convert_element_type3A_304 = arith.extui %ge3A_303 : i1 to i32
      %cond3A_305 = arith.constant 0 : i32
      %cond3A_306 = arith.cmpi ne, %convert_element_type3A_304, %cond3A_305 : i32
      scf.if %cond3A_306 {
        %sub3A_352 = arith.constant 2 : i32
        %sub3A_353 = arith.subi %add3A_299, %sub3A_352 : i32
        %dma_wait3A_354 = arith.constant 0 : i32
        %dma_wait3A_355 = tpu.memref_slice %arg7[%sub3A_353, %dma_wait3A_354] : memref<80x128xi32, #tpu.memory_space<vmem>> -> memref<1x128xi32, #tpu.memory_space<vmem>>
        %dma_wait3A_356 = tpu.memref_squeeze %dma_wait3A_355 : memref<1x128xi32, #tpu.memory_space<vmem>> -> memref<128xi32, #tpu.memory_space<vmem>>
        %dma_wait3A_357 = arith.constant 0 : i32
        %dma_wait3A_358 = arith.constant 0 : i32
        %dma_wait3A_359 = tpu.memref_slice %arg14[%dma_wait3A_357, %dma_wait3A_358] : memref<10240x32xf32, #tpu.memory_space<vmem_shared>> -> memref<10240x32xf32, #tpu.memory_space<vmem_shared>>
        tpu.wait_indirect_dma semaphore(%arg20 : memref<!tpu.dma_semaphore, #tpu.memory_space<semaphore_mem>>) src(%arg8 : memref<128x32xf32, #tpu.memory_space<vmem>>) dst(%dma_wait3A_359 : memref<10240x32xf32, #tpu.memory_space<vmem_shared>>)
      } else {
      }
      %add3A_307 = arith.constant 2 : i32
      %add3A_308 = arith.addi %add3A_299, %add3A_307 : i32
      %lt3A_309 = arith.cmpi slt, %add3A_308, %select_n3A : i32
      %convert_element_type3A_310 = arith.extui %lt3A_309 : i1 to i32
      %cond3A_311 = arith.constant 0 : i32
      %cond3A_312 = arith.cmpi ne, %convert_element_type3A_310, %cond3A_311 : i32
      scf.if %cond3A_312 {
        %add3A_352 = arith.constant 2 : i32
        %add3A_353 = arith.addi %add3A_299, %add3A_352 : i32
        %dma_start3A_354 = arith.constant 0 : i32
        %dma_start3A_355 = tpu.memref_slice %arg6[%add3A_353, %dma_start3A_354] : memref<80x128xi32, #tpu.memory_space<vmem>> -> memref<1x128xi32, #tpu.memory_space<vmem>>
        %dma_start3A_356 = tpu.memref_squeeze %dma_start3A_355 : memref<1x128xi32, #tpu.memory_space<vmem>> -> memref<128xi32, #tpu.memory_space<vmem>>
        %dma_start3A_357 = arith.constant 0 : i32
        %dma_start3A_358 = arith.constant 0 : i32
        %dma_start3A_359 = tpu.memref_slice %arg15[%dma_start3A_357, %dma_start3A_358] : memref<10000x32xf32, #tpu.memory_space<vmem_shared>> -> memref<10000x32xf32, #tpu.memory_space<vmem_shared>>
        tpu.enqueue_indirect_dma source(%dma_start3A_359 : memref<10000x32xf32, #tpu.memory_space<vmem_shared>>) target(%arg8 : memref<128x32xf32, #tpu.memory_space<vmem>>) offsets(%dma_start3A_356 : memref<128xi32, #tpu.memory_space<vmem>>) semaphore(%arg16 : memref<!tpu.dma_semaphore, #tpu.memory_space<semaphore_mem>>)
      } else {
      }
      %dma_wait3A_313 = arith.constant 0 : i32
      %dma_wait3A_314 = tpu.memref_slice %arg6[%add3A_299, %dma_wait3A_313] : memref<80x128xi32, #tpu.memory_space<vmem>> -> memref<1x128xi32, #tpu.memory_space<vmem>>
      %dma_wait3A_315 = tpu.memref_squeeze %dma_wait3A_314 : memref<1x128xi32, #tpu.memory_space<vmem>> -> memref<128xi32, #tpu.memory_space<vmem>>
      %dma_wait3A_316 = arith.constant 0 : i32
      %dma_wait3A_317 = arith.constant 0 : i32
      %dma_wait3A_318 = tpu.memref_slice %arg15[%dma_wait3A_316, %dma_wait3A_317] : memref<10000x32xf32, #tpu.memory_space<vmem_shared>> -> memref<10000x32xf32, #tpu.memory_space<vmem_shared>>
      tpu.wait_indirect_dma semaphore(%arg18 : memref<!tpu.dma_semaphore, #tpu.memory_space<semaphore_mem>>) src(%dma_wait3A_318 : memref<10000x32xf32, #tpu.memory_space<vmem_shared>>) dst(%arg10 : memref<128x32xf32, #tpu.memory_space<vmem>>)
      %dma_start3A_319 = arith.constant 0 : i32
      %dma_start3A_320 = tpu.memref_slice %arg7[%add3A_299, %dma_start3A_319] : memref<80x128xi32, #tpu.memory_space<vmem>> -> memref<1x128xi32, #tpu.memory_space<vmem>>
      %dma_start3A_321 = tpu.memref_squeeze %dma_start3A_320 : memref<1x128xi32, #tpu.memory_space<vmem>> -> memref<128xi32, #tpu.memory_space<vmem>>
      %dma_start3A_322 = arith.constant 0 : i32
      %dma_start3A_323 = arith.constant 0 : i32
      %dma_start3A_324 = tpu.memref_slice %arg14[%dma_start3A_322, %dma_start3A_323] : memref<10240x32xf32, #tpu.memory_space<vmem_shared>> -> memref<10240x32xf32, #tpu.memory_space<vmem_shared>>
      tpu.enqueue_indirect_dma source(%arg10 : memref<128x32xf32, #tpu.memory_space<vmem>>) target(%dma_start3A_324 : memref<10240x32xf32, #tpu.memory_space<vmem_shared>>) offsets(%dma_start3A_321 : memref<128xi32, #tpu.memory_space<vmem>>) semaphore(%arg22 : memref<!tpu.dma_semaphore, #tpu.memory_space<semaphore_mem>>) {add = true}
      %add3A_325 = arith.constant 3 : i32
      %add3A_326 = arith.addi %add3A_247, %add3A_325 : i32
      %sub3A_327 = arith.constant 2 : i32
      %sub3A_328 = arith.subi %add3A_326, %sub3A_327 : i32
      %ge3A_329 = arith.constant 0 : i32
      %ge3A_330 = arith.cmpi sge, %sub3A_328, %ge3A_329 : i32
      %convert_element_type3A_331 = arith.extui %ge3A_330 : i1 to i32
      %cond3A_332 = arith.constant 0 : i32
      %cond3A_333 = arith.cmpi ne, %convert_element_type3A_331, %cond3A_332 : i32
      scf.if %cond3A_333 {
        %sub3A_352 = arith.constant 2 : i32
        %sub3A_353 = arith.subi %add3A_326, %sub3A_352 : i32
        %dma_wait3A_354 = arith.constant 0 : i32
        %dma_wait3A_355 = tpu.memref_slice %arg7[%sub3A_353, %dma_wait3A_354] : memref<80x128xi32, #tpu.memory_space<vmem>> -> memref<1x128xi32, #tpu.memory_space<vmem>>
        %dma_wait3A_356 = tpu.memref_squeeze %dma_wait3A_355 : memref<1x128xi32, #tpu.memory_space<vmem>> -> memref<128xi32, #tpu.memory_space<vmem>>
        %dma_wait3A_357 = arith.constant 0 : i32
        %dma_wait3A_358 = arith.constant 0 : i32
        %dma_wait3A_359 = tpu.memref_slice %arg14[%dma_wait3A_357, %dma_wait3A_358] : memref<10240x32xf32, #tpu.memory_space<vmem_shared>> -> memref<10240x32xf32, #tpu.memory_space<vmem_shared>>
        tpu.wait_indirect_dma semaphore(%arg21 : memref<!tpu.dma_semaphore, #tpu.memory_space<semaphore_mem>>) src(%arg9 : memref<128x32xf32, #tpu.memory_space<vmem>>) dst(%dma_wait3A_359 : memref<10240x32xf32, #tpu.memory_space<vmem_shared>>)
      } else {
      }
      %add3A_334 = arith.constant 2 : i32
      %add3A_335 = arith.addi %add3A_326, %add3A_334 : i32
      %lt3A_336 = arith.cmpi slt, %add3A_335, %select_n3A : i32
      %convert_element_type3A_337 = arith.extui %lt3A_336 : i1 to i32
      %cond3A_338 = arith.constant 0 : i32
      %cond3A_339 = arith.cmpi ne, %convert_element_type3A_337, %cond3A_338 : i32
      scf.if %cond3A_339 {
        %add3A_352 = arith.constant 2 : i32
        %add3A_353 = arith.addi %add3A_326, %add3A_352 : i32
        %dma_start3A_354 = arith.constant 0 : i32
        %dma_start3A_355 = tpu.memref_slice %arg6[%add3A_353, %dma_start3A_354] : memref<80x128xi32, #tpu.memory_space<vmem>> -> memref<1x128xi32, #tpu.memory_space<vmem>>
        %dma_start3A_356 = tpu.memref_squeeze %dma_start3A_355 : memref<1x128xi32, #tpu.memory_space<vmem>> -> memref<128xi32, #tpu.memory_space<vmem>>
        %dma_start3A_357 = arith.constant 0 : i32
        %dma_start3A_358 = arith.constant 0 : i32
        %dma_start3A_359 = tpu.memref_slice %arg15[%dma_start3A_357, %dma_start3A_358] : memref<10000x32xf32, #tpu.memory_space<vmem_shared>> -> memref<10000x32xf32, #tpu.memory_space<vmem_shared>>
        tpu.enqueue_indirect_dma source(%dma_start3A_359 : memref<10000x32xf32, #tpu.memory_space<vmem_shared>>) target(%arg9 : memref<128x32xf32, #tpu.memory_space<vmem>>) offsets(%dma_start3A_356 : memref<128xi32, #tpu.memory_space<vmem>>) semaphore(%arg17 : memref<!tpu.dma_semaphore, #tpu.memory_space<semaphore_mem>>)
      } else {
      }
      %dma_wait3A_340 = arith.constant 0 : i32
      %dma_wait3A_341 = tpu.memref_slice %arg6[%add3A_326, %dma_wait3A_340] : memref<80x128xi32, #tpu.memory_space<vmem>> -> memref<1x128xi32, #tpu.memory_space<vmem>>
      %dma_wait3A_342 = tpu.memref_squeeze %dma_wait3A_341 : memref<1x128xi32, #tpu.memory_space<vmem>> -> memref<128xi32, #tpu.memory_space<vmem>>
      %dma_wait3A_343 = arith.constant 0 : i32
      %dma_wait3A_344 = arith.constant 0 : i32
      %dma_wait3A_345 = tpu.memref_slice %arg15[%dma_wait3A_343, %dma_wait3A_344] : memref<10000x32xf32, #tpu.memory_space<vmem_shared>> -> memref<10000x32xf32, #tpu.memory_space<vmem_shared>>
      tpu.wait_indirect_dma semaphore(%arg19 : memref<!tpu.dma_semaphore, #tpu.memory_space<semaphore_mem>>) src(%dma_wait3A_345 : memref<10000x32xf32, #tpu.memory_space<vmem_shared>>) dst(%arg11 : memref<128x32xf32, #tpu.memory_space<vmem>>)
      %dma_start3A_346 = arith.constant 0 : i32
      %dma_start3A_347 = tpu.memref_slice %arg7[%add3A_326, %dma_start3A_346] : memref<80x128xi32, #tpu.memory_space<vmem>> -> memref<1x128xi32, #tpu.memory_space<vmem>>
      %dma_start3A_348 = tpu.memref_squeeze %dma_start3A_347 : memref<1x128xi32, #tpu.memory_space<vmem>> -> memref<128xi32, #tpu.memory_space<vmem>>
      %dma_start3A_349 = arith.constant 0 : i32
      %dma_start3A_350 = arith.constant 0 : i32
      %dma_start3A_351 = tpu.memref_slice %arg14[%dma_start3A_349, %dma_start3A_350] : memref<10240x32xf32, #tpu.memory_space<vmem_shared>> -> memref<10240x32xf32, #tpu.memory_space<vmem_shared>>
      tpu.enqueue_indirect_dma source(%arg11 : memref<128x32xf32, #tpu.memory_space<vmem>>) target(%dma_start3A_351 : memref<10240x32xf32, #tpu.memory_space<vmem_shared>>) offsets(%dma_start3A_348 : memref<128xi32, #tpu.memory_space<vmem>>) semaphore(%arg23 : memref<!tpu.dma_semaphore, #tpu.memory_space<semaphore_mem>>) {add = true}
    }
    %sub3A_224 = arith.constant 4 : i32
    %sub3A_225 = arith.subi %select_n3A, %sub3A_224 : i32
    %add3A_226 = arith.constant 2 : i32
    %add3A_227 = arith.addi %sub3A_225, %add3A_226 : i32
    %dma_wait3A_228 = arith.constant 0 : i32
    %dma_wait3A_229 = tpu.memref_slice %arg7[%add3A_227, %dma_wait3A_228] : memref<80x128xi32, #tpu.memory_space<vmem>> -> memref<1x128xi32, #tpu.memory_space<vmem>>
    %dma_wait3A_230 = tpu.memref_squeeze %dma_wait3A_229 : memref<1x128xi32, #tpu.memory_space<vmem>> -> memref<128xi32, #tpu.memory_space<vmem>>
    %dma_wait3A_231 = arith.constant 0 : i32
    %dma_wait3A_232 = arith.constant 0 : i32
    %dma_wait3A_233 = tpu.memref_slice %arg14[%dma_wait3A_231, %dma_wait3A_232] : memref<10240x32xf32, #tpu.memory_space<vmem_shared>> -> memref<10240x32xf32, #tpu.memory_space<vmem_shared>>
    tpu.wait_indirect_dma semaphore(%arg22 : memref<!tpu.dma_semaphore, #tpu.memory_space<semaphore_mem>>) src(%arg10 : memref<128x32xf32, #tpu.memory_space<vmem>>) dst(%dma_wait3A_233 : memref<10240x32xf32, #tpu.memory_space<vmem_shared>>)
    %sub3A_234 = arith.constant 4 : i32
    %sub3A_235 = arith.subi %select_n3A, %sub3A_234 : i32
    %add3A_236 = arith.constant 3 : i32
    %add3A_237 = arith.addi %sub3A_235, %add3A_236 : i32
    %dma_wait3A_238 = arith.constant 0 : i32
    %dma_wait3A_239 = tpu.memref_slice %arg7[%add3A_237, %dma_wait3A_238] : memref<80x128xi32, #tpu.memory_space<vmem>> -> memref<1x128xi32, #tpu.memory_space<vmem>>
    %dma_wait3A_240 = tpu.memref_squeeze %dma_wait3A_239 : memref<1x128xi32, #tpu.memory_space<vmem>> -> memref<128xi32, #tpu.memory_space<vmem>>
    %dma_wait3A_241 = arith.constant 0 : i32
    %dma_wait3A_242 = arith.constant 0 : i32
    %dma_wait3A_243 = tpu.memref_slice %arg14[%dma_wait3A_241, %dma_wait3A_242] : memref<10240x32xf32, #tpu.memory_space<vmem_shared>> -> memref<10240x32xf32, #tpu.memory_space<vmem_shared>>
    tpu.wait_indirect_dma semaphore(%arg23 : memref<!tpu.dma_semaphore, #tpu.memory_space<semaphore_mem>>) src(%arg11 : memref<128x32xf32, #tpu.memory_space<vmem>>) dst(%dma_wait3A_243 : memref<10240x32xf32, #tpu.memory_space<vmem_shared>>)
    %barrier3A_244 = arith.constant 0 : index
    tpu.barrier barrier_id(%barrier3A_244)
    "tpu.region"() ({
      %run_scoped3A = tpu.sem_alloc : memref<!tpu.dma_semaphore, #tpu.memory_space<semaphore_mem>>
      %dma_start3A_245 = arith.constant 0 : i32
      %dma_start3A_246 = tpu.memref_slice %arg14[%mul3A_34, %dma_start3A_245] : memref<10240x32xf32, #tpu.memory_space<vmem_shared>> -> memref<640x32xf32, #tpu.memory_space<vmem_shared>>
      %dma_start3A_247 = arith.constant 0 : i32
      %dma_start3A_248 = tpu.memref_slice %arg14[%mul3A_34, %dma_start3A_247] : memref<10240x32xf32, #tpu.memory_space<vmem_shared>> -> memref<640x32xf32, #tpu.memory_space<vmem_shared>>
      tpu.enqueue_dma source(%dma_start3A_248 : memref<640x32xf32, #tpu.memory_space<vmem_shared>>) target(%arg13 : memref<640x32xf32, #tpu.memory_space<vmem>>) target_semaphore(%run_scoped3A : memref<!tpu.dma_semaphore, #tpu.memory_space<semaphore_mem>>)
      %dma_wait3A_249 = arith.constant 0 : i32
      %dma_wait3A_250 = tpu.memref_slice %arg14[%mul3A_34, %dma_wait3A_249] : memref<10240x32xf32, #tpu.memory_space<vmem_shared>> -> memref<640x32xf32, #tpu.memory_space<vmem_shared>>
      %dma_wait3A_251 = arith.constant 0 : i32
      %dma_wait3A_252 = tpu.memref_slice %arg14[%mul3A_34, %dma_wait3A_251] : memref<10240x32xf32, #tpu.memory_space<vmem_shared>> -> memref<640x32xf32, #tpu.memory_space<vmem_shared>>
      tpu.wait_dma2 semaphore(%run_scoped3A : memref<!tpu.dma_semaphore, #tpu.memory_space<semaphore_mem>>) src(%dma_wait3A_252 : memref<640x32xf32, #tpu.memory_space<vmem_shared>>) dst(%arg13 : memref<640x32xf32, #tpu.memory_space<vmem>>)
      tpu.yield
    }) : () -> ()
    "tpu.region"() ({
      %run_scoped3A = tpu.sem_alloc : memref<!tpu.dma_semaphore, #tpu.memory_space<semaphore_mem>>
      %dma_start3A_245 = arith.constant 0 : i32
      %dma_start3A_246 = tpu.memref_slice %arg5[%arg0, %mul3A_34, %dma_start3A_245] : memref<2x10240x32xf32, #tpu.memory_space<hbm>> -> memref<1x640x32xf32, #tpu.memory_space<hbm>>
      %dma_start3A_247 = tpu.memref_squeeze %dma_start3A_246 : memref<1x640x32xf32, #tpu.memory_space<hbm>> -> memref<640x32xf32, #tpu.memory_space<hbm>>
      %dma_start3A_248 = arith.constant 0 : i32
      %dma_start3A_249 = tpu.memref_slice %arg5[%arg0, %mul3A_34, %dma_start3A_248] : memref<2x10240x32xf32, #tpu.memory_space<hbm>> -> memref<1x640x32xf32, #tpu.memory_space<hbm>>
      %dma_start3A_250 = tpu.memref_squeeze %dma_start3A_249 : memref<1x640x32xf32, #tpu.memory_space<hbm>> -> memref<640x32xf32, #tpu.memory_space<hbm>>
      tpu.enqueue_dma source(%arg13 : memref<640x32xf32, #tpu.memory_space<vmem>>) target(%dma_start3A_250 : memref<640x32xf32, #tpu.memory_space<hbm>>) target_semaphore(%run_scoped3A : memref<!tpu.dma_semaphore, #tpu.memory_space<semaphore_mem>>)
      %dma_wait3A_251 = arith.constant 0 : i32
      %dma_wait3A_252 = tpu.memref_slice %arg5[%arg0, %mul3A_34, %dma_wait3A_251] : memref<2x10240x32xf32, #tpu.memory_space<hbm>> -> memref<1x640x32xf32, #tpu.memory_space<hbm>>
      %dma_wait3A_253 = tpu.memref_squeeze %dma_wait3A_252 : memref<1x640x32xf32, #tpu.memory_space<hbm>> -> memref<640x32xf32, #tpu.memory_space<hbm>>
      %dma_wait3A_254 = arith.constant 0 : i32
      %dma_wait3A_255 = tpu.memref_slice %arg5[%arg0, %mul3A_34, %dma_wait3A_254] : memref<2x10240x32xf32, #tpu.memory_space<hbm>> -> memref<1x640x32xf32, #tpu.memory_space<hbm>>
      %dma_wait3A_256 = tpu.memref_squeeze %dma_wait3A_255 : memref<1x640x32xf32, #tpu.memory_space<hbm>> -> memref<640x32xf32, #tpu.memory_space<hbm>>
      tpu.wait_dma2 semaphore(%run_scoped3A : memref<!tpu.dma_semaphore, #tpu.memory_space<semaphore_mem>>) src(%arg13 : memref<640x32xf32, #tpu.memory_space<vmem>>) dst(%dma_wait3A_256 : memref<640x32xf32, #tpu.memory_space<hbm>>)
      tpu.yield
    }) : () -> ()
    return
  }
}

module attributes {stable_mosaic.version = 14 : i64} {
  func.func @_stage_deg_body(%arg0: memref<32x80x128xf32, #tpu.memory_space<vmem>>, %arg1: memref<80x128xf32, #tpu.memory_space<vmem>>) attributes {dimension_semantics = [], scalar_prefetch = 0 : i64, scratch_operands = 0 : i64, tpu.core_type = #tpu.core_type<tc>} {
    %get3A = arith.constant 0 : index
    %get3A_0 = arith.constant 0 : index
    %get3A_1 = arith.constant 0 : index
    %get3A_2 = vector.load %arg0[%get3A, %get3A_0, %get3A_1] : memref<32x80x128xf32, #tpu.memory_space<vmem>>, vector<32x80x128xf32>
    %reduce_sum3A = arith.constant dense<0.000000e+00> : vector<80x128xf32>
    %reduce_sum3A_3 = vector.multi_reduction <add>, %get3A_2, %reduce_sum3A [0] : vector<32x80x128xf32> to vector<80x128xf32>
    %add3A = arith.constant 1.000000e+00 : f32
    %add3A_4 = vector.broadcast %add3A : f32 to vector<80x128xf32>
    %add3A_5 = arith.addf %reduce_sum3A_3, %add3A_4 : vector<80x128xf32>
    %rsqrt3A = math.rsqrt %add3A_5 : vector<80x128xf32>
    %swap3A = arith.constant 0 : index
    %swap3A_6 = arith.constant 0 : index
    %swap3A_7 = vector.load %arg1[%swap3A, %swap3A_6] : memref<80x128xf32, #tpu.memory_space<vmem>>, vector<80x128xf32>
    tpu.vector_store %arg1[%swap3A, %swap3A_6], %rsqrt3A {strides = array<i32>} : memref<80x128xf32, #tpu.memory_space<vmem>>, vector<80x128xf32>,
    return
  }
}

module attributes {stable_mosaic.version = 14 : i64} {
  func.func @_stage2_body(%arg0: memref<10000x128xf32, #tpu.memory_space<vmem>>, %arg1: memref<128x32xf32, #tpu.memory_space<vmem>>, %arg2: memref<10240x1xf32, #tpu.memory_space<vmem>>, %arg3: memref<10000x32xf32, #tpu.memory_space<vmem>>) attributes {dimension_semantics = [], scalar_prefetch = 0 : i64, scratch_operands = 0 : i64, tpu.core_type = #tpu.core_type<tc>} {
    %get3A = arith.constant 0 : index
    %get3A_0 = arith.constant 0 : index
    %get3A_1 = vector.load %arg0[%get3A, %get3A_0] : memref<10000x128xf32, #tpu.memory_space<vmem>>, vector<10000x128xf32>
    %get3A_2 = arith.constant 0 : index
    %get3A_3 = arith.constant 0 : index
    %get3A_4 = vector.load %arg1[%get3A_2, %get3A_3] : memref<128x32xf32, #tpu.memory_space<vmem>>, vector<128x32xf32>
    %dot_general3A = arith.constant dense<0.000000e+00> : vector<10000x32xf32>
    %dot_general3A_5 = tpu.matmul %get3A_1, %get3A_4, %dot_general3A {dimension_numbers = #tpu.dot_dimension_numbers<[1], [0], [0], [1], [0, 0, 1, 1], [], []>, transpose_lhs_hint = false} : vector<10000x128xf32>, vector<128x32xf32>, vector<10000x32xf32> -> vector<10000x32xf32>
    %get3A_6 = arith.constant 0 : index
    %get3A_7 = arith.constant 0 : index
    %get3A_8 = vector.load %arg2[%get3A_6, %get3A_7] : memref<10240x1xf32, #tpu.memory_space<vmem>>, vector<10240x1xf32>
    %slice3A = vector.extract_strided_slice %get3A_8 {offsets = [0, 0], sizes = [10000, 1], strides = [1, 1]} : vector<10240x1xf32> to vector<10000x1xf32>
    %mul3A = vector.broadcast %slice3A : vector<10000x1xf32> to vector<10000x32xf32>
    %mul3A_9 = arith.mulf %dot_general3A_5, %mul3A : vector<10000x32xf32>
    %swap3A = arith.constant 0 : index
    %swap3A_10 = arith.constant 0 : index
    %swap3A_11 = vector.load %arg3[%swap3A, %swap3A_10] : memref<10000x32xf32, #tpu.memory_space<vmem>>, vector<10000x32xf32>
    tpu.vector_store %arg3[%swap3A, %swap3A_10], %mul3A_9 {strides = array<i32>} : memref<10000x32xf32, #tpu.memory_space<vmem>>, vector<10000x32xf32>,
    return
  }
}

module attributes {stable_mosaic.version = 14 : i64} {
  func.func @_stage4_body(%arg0: memref<2x10240x32xf32, #tpu.memory_space<vmem>>, %arg1: memref<10000x32xf32, #tpu.memory_space<vmem>>, %arg2: memref<10240x1xf32, #tpu.memory_space<vmem>>, %arg3: memref<1x32xf32, #tpu.memory_space<vmem>>, %arg4: memref<32x32xf32, #tpu.memory_space<vmem>>, %arg5: memref<10000x32xf32, #tpu.memory_space<vmem>>) attributes {dimension_semantics = [], scalar_prefetch = 0 : i64, scratch_operands = 0 : i64, tpu.core_type = #tpu.core_type<tc>} {
    %get3A = arith.constant 0 : index
    %get3A_0 = arith.constant 0 : index
    %get3A_1 = vector.load %arg2[%get3A, %get3A_0] : memref<10240x1xf32, #tpu.memory_space<vmem>>, vector<10240x1xf32>
    %slice3A = vector.extract_strided_slice %get3A_1 {offsets = [0, 0], sizes = [10000, 1], strides = [1, 1]} : vector<10240x1xf32> to vector<10000x1xf32>
    %get3A_2 = arith.constant 0 : index
    %get3A_3 = arith.constant 0 : index
    %get3A_4 = arith.constant 0 : index
    %get3A_5 = vector.load %arg0[%get3A_2, %get3A_3, %get3A_4] : memref<2x10240x32xf32, #tpu.memory_space<vmem>>, vector<1x10000x32xf32>
    %get3A_6 = vector.shape_cast %get3A_5 : vector<1x10000x32xf32> to vector<10000x32xf32>
    %get3A_7 = arith.constant 1 : index
    %get3A_8 = arith.constant 0 : index
    %get3A_9 = arith.constant 0 : index
    %get3A_10 = vector.load %arg0[%get3A_7, %get3A_8, %get3A_9] : memref<2x10240x32xf32, #tpu.memory_space<vmem>>, vector<1x10000x32xf32>
    %get3A_11 = vector.shape_cast %get3A_10 : vector<1x10000x32xf32> to vector<10000x32xf32>
    %add3A = arith.addf %get3A_6, %get3A_11 : vector<10000x32xf32>
    %get3A_12 = arith.constant 0 : index
    %get3A_13 = arith.constant 0 : index
    %get3A_14 = vector.load %arg1[%get3A_12, %get3A_13] : memref<10000x32xf32, #tpu.memory_space<vmem>>, vector<10000x32xf32>
    %add3A_15 = arith.addf %add3A, %get3A_14 : vector<10000x32xf32>
    %mul3A = vector.broadcast %slice3A : vector<10000x1xf32> to vector<10000x32xf32>
    %mul3A_16 = arith.mulf %add3A_15, %mul3A : vector<10000x32xf32>
    %get3A_17 = arith.constant 0 : index
    %get3A_18 = arith.constant 0 : index
    %get3A_19 = vector.load %arg3[%get3A_17, %get3A_18] : memref<1x32xf32, #tpu.memory_space<vmem>>, vector<1x32xf32>
    %add3A_20 = vector.broadcast %get3A_19 : vector<1x32xf32> to vector<10000x32xf32>
    %add3A_21 = arith.addf %mul3A_16, %add3A_20 : vector<10000x32xf32>
    %max3A = arith.constant 0.000000e+00 : f32
    %max3A_22 = vector.broadcast %max3A : f32 to vector<10000x32xf32>
    %max3A_23 = arith.maximumf %add3A_21, %max3A_22 : vector<10000x32xf32>
    %get3A_24 = arith.constant 0 : index
    %get3A_25 = arith.constant 0 : index
    %get3A_26 = vector.load %arg4[%get3A_24, %get3A_25] : memref<32x32xf32, #tpu.memory_space<vmem>>, vector<32x32xf32>
    %dot_general3A = arith.constant dense<0.000000e+00> : vector<10000x32xf32>
    %dot_general3A_27 = tpu.matmul %max3A_23, %get3A_26, %dot_general3A {dimension_numbers = #tpu.dot_dimension_numbers<[1], [0], [0], [1], [0, 0, 1, 1], [], []>, transpose_lhs_hint = false} : vector<10000x32xf32>, vector<32x32xf32>, vector<10000x32xf32> -> vector<10000x32xf32>
    %mul3A_28 = vector.broadcast %slice3A : vector<10000x1xf32> to vector<10000x32xf32>
    %mul3A_29 = arith.mulf %dot_general3A_27, %mul3A_28 : vector<10000x32xf32>
    %swap3A = arith.constant 0 : index
    %swap3A_30 = arith.constant 0 : index
    %swap3A_31 = vector.load %arg5[%swap3A, %swap3A_30] : memref<10000x32xf32, #tpu.memory_space<vmem>>, vector<10000x32xf32>
    tpu.vector_store %arg5[%swap3A, %swap3A_30], %mul3A_29 {strides = array<i32>} : memref<10000x32xf32, #tpu.memory_space<vmem>>, vector<10000x32xf32>,
    return
  }
}

module attributes {stable_mosaic.version = 14 : i64} {
  func.func @_stage6_body(%arg0: memref<2x10240x32xf32, #tpu.memory_space<vmem>>, %arg1: memref<10000x32xf32, #tpu.memory_space<vmem>>, %arg2: memref<10240x1xf32, #tpu.memory_space<vmem>>, %arg3: memref<1x32xf32, #tpu.memory_space<vmem>>, %arg4: memref<1x10000xi32, #tpu.memory_space<vmem>>, %arg5: memref<32x32xf32, #tpu.memory_space<vmem>>, %arg6: memref<1x32xf32, #tpu.memory_space<vmem>>, %arg7: memref<32x1xf32, #tpu.memory_space<vmem>>, %arg8: memref<1x1xf32, #tpu.memory_space<vmem>>, %arg9: memref<64x1xf32, #tpu.memory_space<vmem>>) attributes {dimension_semantics = [], scalar_prefetch = 0 : i64, scratch_operands = 0 : i64, tpu.core_type = #tpu.core_type<tc>} {
    %get3A = arith.constant 0 : index
    %get3A_0 = arith.constant 0 : index
    %get3A_1 = vector.load %arg2[%get3A, %get3A_0] : memref<10240x1xf32, #tpu.memory_space<vmem>>, vector<10240x1xf32>
    %slice3A = vector.extract_strided_slice %get3A_1 {offsets = [0, 0], sizes = [10000, 1], strides = [1, 1]} : vector<10240x1xf32> to vector<10000x1xf32>
    %get3A_2 = arith.constant 0 : index
    %get3A_3 = arith.constant 0 : index
    %get3A_4 = arith.constant 0 : index
    %get3A_5 = vector.load %arg0[%get3A_2, %get3A_3, %get3A_4] : memref<2x10240x32xf32, #tpu.memory_space<vmem>>, vector<1x10000x32xf32>
    %get3A_6 = vector.shape_cast %get3A_5 : vector<1x10000x32xf32> to vector<10000x32xf32>
    %get3A_7 = arith.constant 1 : index
    %get3A_8 = arith.constant 0 : index
    %get3A_9 = arith.constant 0 : index
    %get3A_10 = vector.load %arg0[%get3A_7, %get3A_8, %get3A_9] : memref<2x10240x32xf32, #tpu.memory_space<vmem>>, vector<1x10000x32xf32>
    %get3A_11 = vector.shape_cast %get3A_10 : vector<1x10000x32xf32> to vector<10000x32xf32>
    %add3A = arith.addf %get3A_6, %get3A_11 : vector<10000x32xf32>
    %get3A_12 = arith.constant 0 : index
    %get3A_13 = arith.constant 0 : index
    %get3A_14 = vector.load %arg1[%get3A_12, %get3A_13] : memref<10000x32xf32, #tpu.memory_space<vmem>>, vector<10000x32xf32>
    %add3A_15 = arith.addf %add3A, %get3A_14 : vector<10000x32xf32>
    %mul3A = vector.broadcast %slice3A : vector<10000x1xf32> to vector<10000x32xf32>
    %mul3A_16 = arith.mulf %add3A_15, %mul3A : vector<10000x32xf32>
    %get3A_17 = arith.constant 0 : index
    %get3A_18 = arith.constant 0 : index
    %get3A_19 = vector.load %arg3[%get3A_17, %get3A_18] : memref<1x32xf32, #tpu.memory_space<vmem>>, vector<1x32xf32>
    %add3A_20 = vector.broadcast %get3A_19 : vector<1x32xf32> to vector<10000x32xf32>
    %add3A_21 = arith.addf %mul3A_16, %add3A_20 : vector<10000x32xf32>
    %max3A = arith.constant 0.000000e+00 : f32
    %max3A_22 = vector.broadcast %max3A : f32 to vector<10000x32xf32>
    %max3A_23 = arith.maximumf %add3A_21, %max3A_22 : vector<10000x32xf32>
    %iota3A = tpu.iota {dimensions = array<i32: 0>} : vector<64x10000xi32>
    %get3A_24 = arith.constant 0 : index
    %get3A_25 = arith.constant 0 : index
    %get3A_26 = vector.load %arg4[%get3A_24, %get3A_25] : memref<1x10000xi32, #tpu.memory_space<vmem>>, vector<1x10000xi32>
    %eq3A = vector.broadcast %get3A_26 : vector<1x10000xi32> to vector<64x10000xi32>
    %eq3A_27 = arith.cmpi eq, %iota3A, %eq3A : vector<64x10000xi32>
    %convert_element_type3A = arith.extui %eq3A_27 : vector<64x10000xi1> to vector<64x10000xi32>
    %convert_element_type3A_28 = arith.sitofp %convert_element_type3A : vector<64x10000xi32> to vector<64x10000xf32>
    %dot_general3A = arith.constant dense<0.000000e+00> : vector<64x32xf32>
    %dot_general3A_29 = tpu.matmul %convert_element_type3A_28, %max3A_23, %dot_general3A {dimension_numbers = #tpu.dot_dimension_numbers<[1], [0], [0], [1], [0, 0, 1, 1], [], []>, transpose_lhs_hint = false} : vector<64x10000xf32>, vector<10000x32xf32>, vector<64x32xf32> -> vector<64x32xf32>
    %reduce_sum3A = arith.constant dense<0.000000e+00> : vector<64xf32>
    %reduce_sum3A_30 = vector.multi_reduction <add>, %convert_element_type3A_28, %reduce_sum3A [1] : vector<64x10000xf32> to vector<64xf32>
    %broadcast_in_dim3A = vector.shape_cast %reduce_sum3A_30 : vector<64xf32> to vector<64x1xf32>
    %max3A_31 = arith.constant 1.000000e+00 : f32
    %max3A_32 = vector.broadcast %max3A_31 : f32 to vector<64x1xf32>
    %max3A_33 = arith.maximumf %broadcast_in_dim3A, %max3A_32 : vector<64x1xf32>
    %div3A = vector.broadcast %max3A_33 : vector<64x1xf32> to vector<64x32xf32>
    %div3A_34 = arith.divf %dot_general3A_29, %div3A : vector<64x32xf32>
    %get3A_35 = arith.constant 0 : index
    %get3A_36 = arith.constant 0 : index
    %get3A_37 = vector.load %arg5[%get3A_35, %get3A_36] : memref<32x32xf32, #tpu.memory_space<vmem>>, vector<32x32xf32>
    %dot_general3A_38 = arith.constant dense<0.000000e+00> : vector<64x32xf32>
    %dot_general3A_39 = tpu.matmul %div3A_34, %get3A_37, %dot_general3A_38 {dimension_numbers = #tpu.dot_dimension_numbers<[1], [0], [0], [1], [0, 0, 1, 1], [], []>, transpose_lhs_hint = false} : vector<64x32xf32>, vector<32x32xf32>, vector<64x32xf32> -> vector<64x32xf32>
    %get3A_40 = arith.constant 0 : index
    %get3A_41 = arith.constant 0 : index
    %get3A_42 = vector.load %arg6[%get3A_40, %get3A_41] : memref<1x32xf32, #tpu.memory_space<vmem>>, vector<1x32xf32>
    %add3A_43 = vector.broadcast %get3A_42 : vector<1x32xf32> to vector<64x32xf32>
    %add3A_44 = arith.addf %dot_general3A_39, %add3A_43 : vector<64x32xf32>
    %max3A_45 = arith.constant 0.000000e+00 : f32
    %max3A_46 = vector.broadcast %max3A_45 : f32 to vector<64x32xf32>
    %max3A_47 = arith.maximumf %add3A_44, %max3A_46 : vector<64x32xf32>
    %get3A_48 = arith.constant 0 : index
    %get3A_49 = arith.constant 0 : index
    %get3A_50 = vector.load %arg7[%get3A_48, %get3A_49] : memref<32x1xf32, #tpu.memory_space<vmem>>, vector<32x1xf32>
    %dot_general3A_51 = arith.constant dense<0.000000e+00> : vector<64x1xf32>
    %dot_general3A_52 = tpu.matmul %max3A_47, %get3A_50, %dot_general3A_51 {dimension_numbers = #tpu.dot_dimension_numbers<[1], [0], [0], [1], [0, 0, 1, 1], [], []>, transpose_lhs_hint = false} : vector<64x32xf32>, vector<32x1xf32>, vector<64x1xf32> -> vector<64x1xf32>
    %get3A_53 = arith.constant 0 : index
    %get3A_54 = arith.constant 0 : index
    %get3A_55 = vector.load %arg8[%get3A_53, %get3A_54] : memref<1x1xf32, #tpu.memory_space<vmem>>, vector<1x1xf32>
    %add3A_56 = vector.broadcast %get3A_55 : vector<1x1xf32> to vector<64x1xf32>
    %add3A_57 = arith.addf %dot_general3A_52, %add3A_56 : vector<64x1xf32>
    %logistic3A = arith.negf %add3A_57 : vector<64x1xf32>
    %logistic3A_58 = math.exp %logistic3A : vector<64x1xf32>
    %logistic3A_59 = arith.constant 1.000000e+00 : f32
    %logistic3A_60 = vector.broadcast %logistic3A_59 : f32 to vector<64x1xf32>
    %logistic3A_61 = arith.addf %logistic3A_60, %logistic3A_58 : vector<64x1xf32>
    %logistic3A_62 = arith.divf %logistic3A_60, %logistic3A_61 : vector<64x1xf32>
    %swap3A = arith.constant 0 : index
    %swap3A_63 = arith.constant 0 : index
    %swap3A_64 = vector.load %arg9[%swap3A, %swap3A_63] : memref<64x1xf32, #tpu.memory_space<vmem>>, vector<64x1xf32>
    tpu.vector_store %arg9[%swap3A, %swap3A_63], %logistic3A_62 {strides = array<i32>} : memref<64x1xf32, #tpu.memory_space<vmem>>, vector<64x1xf32>,
    return
  }
}

</mosaic_0001>

<sc_bundles>
// kernel: kernel.12.cloned.1.call-start
scs
__scs_entry_jumppad:
0x0: {  	(pc) =	sbr.rel $0x88, $3  }
0x1: {  	(tag) =	ssettag $0x0;
	lr =	simm.s32 $0x1  }
0x2: {  	[smem:$0x3F96] =	sst lr;
	_ =	strace $0xD0000000  }
0x3: {  	_ = 	snop  }
0x4: {  	_ = 	snop  }
0x5: {  	_ = 	snop  }
0x6: {  	_ = 	snop  }
0x7: {  	_ = 	snop  }
__scs_overlays_trampoline_lowered:
0x8: {  	[smem:$0x3FA5] =	sst s0  }
0x9: {  	[smem:$0x3FA6] =	sst s1  }
0xa: {  	[smem:$0x3FA7] =	sst s2  }
0xb: {  	[smem:$0x3FA8] =	sst s3  }
0xc: {  	[smem:$0x3FA9] =	sst s4  }
0xd: {  	[smem:$0x3FAA] =	sst s5  }
0xe: {  	[smem:$0x3FAB] =	sst s6  }
0xf: {  	[smem:$0x3FAC] =	sst s7  }
0x10: {  	[smem:$0x3FAD] =	sst s8  }
0x11: {  	[smem:$0x3FAE] =	sst s9;
	s0 =	simm.s32 @!p0 $0x0  }
0x12: {  	s1 =	sld [smem:$0x3F94];
	s0 =	simm.s32 @p0 $0x1  }
0x13: {  	[smem:$0x3FAF] =	sst s0;
	s0 =	simm.s32 @!p1 $0x0  }
0x14: {  	s2 =	sld [smem:$0x3F93];
	s0 =	simm.s32 @p1 $0x1  }
0x15: {  	[smem:$0x3FB0] =	sst s0;
	s0 =	simm.s32 @!p2 $0x0  }
0x16: {  	s3 =	sld [smem:$0x3FDB];
	s0 =	simm.s32 @p2 $0x1  }
0x17: {  	s4 =	simm.s32 $0x1BF5;
	[smem:$0x3FB2] =	sst s0  }
0x18: {  	s0 =	sld [smem:$0x3F95];
	_ =	swait.ge [sflag:s4], $0x0  }
0x19: {  	s7 =	sld [smem:$0x3F96]  }
0x1a: {  	s8 =	sadd.s32 $0xFFFFE003, lr  }
0x1b: {  	s9 =	sadd.s32 $0xFFFFFEF7, lr;
	s5 =	simm.s32 $0xFFFFFFFF;
	p2 =	slt.u32 s8, $0xFFFFF086  }
0x1c: {  	p1 =	slt.u32 s9, $0xF7A;
	s5 =	simm.s32 @!p2 $0x0  }
0x1d: {  	s5 =	simm.s32 @p1 $0x1;
	p0 =	seq.s32 s7, s2  }
0x1e: {  	s7 =	smul.u32 @!p0 $0xF7A, s2;
	p2 =	seq.s32 @!p0 s5, $0x0  }
0x1f: {  	s9 =	smul.u32 $0xF7A, s1;
	s8 =	simm.s32 @!p0 $0x1BF5;
	p2 =	por !p2, p0  }
0x20: {  	[sflag:s8] =	ssyncset.s32 @!p0 $0xFFFFF086;
	s6 =	sadd.s32 @!p0 s3, s7;
	s7 =	simm.s32 @!p0 $0x108  }
0x21: {  	s3 =	sadd.s32 s3, s9;
	s6 =	sadd.s32 @!p0 $0x88, s6;
	s7 =	simm.s32 @p2 $0x1082  }
0x22: {  	[simem:s7], [sflag:s8] =	dma.local @!p0 [hbm:s6], $0xF7A  }
0x23: {  	s9 =	sor.u32 $0xD0000000, s2;
	s6 =	simm.s32 $0x108;
	_ =	swait.ge @!p0 [sflag:s8], $0x0  }
0x24: {  	s3 =	sadd.s32 $0x88, s3;
	s6 =	simm.s32 @!p1 $0x1082;
	[sflag:s4] =	ssyncset.s32 $0xFFFFF086  }
0x25: {  	[simem:s6], [sflag:s4] =	dma.local [hbm:s3], $0xF7A  }
0x26: {  	[smem:$0x3F96] =	sst s1;
	(tag) =	ssettag s2;
	_ =	strace s9  }
0x27: {  	s1 =	sld [smem:$0x3FA6]  }
0x28: {  	s2 =	sld [smem:$0x3FA7]  }
0x29: {  	s4 =	sld [smem:$0x3FA9]  }
0x2a: {  	p0 =	seq.s32 s5, $0x0;
	s5 =	sld [smem:$0x3FAA]  }
0x2b: {  	s6 =	sld [smem:$0x3FAB]  }
0x2c: {  	s7 =	sld [smem:$0x3FAC]  }
0x2d: {  	s3 =	simm.s32 $0x108;
	s8 =	sld [smem:$0x3FAD]  }
0x2e: {  	s3 =	simm.s32 @!p0 $0x1082;
	s9 =	sld [smem:$0x3FAE]  }
0x2f: {  	lr =	sadd.s32 s0, s3;
	s0 =	sld [smem:$0x3FA5]  }
0x30: {  	s3 =	sld [smem:$0x3FA8]  }
0x31: {  	[smem:$0x3FB1] =	sst s10  }
0x32: {  	s10 =	sld [smem:$0x3FAF];
	_ =	sdelay $0x3  }
0x33: {  	p0 =	seq.s32 s10, $0x1;
	s10 =	sld [smem:$0x3FB1];
	_ =	sdelay $0x3  }
0x34: {  	[smem:$0x3FB1] =	sst s10  }
0x35: {  	s10 =	sld [smem:$0x3FB0];
	_ =	sdelay $0x3  }
0x36: {  	p1 =	seq.s32 s10, $0x1;
	s10 =	sld [smem:$0x3FB1];
	_ =	sdelay $0x3  }
0x37: {  	[smem:$0x3FB1] =	sst s10  }
0x38: {  	s10 =	sld [smem:$0x3FB2]  }
0x39: {  	_ = 	snop;
	(pc) =	sbr.ind lr, $3  }
0x3a: {  	_ = 	snop  }
0x3b: {  	_ = 	snop  }
0x3c: {  	p2 =	seq.s32 s10, $0x1;
	s10 =	sld [smem:$0x3FB1]  }
0x3d: {  	_ =	shalt  }
0x3e: {  	_ =	shalt  }
0x3f: {  	_ =	shalt  }
0x40: {  	_ =	shalt  }
0x41: {  	_ =	shalt  }
0x42: {  	_ =	shalt  }
0x43: {  	_ =	shalt  }
0x44: {  	_ =	shalt  }
0x45: {  	_ =	shalt  }
0x46: {  	_ =	shalt  }
0x47: {  	_ =	shalt  }
0x48: {  	_ =	shalt  }
0x49: {  	_ =	shalt  }
0x4a: {  	_ =	shalt  }
0x4b: {  	_ =	shalt  }
0x4c: {  	_ =	shalt  }
0x4d: {  	_ =	shalt  }
0x4e: {  	_ =	shalt  }
0x4f: {  	_ =	shalt  }
0x50: {  	_ =	shalt  }
0x51: {  	_ =	shalt  }
0x52: {  	_ =	shalt  }
0x53: {  	_ =	shalt  }
0x54: {  	_ =	shalt  }
0x55: {  	_ =	shalt  }
0x56: {  	_ =	shalt  }
0x57: {  	_ =	shalt  }
0x58: {  	_ =	shalt  }
0x59: {  	_ =	shalt  }
0x5a: {  	_ =	shalt  }
0x5b: {  	_ =	shalt  }
0x5c: {  	_ =	shalt  }
0x5d: {  	_ =	shalt  }
0x5e: {  	_ =	shalt  }
0x5f: {  	_ =	shalt  }
0x60: {  	_ =	shalt  }
0x61: {  	_ =	shalt  }
0x62: {  	_ =	shalt  }
0x63: {  	_ =	shalt  }
0x64: {  	_ =	shalt  }
0x65: {  	_ =	shalt  }
0x66: {  	_ =	shalt  }
0x67: {  	_ =	shalt  }
0x68: {  	_ =	shalt  }
0x69: {  	_ =	shalt  }
0x6a: {  	_ =	shalt  }
0x6b: {  	_ =	shalt  }
0x6c: {  	_ =	shalt  }
0x6d: {  	_ =	shalt  }
0x6e: {  	_ =	shalt  }
0x6f: {  	_ =	shalt  }
0x70: {  	_ =	shalt  }
0x71: {  	_ =	shalt  }
0x72: {  	_ =	shalt  }
0x73: {  	_ =	shalt  }
0x74: {  	_ =	shalt  }
0x75: {  	_ =	shalt  }
0x76: {  	_ =	shalt  }
0x77: {  	_ =	shalt  }
0x78: {  	_ =	shalt  }
0x79: {  	_ =	shalt  }
0x7a: {  	_ =	shalt  }
0x7b: {  	_ =	shalt  }
0x7c: {  	_ =	shalt  }
0x7d: {  	_ =	shalt  }
0x7e: {  	_ =	shalt  }
0x7f: {  	_ =	shalt  }
0x80: {  	_ =	shalt  }
0x81: {  	_ =	shalt  }
0x82: {  	_ =	shalt  }
0x83: {  	_ =	shalt  }
0x84: {  	_ =	shalt  }
0x85: {  	_ =	shalt  }
0x86: {  	_ =	shalt  }
0x87: {  	_ =	shalt  }
.Lfunc_end0:
.L_simem_size_0:
called_computation.1_lowered:
.L_overlay_start_0:
0x88: {  	s2 =	sld [smem:$0x3FD9]  }
0x89: {  	s3 =	sld [smem:$0x3FFE];
	_ =	sdelay $0x1  }
0x8a: {  	s1 =	srdreg.scid  }
0x8b: {  	s0 =	sand.u32 $0x1, s1  }
0x8c: {  	s16 =	sshll.u32 s0, $0xA;
	s2 =	sadd.s32 s3, s2  }
0x8d: {  	s2 =	sadd.s32 s2, s16  }
0x8e: {  	[smem:$0x3FBD] =	sst s2  }
0x8f: {  	_ = 	snop  }
0x90: {  	(tm) =	ssettm $0x1  }
0x91: {  	s17 =	sld [smem:$0x3FFB];
	_ =	sdelay $0x3  }
0x92: {  	_ =	strace s17  }
0x93: {  	s2 =	sld [smem:$0x3FFC];
	_ =	sdelay $0x3  }
0x94: {  	_ =	strace s2  }
0x95: {  	s2 =	sld [smem:$0x3FFD];
	_ =	sdelay $0x3  }
0x96: {  	_ =	strace s2  }
0x97: {  	_ =	strace $0x8FFFFFFF  }
0x98: {  	s18 =	sld [smem:$0x3FDB];
	_ =	sdelay $0x1  }
0x99: {  	s19 =	simm.s32 $_scs_section_size  }
0x9a: {  	s4 =	simm.s32 $_size__tile_overlayer_lowered;
	s5 =	simm.s32 $_tile_overlayer_lowered  }
0x9b: {  	s22 =	simm.s32 $0x1BFF;
	s21 =	sshll.u32 s5, $0x1;
	s2 =	sadd.s32 s19, s18  }
0x9c: {  	s6 =	simm.s32 $0x0;
	s20 =	sshll.u32 s4, $0x1;
	s4 =	sadd.s32 s21, s2  }
0x9d: {  	[timem:s6], [sflag:s22] =	dma.local [hbm:s4], s20  }
0x9e: {  	_ =	swait.ge [sflag:s22], s20  }
0x9f: {  	s3 =	ssub.s32 $0x0, s20;
	[sflag:s22] =	ssyncset.done $0x0  }
0xa0: {  	[sflag:s22] =	ssyncadd.s32 s3;
	_ =	sdelay $0x1  }
0xa1: {  	s23 =	simm.s32 $0x1B8B  }
0xa2: {  	_ =	swait.ge [sflag:s23], $0x1  }
0xa3: {  	[sflag:s23] =	ssyncset.done $0x0  }
0xa4: {  	s25 =	simm.s32 $0x1B8E;
	s24 =	sld [smem:$0x3FFE];
	[sflag:s23] =	ssyncadd.s32 $0xFFFFFFFF  }
0xa5: {  	s26 =	simm.s32 $execute0_lowered;
	[smem:$0x3FD2] =	sst s25  }
0xa6: {  	s4 =	sshll.u32 s26, $0x1;
	_ =	strace $0x80000049;
	[dreg:$0x1] =	wrdreg $0xFFFFFFFF  }
0xa7: {  	s28 =	simm.s32 $_size_execute0_lowered;
	s2 =	sadd.s32 s2, s4;
	[dreg:$0x0] =	wrdreg $0x0  }
0xa8: {  	s4 =	sshll.u32 s28, $0x1;
	[dreg:$0x2] =	wrdreg s2  }
0xa9: {  	[dreg:$0x3] =	wrdreg s4  }
0xaa: {  	[dreg:$0x4] =	wrdreg $0xC0  }
0xab: {  	_ =	task [dreg:s6], $0x5FFFF  }
0xac: {  	[dreg:$0x1] =	wrdreg $0xFFFFFFFF  }
0xad: {  	[dreg:$0x0] =	wrdreg $0x60  }
0xae: {  	[dreg:$0x2] =	wrdreg s24  }
0xaf: {  	[dreg:$0x3] =	wrdreg $0xE8000  }
0xb0: {  	[dreg:$0x4] =	wrdreg $0x138000  }
0xb1: {  	[dreg:$0x5] =	wrdreg $0x9  }
0xb2: {  	_ =	task.clear_ibuf [dreg:s6], $0x6FFFF;
	_ =	strace $0x90000049  }
0xb3: {  	s29 =	simm.s32 $0x9;
	_ =	strace $0x8000004B  }
0xb4: {  	_ =	swait.ge [sflag:s29], $0x1  }
0xb5: {  	[sflag:s29] =	ssyncadd.s32 $0xFFFFFFFF  }
0xb6: {  	_ =	strace $0x9000004B  }
0xb7: {  	_ =	sfence  }
0xb8: {  	s30 =	sld [smem:$0x0];
	_ =	sdelay $0x2  }
0xb9: {  	s31 =	sshll.u32 s1, $0xD;
	s1 =	sshrl.u32 s1, $0x2  }
0xba: {  	s3 =	sand.u32 $0x4000, s31;
	s1 =	sadd.s32 s1, s30  }
0xbb: {  	s0 =	sor.u32 s3, s0;
	s1 =	sshll.u32 s1, $0x11  }
0xbc: {  	s0 =	sor.u32 s1, s0  }
0xbd: {  	s0 =	sadd.s32 $0x8F2B, s0  }
0xbe: {  	[sflag:s0] =	ssyncadd.remote.s32 $0x1  }
0xbf: {  	_ =	sfence.sel $0xFFFF  }
0xc0: {  	[dreg:$0x0] =	wrdreg $0xFFFFFFFF;
	(pc) =	sbr.abs _section_cstart, $3  }
0xc1: {  	[dreg:$0x1] =	wrdreg $0xFFFFFFFF  }
0xc2: {  	_ =	task.clear_ibuf [dreg:s6], $0x2FFFF;
	_ =	strace $0x9FFFFFFF  }
0xc3: {  	(tm) =	ssettm $0x7FFFFFFF  }
tec
execute0_lowered:
.L_overlay_start_1:
0x0: {  	(tag) =	ssettag $0x1  }
0x1: {  	s0 =	rddreg [dreg:$0x0]  }
0x2: {  	s2 =	rddreg [dreg:$0x1];
	s10 =	stileid.u32  }
0x3: {  	s3 =	rddreg [dreg:$0x2];
	s4 =	simm.s32 $0x0;
	s5 =	smul.u32 $0x2800, s10  }
0x4: {  	s1 =	srdreg.scid;
	s28 =	simm.s32 $0x8;
	s6 =	smul.u32 $0x4E20, s10  }
0x5: {  	s29 =	simm.s32 $0x3;
	s30 =	simm.s32 $0x1;
	s8 =	smul.u32 $0x5000, s10  }
0x6: {  	s31 =	simm.s32 $0x2;
	s1 =	sand.u32 $0x1, s1;
	s10 =	smul.u32 $0x14000, s10  }
0x7: {  	[smem:$0x7FF] =	sst s4;
	p0 =	seq.s32 s1, $0x0;
	s17 =	smul.u32 $0x50000, s1  }
0x8: {  	_ =	strace $0x8000004A;
	s1 =	ssub.s32 $0x2, s1;
	s7 =	sadd.s32 $0x28000, s5  }
0x9: {  	s9 =	sshrl.u32 s6, $0x3;
	s11 =	sshrl.u32 s1, $0x1;
	s18 =	sshrl.u32 s10, $0x2  }
0xa: {  	s10 =	simm.s32 $0x9;
	s7 =	smov.u32 @p0 s5;
	s9 =	sadd.s32 s9, s0  }
0xb: {  	s5 =	sadd.s32 s8, s17;
	s1 =	ssub.s32 s1, s11;
	s8 =	sadd.s32 s8, s2  }
0xc: {  	s11 =	simm.s32 $0x0;
	s7 =	sshrl.u32 s7, $0x3;
	s5 =	sshrl.u32 s5, $0x3  }
0xd: {  	s20 =	sadd.s32 $0x1600, s9;
	s9 =	simm.s32 $0x8000;
	s7 =	sadd.s32 s7, s0  }
0xe: {  	s0 =	sadd.s32 s5, s0;
	[dreg:$0x6] =	wrdreg s20;
	s19 =	sadd.s32 $0x65C00, s7  }
0xf: {  	s5 =	sadd.s32 s18, s2;
	s7 =	sadd.s32 $0x5B600, s7;
	[dreg:$0x4] =	wrdreg s19  }
0x10: {  	s18 =	sadd.s32 s6, s3;
	s21 =	sadd.s32 $0x800, s5;
	[dreg:$0x5] =	wrdreg s7  }
0x11: {  	s20 =	smax.u32 s1, $0x1;
	s22 =	sadd.s32 $0x1000, s5;
	[dreg:$0x7] =	wrdreg s21  }
0x12: {  	s1 =	simm.s32 $0x80;
	s23 =	sadd.s32 $0x1800, s5;
	[dreg:$0x8] =	wrdreg s22  }
0x13: {  	s6 =	simm.s32 $0x6000;
	s24 =	sadd.s32 $0x2000, s5;
	[dreg:$0x9] =	wrdreg s23  }
0x14: {  	s25 =	sadd.s32 $0x2800, s5;
	s26 =	sadd.s32 $0x3000, s5;
	[dreg:$0xa] =	wrdreg s24  }
0x15: {  	s15 =	sadd.s32 $0x3800, s5;
	s16 =	sadd.s32 $0x4000, s5;
	[dreg:$0xb] =	wrdreg s25  }
0x16: {  	s17 =	sadd.s32 $0x4800, s5;
	s5 =	simm.s32 $0x5000;
	[dreg:$0xc] =	wrdreg s26  }
0x17: {  	s19 =	sadd.s32 $0xB400, s0;
	s21 =	simm.s32 $0x2800;
	s22 =	simm.s32 $0x9800  }
0x18: {  	s23 =	simm.s32 $0x9000;
	s24 =	simm.s32 $0x5;
	s25 =	simm.s32 $0x6  }
0x19: {  	v0 =	vimm.f32 $0.0e+00;
	s26 =	simm.s32 $0x7;
	s0 =	simm.s32 $0x4;
	s7 =	simm.s32 $0x7000  }
.LBB2_1:
0x1a: {  	s12 =	rddreg [dreg:$0x4]  }
0x1b: {  	[tilespmem:s4], [sflag:$0x1] =	stream.linear.gather [hbm4b:s12+s4], $0x2800, $0x38;
	[tilespmem:$0x18620] =	vst v63  }
0x1c: {  	s13 =	rddreg [dreg:$0x5]  }
0x1d: {  	[tilespmem:s21], [sflag:$0x2] =	stream.linear.gather [hbm4b:s13+s4], $0x2800, $0x38;
	[tilespmem:$0x18620] =	vst v63  }
0x1e: {  	s14 =	rddreg [dreg:$0x6];
	s12 =	simm.s32 $0x80;
	s13 =	simm.s32 $0x0  }
0x1f: {  	[tilespmem:s22], [sflag:$0x3] =	stream.linear.gather [hbm4b:s14+s4], $0x4E20, $0x38;
	[tilespmem:$0x18620] =	vst v63  }
.LBB2_2:
0x20: {  	p0 =	sne.s32 s12, $0x1F80;
	[tilespmem:s13+$0x9000] =	vst v0;
	s14 =	smov.u32 s12;
	s12 =	sadd.s32 $0x80, s12  }
.Ltmp0:
0x21: {  	[tilespmem:s13+$0x9010] =	vst v0;
	(pc) =	sbr.rel @p0 .LBB2_2-.Ltmp0, $2  }
0x22: {  	_ =	sdelay $0x2  }
0x23: {  	s13 =	sshra.s32 s14, $0x2  }
0x24: {  	[tilespmem:s13+$0x9000] =	vst v0  }
0x25: {  	[tilespmem:s13+$0x9010] =	vst v0  }
0x26: {  	[spmem:s8] =	stream.linear.scatter [tilespmem:s23], [sflag:$0x5], $0x800, $0x38;
	[tilespmem:$0x18620] =	vst v63  }
0x27: {  	s12 =	rddreg [dreg:$0x7]  }
0x28: {  	[spmem:s12] =	stream.linear.scatter [tilespmem:s23], [sflag:$0x6], $0x800, $0x38;
	[tilespmem:$0x18620] =	vst v63  }
0x29: {  	s13 =	rddreg [dreg:$0x8]  }
0x2a: {  	[spmem:s13] =	stream.linear.scatter [tilespmem:s23], [sflag:$0x7], $0x800, $0x38;
	[tilespmem:$0x18620] =	vst v63  }
0x2b: {  	s14 =	rddreg [dreg:$0x9]  }
0x2c: {  	[spmem:s14] =	stream.linear.scatter [tilespmem:s23], [sflag:$0x8], $0x800, $0x38;
	[tilespmem:$0x18620] =	vst v63  }
0x2d: {  	_ =	swait.ge [sflag:s24], $0x800  }
0x2e: {  	[sflag:s24] =	ssyncset.done $0x0  }
0x2f: {  	s13 =	rddreg [dreg:$0xa];
	[sflag:s24] =	ssyncadd.s32 $0xFFFFF800  }
0x30: {  	[spmem:s13] =	stream.linear.scatter [tilespmem:s23], [sflag:$0x5], $0x800, $0x38;
	[tilespmem:$0x18620] =	vst v63  }
0x31: {  	_ =	swait.ge [sflag:s25], $0x800  }
0x32: {  	[sflag:s25] =	ssyncset.done $0x0  }
0x33: {  	s14 =	rddreg [dreg:$0xb];
	[sflag:s25] =	ssyncadd.s32 $0xFFFFF800  }
0x34: {  	[spmem:s14] =	stream.linear.scatter [tilespmem:s23], [sflag:$0x6], $0x800, $0x38;
	[tilespmem:$0x18620] =	vst v63  }
0x35: {  	_ =	swait.ge [sflag:s26], $0x800  }
0x36: {  	[sflag:s26] =	ssyncset.done $0x0  }
0x37: {  	s13 =	rddreg [dreg:$0xc];
	[sflag:s26] =	ssyncadd.s32 $0xFFFFF800  }
0x38: {  	[spmem:s13] =	stream.linear.scatter [tilespmem:s23], [sflag:$0x7], $0x800, $0x38;
	[tilespmem:$0x18620] =	vst v63  }
0x39: {  	_ =	swait.ge [sflag:s28], $0x800  }
0x3a: {  	[sflag:s28] =	ssyncset.done $0x0  }
0x3b: {  	[sflag:s28] =	ssyncadd.s32 $0xFFFFF800  }
0x3c: {  	[spmem:s15] =	stream.linear.scatter [tilespmem:s23], [sflag:$0x8], $0x800, $0x38;
	[tilespmem:$0x18620] =	vst v63  }
0x3d: {  	_ =	swait.ge [sflag:s24], $0x800  }
0x3e: {  	[sflag:s24] =	ssyncset.done $0x0  }
0x3f: {  	[sflag:s24] =	ssyncadd.s32 $0xFFFFF800  }
0x40: {  	[spmem:s16] =	stream.linear.scatter [tilespmem:s23], [sflag:$0x5], $0x800, $0x38;
	[tilespmem:$0x18620] =	vst v63  }
0x41: {  	_ =	swait.ge [sflag:s25], $0x800  }
0x42: {  	[sflag:s25] =	ssyncset.done $0x0  }
0x43: {  	[sflag:s25] =	ssyncadd.s32 $0xFFFFF800  }
0x44: {  	[spmem:s17] =	stream.linear.scatter [tilespmem:s23], [sflag:$0x6], $0x800, $0x38;
	[tilespmem:$0x18620] =	vst v63  }
0x45: {  	_ =	swait.ge [sflag:s29], $0x4E20  }
0x46: {  	[sflag:s29] =	ssyncset.done $0x0  }
0x47: {  	[sflag:s29] =	ssyncadd.s32 $0xFFFFB1E0  }
0x48: {  	[spmem:s18] =	stream.linear.scatter [tilespmem:s22], [sflag:$0x4], $0x4E20, $0x38;
	[tilespmem:$0x18620] =	vst v63  }
0x49: {  	_ =	swait.ge [sflag:s30], $0x2800  }
0x4a: {  	[sflag:s30] =	ssyncset.done $0x0  }
0x4b: {  	[sflag:s30] =	ssyncadd.s32 $0xFFFFD800  }
0x4c: {  	_ =	swait.ge [sflag:s31], $0x2800  }
0x4d: {  	[sflag:s31] =	ssyncset.done $0x0  }
0x4e: {  	[sflag:s31] =	ssyncadd.s32 $0xFFFFD800  }
0x4f: {  	_ =	swait.ge [sflag:s26], $0x800  }
0x50: {  	[sflag:s26] =	ssyncset.done $0x0  }
0x51: {  	[sflag:s26] =	ssyncadd.s32 $0xFFFFF800  }
0x52: {  	_ =	swait.ge [sflag:s28], $0x800  }
0x53: {  	[sflag:s28] =	ssyncset.done $0x0  }
0x54: {  	[sflag:s28] =	ssyncadd.s32 $0xFFFFF800  }
0x55: {  	_ =	swait.ge [sflag:s24], $0x800  }
0x56: {  	[sflag:s24] =	ssyncset.done $0x0  }
0x57: {  	[sflag:s24] =	ssyncadd.s32 $0xFFFFF800  }
0x58: {  	_ =	swait.ge [sflag:s25], $0x800  }
0x59: {  	[sflag:s25] =	ssyncset.done $0x0  }
0x5a: {  	[sflag:s25] =	ssyncadd.s32 $0xFFFFF800  }
0x5b: {  	_ =	swait.ge [sflag:s0], $0x4E20  }
0x5c: {  	[sflag:s0] =	ssyncset.done $0x0  }
0x5d: {  	[sflag:s0] =	ssyncadd.s32 $0xFFFFB1E0  }
0x5e: {  	s14 =	simm.s32 $0x0;
	[bflag:$0x0] =	sbarrier.arrive $0xFFFF  }
0x5f: {  	[tilespmem:s5], [sflag:$0x1] =	stream.indirect.gather [spmem:s3], $0x20, s14, s1, $0xb8;
	[tilespmem:$0x18620] =	vst v63  }
0x60: {  	_ = 	snop  }
0x61: {  	[tilespmem:s6], [sflag:$0x2] =	stream.indirect.gather [spmem:s3], $0x20, s1, s1, $0xb8;
	[tilespmem:$0x18620] =	vst v63  }
0x62: {  	s13 =	simm.s32 $0x100  }
0x63: {  	[tilespmem:s7], [sflag:$0x3] =	stream.indirect.gather [spmem:s3], $0x20, s13, s1, $0xb8;
	[tilespmem:$0x18620] =	vst v63  }
0x64: {  	_ =	swait.ge [sflag:s30], $0x1000  }
0x65: {  	[sflag:s30] =	ssyncset.done $0x0  }
0x66: {  	[sflag:s30] =	ssyncadd.s32 $0xFFFFF000  }
0x67: {  	[spmem:s2] =	stream.indirect.scatter.add.f32 [tilespmem:s5], [sflag:$0x5], $0x20, s21, s1, $0xb8;
	[tilespmem:$0x18620] =	vst v63  }
0x68: {  	s14 =	simm.s32 $0x180  }
0x69: {  	[tilespmem:s9], [sflag:$0x4] =	stream.indirect.gather [spmem:s3], $0x20, s14, s1, $0xb8;
	[tilespmem:$0x18620] =	vst v63  }
0x6a: {  	_ =	swait.ge [sflag:s31], $0x1000  }
0x6b: {  	[sflag:s31] =	ssyncset.done $0x0  }
0x6c: {  	s13 =	simm.s32 $0x2880;
	[sflag:s31] =	ssyncadd.s32 $0xFFFFF000  }
0x6d: {  	[spmem:s2] =	stream.indirect.scatter.add.f32 [tilespmem:s6], [sflag:$0x6], $0x20, s13, s1, $0xb8;
	[tilespmem:$0x18620] =	vst v63  }
0x6e: {  	_ =	swait.ge [sflag:s24], $0x1000  }
0x6f: {  	[sflag:s24] =	ssyncset.done $0x0  }
0x70: {  	s14 =	simm.s32 $0x200;
	[sflag:s24] =	ssyncadd.s32 $0xFFFFF000  }
0x71: {  	[tilespmem:s5], [sflag:$0x1] =	stream.indirect.gather [spmem:s3], $0x20, s14, s1, $0xb8;
	[tilespmem:$0x18620] =	vst v63  }
0x72: {  	_ =	swait.ge [sflag:s29], $0x1000  }
0x73: {  	[sflag:s29] =	ssyncset.done $0x0  }
0x74: {  	s13 =	simm.s32 $0x2900;
	[sflag:s29] =	ssyncadd.s32 $0xFFFFF000  }
0x75: {  	[spmem:s2] =	stream.indirect.scatter.add.f32 [tilespmem:s7], [sflag:$0x7], $0x20, s13, s1, $0xb8;
	[tilespmem:$0x18620] =	vst v63  }
0x76: {  	_ =	swait.ge [sflag:s25], $0x1000  }
0x77: {  	[sflag:s25] =	ssyncset.done $0x0  }
0x78: {  	s14 =	simm.s32 $0x280;
	[sflag:s25] =	ssyncadd.s32 $0xFFFFF000  }
0x79: {  	[tilespmem:s6], [sflag:$0x2] =	stream.indirect.gather [spmem:s3], $0x20, s14, s1, $0xb8;
	[tilespmem:$0x18620] =	vst v63  }
0x7a: {  	_ =	swait.ge [sflag:s0], $0x1000  }
0x7b: {  	[sflag:s0] =	ssyncset.done $0x0  }
0x7c: {  	s13 =	simm.s32 $0x2980;
	[sflag:s0] =	ssyncadd.s32 $0xFFFFF000  }
0x7d: {  	[spmem:s2] =	stream.indirect.scatter.add.f32 [tilespmem:s9], [sflag:$0x8], $0x20, s13, s1, $0xb8;
	[tilespmem:$0x18620] =	vst v63  }
0x7e: {  	_ =	swait.ge [sflag:s26], $0x1000  }
0x7f: {  	[sflag:s26] =	ssyncset.done $0x0  }
0x80: {  	s14 =	simm.s32 $0x300;
	[sflag:s26] =	ssyncadd.s32 $0xFFFFF000  }
0x81: {  	[tilespmem:s7], [sflag:$0x3] =	stream.indirect.gather [spmem:s3], $0x20, s14, s1, $0xb8;
	[tilespmem:$0x18620] =	vst v63  }
0x82: {  	_ =	swait.ge [sflag:s30], $0x1000  }
0x83: {  	[sflag:s30] =	ssyncset.done $0x0  }
0x84: {  	s13 =	simm.s32 $0x2A00;
	[sflag:s30] =	ssyncadd.s32 $0xFFFFF000  }
0x85: {  	[spmem:s2] =	stream.indirect.scatter.add.f32 [tilespmem:s5], [sflag:$0x5], $0x20, s13, s1, $0xb8;
	[tilespmem:$0x18620] =	vst v63  }
0x86: {  	_ =	swait.ge [sflag:s28], $0x1000  }
0x87: {  	[sflag:s28] =	ssyncset.done $0x0  }
0x88: {  	s14 =	simm.s32 $0x380;
	[sflag:s28] =	ssyncadd.s32 $0xFFFFF000  }
0x89: {  	[tilespmem:s9], [sflag:$0x4] =	stream.indirect.gather [spmem:s3], $0x20, s14, s1, $0xb8;
	[tilespmem:$0x18620] =	vst v63  }
0x8a: {  	_ =	swait.ge [sflag:s31], $0x1000  }
0x8b: {  	[sflag:s31] =	ssyncset.done $0x0  }
0x8c: {  	s13 =	simm.s32 $0x2A80;
	[sflag:s31] =	ssyncadd.s32 $0xFFFFF000  }
0x8d: {  	[spmem:s2] =	stream.indirect.scatter.add.f32 [tilespmem:s6], [sflag:$0x6], $0x20, s13, s1, $0xb8;
	[tilespmem:$0x18620] =	vst v63  }
0x8e: {  	_ =	swait.ge [sflag:s24], $0x1000  }
0x8f: {  	[sflag:s24] =	ssyncset.done $0x0  }
0x90: {  	s14 =	simm.s32 $0x400;
	[sflag:s24] =	ssyncadd.s32 $0xFFFFF000  }
0x91: {  	[tilespmem:s5], [sflag:$0x1] =	stream.indirect.gather [spmem:s3], $0x20, s14, s1, $0xb8;
	[tilespmem:$0x18620] =	vst v63  }
0x92: {  	_ =	swait.ge [sflag:s29], $0x1000  }
0x93: {  	[sflag:s29] =	ssyncset.done $0x0  }
0x94: {  	s13 =	simm.s32 $0x2B00;
	[sflag:s29] =	ssyncadd.s32 $0xFFFFF000  }
0x95: {  	[spmem:s2] =	stream.indirect.scatter.add.f32 [tilespmem:s7], [sflag:$0x7], $0x20, s13, s1, $0xb8;
	[tilespmem:$0x18620] =	vst v63  }
0x96: {  	_ =	swait.ge [sflag:s25], $0x1000  }
0x97: {  	[sflag:s25] =	ssyncset.done $0x0  }
0x98: {  	s14 =	simm.s32 $0x480;
	[sflag:s25] =	ssyncadd.s32 $0xFFFFF000  }
0x99: {  	[tilespmem:s6], [sflag:$0x2] =	stream.indirect.gather [spmem:s3], $0x20, s14, s1, $0xb8;
	[tilespmem:$0x18620] =	vst v63  }
0x9a: {  	_ =	swait.ge [sflag:s0], $0x1000  }
0x9b: {  	[sflag:s0] =	ssyncset.done $0x0  }
0x9c: {  	s12 =	simm.s32 $0x800;
	s13 =	simm.s32 $0x2B80;
	[sflag:s0] =	ssyncadd.s32 $0xFFFFF000  }
.LBB2_4:
0x9d: {  	[spmem:s2] =	stream.indirect.scatter.add.f32 [tilespmem:s9], [sflag:$0x8], $0x20, s13, s1, $0xb8;
	[tilespmem:$0x18620] =	vst v63  }
0x9e: {  	s13 =	smov.u32 s12  }
0x9f: {  	p0 =	sne.s32 s12, $0x8800;
	s12 =	sadd.s32 $0x800, s12;
	_ =	swait.ge [sflag:s26], $0x1000  }
0xa0: {  	s13 =	sshra.s32 s13, $0x2;
	[sflag:s26] =	ssyncset.done $0x0  }
0xa1: {  	s14 =	sadd.s32 $0x300, s13;
	[sflag:s26] =	ssyncadd.s32 $0xFFFFF000  }
0xa2: {  	[tilespmem:s7], [sflag:$0x3] =	stream.indirect.gather [spmem:s3], $0x20, s14, s1, $0xb8;
	[tilespmem:$0x18620] =	vst v63  }
0xa3: {  	_ =	swait.ge [sflag:s30], $0x1000  }
0xa4: {  	[sflag:s30] =	ssyncset.done $0x0  }
0xa5: {  	s14 =	sadd.s32 $0x2A00, s13;
	[sflag:s30] =	ssyncadd.s32 $0xFFFFF000  }
0xa6: {  	[spmem:s2] =	stream.indirect.scatter.add.f32 [tilespmem:s5], [sflag:$0x5], $0x20, s14, s1, $0xb8;
	[tilespmem:$0x18620] =	vst v63  }
0xa7: {  	_ =	swait.ge [sflag:s28], $0x1000  }
0xa8: {  	[sflag:s28] =	ssyncset.done $0x0  }
0xa9: {  	s14 =	sadd.s32 $0x380, s13;
	[sflag:s28] =	ssyncadd.s32 $0xFFFFF000  }
0xaa: {  	[tilespmem:s9], [sflag:$0x4] =	stream.indirect.gather [spmem:s3], $0x20, s14, s1, $0xb8;
	[tilespmem:$0x18620] =	vst v63  }
0xab: {  	_ =	swait.ge [sflag:s31], $0x1000  }
0xac: {  	[sflag:s31] =	ssyncset.done $0x0  }
0xad: {  	s14 =	sadd.s32 $0x2A80, s13;
	[sflag:s31] =	ssyncadd.s32 $0xFFFFF000  }
0xae: {  	[spmem:s2] =	stream.indirect.scatter.add.f32 [tilespmem:s6], [sflag:$0x6], $0x20, s14, s1, $0xb8;
	[tilespmem:$0x18620] =	vst v63  }
0xaf: {  	_ =	swait.ge [sflag:s24], $0x1000  }
0xb0: {  	[sflag:s24] =	ssyncset.done $0x0  }
0xb1: {  	s14 =	sadd.s32 $0x400, s13;
	[sflag:s24] =	ssyncadd.s32 $0xFFFFF000  }
0xb2: {  	[tilespmem:s5], [sflag:$0x1] =	stream.indirect.gather [spmem:s3], $0x20, s14, s1, $0xb8;
	[tilespmem:$0x18620] =	vst v63  }
0xb3: {  	_ =	swait.ge [sflag:s29], $0x1000  }
0xb4: {  	[sflag:s29] =	ssyncset.done $0x0  }
0xb5: {  	s14 =	sadd.s32 $0x2B00, s13;
	[sflag:s29] =	ssyncadd.s32 $0xFFFFF000  }
0xb6: {  	[spmem:s2] =	stream.indirect.scatter.add.f32 [tilespmem:s7], [sflag:$0x7], $0x20, s14, s1, $0xb8;
	[tilespmem:$0x18620] =	vst v63  }
0xb7: {  	_ =	swait.ge [sflag:s25], $0x1000  }
0xb8: {  	[sflag:s25] =	ssyncset.done $0x0  }
.Ltmp1:
0xb9: {  	s14 =	sadd.s32 $0x480, s13;
	[sflag:s25] =	ssyncadd.s32 $0xFFFFF000;
	(pc) =	sbr.rel @p0 .LBB2_4-.Ltmp1, $4  }
0xba: {  	[tilespmem:s6], [sflag:$0x2] =	stream.indirect.gather [spmem:s3], $0x20, s14, s1, $0xb8;
	[tilespmem:$0x18620] =	vst v63  }
0xbb: {  	_ =	swait.ge [sflag:s0], $0x1000  }
0xbc: {  	[sflag:s0] =	ssyncset.done $0x0  }
0xbd: {  	s13 =	sadd.s32 $0x2B80, s13;
	[sflag:s0] =	ssyncadd.s32 $0xFFFFF000  }
0xbe: {  	[spmem:s2] =	stream.indirect.scatter.add.f32 [tilespmem:s9], [sflag:$0x8], $0x20, s13, s1, $0xb8;
	[tilespmem:$0x18620] =	vst v63  }
0xbf: {  	_ =	swait.ge [sflag:s26], $0x1000  }
0xc0: {  	[sflag:s26] =	ssyncset.done $0x0  }
0xc1: {  	s12 =	simm.s32 $0x2700;
	[sflag:s26] =	ssyncadd.s32 $0xFFFFF000  }
0xc2: {  	[tilespmem:s7], [sflag:$0x3] =	stream.indirect.gather [spmem:s3], $0x20, s12, s1, $0xb8;
	[tilespmem:$0x18620] =	vst v63  }
0xc3: {  	_ =	swait.ge [sflag:s30], $0x1000  }
0xc4: {  	[sflag:s30] =	ssyncset.done $0x0  }
0xc5: {  	s14 =	simm.s32 $0x4E00;
	[sflag:s30] =	ssyncadd.s32 $0xFFFFF000  }
0xc6: {  	[spmem:s2] =	stream.indirect.scatter.add.f32 [tilespmem:s5], [sflag:$0x5], $0x20, s14, s1, $0xb8;
	[tilespmem:$0x18620] =	vst v63  }
0xc7: {  	_ =	swait.ge [sflag:s28], $0x1000  }
0xc8: {  	[sflag:s28] =	ssyncset.done $0x0  }
0xc9: {  	s13 =	simm.s32 $0x2780;
	[sflag:s28] =	ssyncadd.s32 $0xFFFFF000  }
0xca: {  	[tilespmem:s9], [sflag:$0x4] =	stream.indirect.gather [spmem:s3], $0x20, s13, s1, $0xb8;
	[tilespmem:$0x18620] =	vst v63  }
0xcb: {  	_ =	swait.ge [sflag:s31], $0x1000  }
0xcc: {  	[sflag:s31] =	ssyncset.done $0x0  }
0xcd: {  	s14 =	simm.s32 $0x4E80;
	[sflag:s31] =	ssyncadd.s32 $0xFFFFF000  }
0xce: {  	[spmem:s2] =	stream.indirect.scatter.add.f32 [tilespmem:s6], [sflag:$0x6], $0x20, s14, s1, $0xb8;
	[tilespmem:$0x18620] =	vst v63  }
0xcf: {  	_ =	swait.ge [sflag:s24], $0x1000  }
0xd0: {  	[sflag:s24] =	ssyncset.done $0x0  }
0xd1: {  	[sflag:s24] =	ssyncadd.s32 $0xFFFFF000  }
0xd2: {  	_ =	swait.ge [sflag:s29], $0x1000  }
0xd3: {  	[sflag:s29] =	ssyncset.done $0x0  }
0xd4: {  	s13 =	simm.s32 $0x4F00;
	[sflag:s29] =	ssyncadd.s32 $0xFFFFF000  }
0xd5: {  	[spmem:s2] =	stream.indirect.scatter.add.f32 [tilespmem:s7], [sflag:$0x7], $0x20, s13, s1, $0xb8;
	[tilespmem:$0x18620] =	vst v63  }
0xd6: {  	_ =	swait.ge [sflag:s25], $0x1000  }
0xd7: {  	[sflag:s25] =	ssyncset.done $0x0  }
0xd8: {  	[sflag:s25] =	ssyncadd.s32 $0xFFFFF000  }
0xd9: {  	_ =	swait.ge [sflag:s0], $0x1000  }
0xda: {  	[sflag:s0] =	ssyncset.done $0x0  }
0xdb: {  	s14 =	simm.s32 $0x4F80;
	[sflag:s0] =	ssyncadd.s32 $0xFFFFF000  }
0xdc: {  	[spmem:s2] =	stream.indirect.scatter.add.f32 [tilespmem:s9], [sflag:$0x8], $0x20, s14, s1, $0xb8;
	[tilespmem:$0x18620] =	vst v63  }
0xdd: {  	_ =	swait.ge [sflag:s26], $0x1000  }
0xde: {  	[sflag:s26] =	ssyncset.done $0x0  }
0xdf: {  	[sflag:s26] =	ssyncadd.s32 $0xFFFFF000  }
0xe0: {  	_ =	swait.ge [sflag:s28], $0x1000  }
0xe1: {  	[sflag:s28] =	ssyncset.done $0x0  }
0xe2: {  	[sflag:s28] =	ssyncadd.s32 $0xFFFFF000  }
0xe3: {  	[bflag:$0x0] =	sbarrier.arrive $0xFFFF  }
0xe4: {  	[tilespmem:s22], [sflag:$0x9] =	stream.linear.gather [spmem:s8], $0x5000, $0x38;
	[tilespmem:$0x18620] =	vst v63  }
0xe5: {  	s11 =	sadd.s32 $0x1, s11;
	_ =	swait.ge [sflag:s10], $0x5000  }
0xe6: {  	p0 =	sne.s32 s11, s20;
	[sflag:s10] =	ssyncset.done $0x0  }
.Ltmp2:
0xe7: {  	[sflag:s10] =	ssyncadd.s32 $0xFFFFB000;
	(pc) =	sbr.rel @p0 .LBB2_1-.Ltmp2, $4  }
0xe8: {  	[hbm4b:s19+s4] =	stream.linear.scatter [tilespmem:s22], [sflag:$0x9], $0x5000, $0x38;
	[tilespmem:$0x18620] =	vst v63  }
0xe9: {  	_ =	swait.ge [sflag:s10], $0x5000  }
0xea: {  	[sflag:s10] =	ssyncset.done $0x0  }
0xeb: {  	[sflag:s10] =	ssyncadd.s32 $0xFFFFB000  }
0xec: {  	_ =	sfence.sel $0x180000  }
0xed: {  	[bflag:$0x0] =	sbarrier.arrive $0xFFFF  }
0xee: {  	_ =	strace $0x9000004A  }
0xef: {  	s0 =	stileid.u32;
	[bflag:$0x2] =	sbarrier.arrive $0xFFFF  }
0xf0: {  	p0 =	sne.s32 s0, $0x0;
	s0 =	rddreg [dreg:$0x3]  }
0xf1: {  	s0 =	sadd.s32 @!p0 $0x100000, s0  }
0xf2: {  	[sflag:s0] =	ssyncadd.tile.s32 @!p0 $0x1;
	_ =	shalt  }
.Lfunc_end2:
_tile_overlayer_lowered:
.L_overlay_start_2:
0xf3: {  	(tag) =	ssettag $0x2  }
0xf4: {  	s0 =	rddreg [dreg:$0x0];
	s2 =	stileid.u32  }
0xf5: {  	s1 =	rddreg [dreg:$0x1];
	p0 =	sne.s32 s2, $0x0  }
0xf6: {  	s3 =	rddreg [dreg:$0x2];
	[bflag:$0x3] =	sbarrier.arrive $0xFFFF;
	s2 =	simm.s32 @!p0 $0x1C09  }
0xf7: {  	[timem:s3], [sflag:s2] =	dma.local @!p0 [hbm:s0], s1  }
0xf8: {  	s0 =	simm.s32 @!p0 $0x9  }
0xf9: {  	_ =	swait.ge @!p0 [sflag:s0], s1  }
0xfa: {  	s1 =	ssub.s32 @!p0 $0x0, s1;
	[sflag:s0] =	ssyncset.done @!p0 $0x0  }
0xfb: {  	[sflag:s0] =	ssyncadd.s32 @!p0 s1  }
0xfc: {  	[bflag:$0x3] =	sbarrier.arrive $0xFFFF  }
0xfd: {  	_ =	shalt  }

// kernel: kernel.15.cloned.1.call-start
scs
__scs_entry_jumppad:
0x0: {  	(pc) =	sbr.rel $0x88, $3  }
0x1: {  	(tag) =	ssettag $0x0;
	lr =	simm.s32 $0x1  }
0x2: {  	[smem:$0x3F96] =	sst lr;
	_ =	strace $0xD0000000  }
0x3: {  	_ = 	snop  }
0x4: {  	_ = 	snop  }
0x5: {  	_ = 	snop  }
0x6: {  	_ = 	snop  }
0x7: {  	_ = 	snop  }
__scs_overlays_trampoline_lowered:
0x8: {  	[smem:$0x3FA5] =	sst s0  }
0x9: {  	[smem:$0x3FA6] =	sst s1  }
0xa: {  	[smem:$0x3FA7] =	sst s2  }
0xb: {  	[smem:$0x3FA8] =	sst s3  }
0xc: {  	[smem:$0x3FA9] =	sst s4  }
0xd: {  	[smem:$0x3FAA] =	sst s5  }
0xe: {  	[smem:$0x3FAB] =	sst s6  }
0xf: {  	[smem:$0x3FAC] =	sst s7  }
0x10: {  	[smem:$0x3FAD] =	sst s8  }
0x11: {  	[smem:$0x3FAE] =	sst s9;
	s0 =	simm.s32 @!p0 $0x0  }
0x12: {  	s1 =	sld [smem:$0x3F94];
	s0 =	simm.s32 @p0 $0x1  }
0x13: {  	[smem:$0x3FAF] =	sst s0;
	s0 =	simm.s32 @!p1 $0x0  }
0x14: {  	s2 =	sld [smem:$0x3F93];
	s0 =	simm.s32 @p1 $0x1  }
0x15: {  	[smem:$0x3FB0] =	sst s0;
	s0 =	simm.s32 @!p2 $0x0  }
0x16: {  	s3 =	sld [smem:$0x3FDB];
	s0 =	simm.s32 @p2 $0x1  }
0x17: {  	s4 =	simm.s32 $0x1BF5;
	[smem:$0x3FB2] =	sst s0  }
0x18: {  	s0 =	sld [smem:$0x3F95];
	_ =	swait.ge [sflag:s4], $0x0  }
0x19: {  	s7 =	sld [smem:$0x3F96]  }
0x1a: {  	s8 =	sadd.s32 $0xFFFFE003, lr  }
0x1b: {  	s9 =	sadd.s32 $0xFFFFFEF7, lr;
	s5 =	simm.s32 $0xFFFFFFFF;
	p2 =	slt.u32 s8, $0xFFFFF086  }
0x1c: {  	p1 =	slt.u32 s9, $0xF7A;
	s5 =	simm.s32 @!p2 $0x0  }
0x1d: {  	s5 =	simm.s32 @p1 $0x1;
	p0 =	seq.s32 s7, s2  }
0x1e: {  	s7 =	smul.u32 @!p0 $0xF7A, s2;
	p2 =	seq.s32 @!p0 s5, $0x0  }
0x1f: {  	s9 =	smul.u32 $0xF7A, s1;
	s8 =	simm.s32 @!p0 $0x1BF5;
	p2 =	por !p2, p0  }
0x20: {  	[sflag:s8] =	ssyncset.s32 @!p0 $0xFFFFF086;
	s6 =	sadd.s32 @!p0 s3, s7;
	s7 =	simm.s32 @!p0 $0x108  }
0x21: {  	s3 =	sadd.s32 s3, s9;
	s6 =	sadd.s32 @!p0 $0x88, s6;
	s7 =	simm.s32 @p2 $0x1082  }
0x22: {  	[simem:s7], [sflag:s8] =	dma.local @!p0 [hbm:s6], $0xF7A  }
0x23: {  	s9 =	sor.u32 $0xD0000000, s2;
	s6 =	simm.s32 $0x108;
	_ =	swait.ge @!p0 [sflag:s8], $0x0  }
0x24: {  	s3 =	sadd.s32 $0x88, s3;
	s6 =	simm.s32 @!p1 $0x1082;
	[sflag:s4] =	ssyncset.s32 $0xFFFFF086  }
0x25: {  	[simem:s6], [sflag:s4] =	dma.local [hbm:s3], $0xF7A  }
0x26: {  	[smem:$0x3F96] =	sst s1;
	(tag) =	ssettag s2;
	_ =	strace s9  }
0x27: {  	s1 =	sld [smem:$0x3FA6]  }
0x28: {  	s2 =	sld [smem:$0x3FA7]  }
0x29: {  	s4 =	sld [smem:$0x3FA9]  }
0x2a: {  	p0 =	seq.s32 s5, $0x0;
	s5 =	sld [smem:$0x3FAA]  }
0x2b: {  	s6 =	sld [smem:$0x3FAB]  }
0x2c: {  	s7 =	sld [smem:$0x3FAC]  }
0x2d: {  	s3 =	simm.s32 $0x108;
	s8 =	sld [smem:$0x3FAD]  }
0x2e: {  	s3 =	simm.s32 @!p0 $0x1082;
	s9 =	sld [smem:$0x3FAE]  }
0x2f: {  	lr =	sadd.s32 s0, s3;
	s0 =	sld [smem:$0x3FA5]  }
0x30: {  	s3 =	sld [smem:$0x3FA8]  }
0x31: {  	[smem:$0x3FB1] =	sst s10  }
0x32: {  	s10 =	sld [smem:$0x3FAF];
	_ =	sdelay $0x3  }
0x33: {  	p0 =	seq.s32 s10, $0x1;
	s10 =	sld [smem:$0x3FB1];
	_ =	sdelay $0x3  }
0x34: {  	[smem:$0x3FB1] =	sst s10  }
0x35: {  	s10 =	sld [smem:$0x3FB0];
	_ =	sdelay $0x3  }
0x36: {  	p1 =	seq.s32 s10, $0x1;
	s10 =	sld [smem:$0x3FB1];
	_ =	sdelay $0x3  }
0x37: {  	[smem:$0x3FB1] =	sst s10  }
0x38: {  	s10 =	sld [smem:$0x3FB2]  }
0x39: {  	_ = 	snop;
	(pc) =	sbr.ind lr, $3  }
0x3a: {  	_ = 	snop  }
0x3b: {  	_ = 	snop  }
0x3c: {  	p2 =	seq.s32 s10, $0x1;
	s10 =	sld [smem:$0x3FB1]  }
0x3d: {  	_ =	shalt  }
0x3e: {  	_ =	shalt  }
0x3f: {  	_ =	shalt  }
0x40: {  	_ =	shalt  }
0x41: {  	_ =	shalt  }
0x42: {  	_ =	shalt  }
0x43: {  	_ =	shalt  }
0x44: {  	_ =	shalt  }
0x45: {  	_ =	shalt  }
0x46: {  	_ =	shalt  }
0x47: {  	_ =	shalt  }
0x48: {  	_ =	shalt  }
0x49: {  	_ =	shalt  }
0x4a: {  	_ =	shalt  }
0x4b: {  	_ =	shalt  }
0x4c: {  	_ =	shalt  }
0x4d: {  	_ =	shalt  }
0x4e: {  	_ =	shalt  }
0x4f: {  	_ =	shalt  }
0x50: {  	_ =	shalt  }
0x51: {  	_ =	shalt  }
0x52: {  	_ =	shalt  }
0x53: {  	_ =	shalt  }
0x54: {  	_ =	shalt  }
0x55: {  	_ =	shalt  }
0x56: {  	_ =	shalt  }
0x57: {  	_ =	shalt  }
0x58: {  	_ =	shalt  }
0x59: {  	_ =	shalt  }
0x5a: {  	_ =	shalt  }
0x5b: {  	_ =	shalt  }
0x5c: {  	_ =	shalt  }
0x5d: {  	_ =	shalt  }
0x5e: {  	_ =	shalt  }
0x5f: {  	_ =	shalt  }
0x60: {  	_ =	shalt  }
0x61: {  	_ =	shalt  }
0x62: {  	_ =	shalt  }
0x63: {  	_ =	shalt  }
0x64: {  	_ =	shalt  }
0x65: {  	_ =	shalt  }
0x66: {  	_ =	shalt  }
0x67: {  	_ =	shalt  }
0x68: {  	_ =	shalt  }
0x69: {  	_ =	shalt  }
0x6a: {  	_ =	shalt  }
0x6b: {  	_ =	shalt  }
0x6c: {  	_ =	shalt  }
0x6d: {  	_ =	shalt  }
0x6e: {  	_ =	shalt  }
0x6f: {  	_ =	shalt  }
0x70: {  	_ =	shalt  }
0x71: {  	_ =	shalt  }
0x72: {  	_ =	shalt  }
0x73: {  	_ =	shalt  }
0x74: {  	_ =	shalt  }
0x75: {  	_ =	shalt  }
0x76: {  	_ =	shalt  }
0x77: {  	_ =	shalt  }
0x78: {  	_ =	shalt  }
0x79: {  	_ =	shalt  }
0x7a: {  	_ =	shalt  }
0x7b: {  	_ =	shalt  }
0x7c: {  	_ =	shalt  }
0x7d: {  	_ =	shalt  }
0x7e: {  	_ =	shalt  }
0x7f: {  	_ =	shalt  }
0x80: {  	_ =	shalt  }
0x81: {  	_ =	shalt  }
0x82: {  	_ =	shalt  }
0x83: {  	_ =	shalt  }
0x84: {  	_ =	shalt  }
0x85: {  	_ =	shalt  }
0x86: {  	_ =	shalt  }
0x87: {  	_ =	shalt  }
.Lfunc_end0:
.L_simem_size_0:
called_computation.2_lowered:
.L_overlay_start_0:
0x88: {  	s2 =	sld [smem:$0x3FD9]  }
0x89: {  	s3 =	sld [smem:$0x3FFE];
	_ =	sdelay $0x1  }
0x8a: {  	s1 =	srdreg.scid  }
0x8b: {  	s0 =	sand.u32 $0x1, s1  }
0x8c: {  	s16 =	sshll.u32 s0, $0xA;
	s2 =	sadd.s32 s3, s2  }
0x8d: {  	s2 =	sadd.s32 s2, s16  }
0x8e: {  	[smem:$0x3FBD] =	sst s2  }
0x8f: {  	_ = 	snop  }
0x90: {  	(tm) =	ssettm $0x1  }
0x91: {  	s17 =	sld [smem:$0x3FFB];
	_ =	sdelay $0x3  }
0x92: {  	_ =	strace s17  }
0x93: {  	s2 =	sld [smem:$0x3FFC];
	_ =	sdelay $0x3  }
0x94: {  	_ =	strace s2  }
0x95: {  	s2 =	sld [smem:$0x3FFD];
	_ =	sdelay $0x3  }
0x96: {  	_ =	strace s2  }
0x97: {  	_ =	strace $0x8FFFFFFF  }
0x98: {  	s18 =	sld [smem:$0x3FDB];
	_ =	sdelay $0x1  }
0x99: {  	s19 =	simm.s32 $_scs_section_size  }
0x9a: {  	s4 =	simm.s32 $_size__tile_overlayer_lowered;
	s5 =	simm.s32 $_tile_overlayer_lowered  }
0x9b: {  	s22 =	simm.s32 $0x1BFF;
	s21 =	sshll.u32 s5, $0x1;
	s2 =	sadd.s32 s19, s18  }
0x9c: {  	s6 =	simm.s32 $0x0;
	s20 =	sshll.u32 s4, $0x1;
	s4 =	sadd.s32 s21, s2  }
0x9d: {  	[timem:s6], [sflag:s22] =	dma.local [hbm:s4], s20  }
0x9e: {  	_ =	swait.ge [sflag:s22], s20  }
0x9f: {  	s3 =	ssub.s32 $0x0, s20;
	[sflag:s22] =	ssyncset.done $0x0  }
0xa0: {  	[sflag:s22] =	ssyncadd.s32 s3;
	_ =	sdelay $0x1  }
0xa1: {  	s23 =	simm.s32 $0x1B8B  }
0xa2: {  	_ =	swait.ge [sflag:s23], $0x1  }
0xa3: {  	[sflag:s23] =	ssyncset.done $0x0  }
0xa4: {  	s25 =	simm.s32 $0x1B8E;
	s24 =	sld [smem:$0x3FFE];
	[sflag:s23] =	ssyncadd.s32 $0xFFFFFFFF  }
0xa5: {  	s26 =	simm.s32 $execute0_lowered;
	[smem:$0x3FD2] =	sst s25  }
0xa6: {  	s4 =	sshll.u32 s26, $0x1;
	_ =	strace $0x8000004C;
	[dreg:$0x1] =	wrdreg $0xFFFFFFFF  }
0xa7: {  	s28 =	simm.s32 $_size_execute0_lowered;
	s2 =	sadd.s32 s2, s4;
	[dreg:$0x0] =	wrdreg $0x0  }
0xa8: {  	s4 =	sshll.u32 s28, $0x1;
	[dreg:$0x2] =	wrdreg s2  }
0xa9: {  	[dreg:$0x3] =	wrdreg s4  }
0xaa: {  	[dreg:$0x4] =	wrdreg $0xC0  }
0xab: {  	_ =	task [dreg:s6], $0x5FFFF  }
0xac: {  	[dreg:$0x1] =	wrdreg $0xFFFFFFFF  }
0xad: {  	[dreg:$0x0] =	wrdreg $0x60  }
0xae: {  	[dreg:$0x2] =	wrdreg s24  }
0xaf: {  	[dreg:$0x3] =	wrdreg $0xE8000  }
0xb0: {  	[dreg:$0x4] =	wrdreg $0x138000  }
0xb1: {  	[dreg:$0x5] =	wrdreg $0x9  }
0xb2: {  	_ =	task.clear_ibuf [dreg:s6], $0x6FFFF;
	_ =	strace $0x9000004C  }
0xb3: {  	s29 =	simm.s32 $0x9;
	_ =	strace $0x8000004E  }
0xb4: {  	_ =	swait.ge [sflag:s29], $0x1  }
0xb5: {  	[sflag:s29] =	ssyncadd.s32 $0xFFFFFFFF  }
0xb6: {  	_ =	strace $0x9000004E  }
0xb7: {  	_ =	sfence  }
0xb8: {  	s30 =	sld [smem:$0x0];
	_ =	sdelay $0x2  }
0xb9: {  	s31 =	sshll.u32 s1, $0xD;
	s1 =	sshrl.u32 s1, $0x2  }
0xba: {  	s3 =	sand.u32 $0x4000, s31;
	s1 =	sadd.s32 s1, s30  }
0xbb: {  	s0 =	sor.u32 s3, s0;
	s1 =	sshll.u32 s1, $0x11  }
0xbc: {  	s0 =	sor.u32 s1, s0  }
0xbd: {  	s0 =	sadd.s32 $0x8F2B, s0  }
0xbe: {  	[sflag:s0] =	ssyncadd.remote.s32 $0x1  }
0xbf: {  	_ =	sfence.sel $0xFFFF  }
0xc0: {  	[dreg:$0x0] =	wrdreg $0xFFFFFFFF;
	(pc) =	sbr.abs _section_cstart, $3  }
0xc1: {  	[dreg:$0x1] =	wrdreg $0xFFFFFFFF  }
0xc2: {  	_ =	task.clear_ibuf [dreg:s6], $0x2FFFF;
	_ =	strace $0x9FFFFFFF  }
0xc3: {  	(tm) =	ssettm $0x7FFFFFFF  }
tec
execute0_lowered:
.L_overlay_start_1:
0x0: {  	(tag) =	ssettag $0x1  }
0x1: {  	s0 =	rddreg [dreg:$0x0]  }
0x2: {  	s2 =	rddreg [dreg:$0x1];
	s10 =	stileid.u32  }
0x3: {  	s3 =	rddreg [dreg:$0x2];
	s4 =	simm.s32 $0x0;
	s5 =	smul.u32 $0x2800, s10  }
0x4: {  	s1 =	srdreg.scid;
	s28 =	simm.s32 $0x8;
	s6 =	smul.u32 $0x4E20, s10  }
0x5: {  	s29 =	simm.s32 $0x3;
	s30 =	simm.s32 $0x1;
	s8 =	smul.u32 $0x5000, s10  }
0x6: {  	s31 =	simm.s32 $0x2;
	s1 =	sand.u32 $0x1, s1;
	s10 =	smul.u32 $0x14000, s10  }
0x7: {  	[smem:$0x7FF] =	sst s4;
	p0 =	seq.s32 s1, $0x0;
	s17 =	smul.u32 $0x50000, s1  }
0x8: {  	_ =	strace $0x8000004D;
	s1 =	ssub.s32 $0x2, s1;
	s7 =	sadd.s32 $0x28000, s5  }
0x9: {  	s9 =	sshrl.u32 s6, $0x3;
	s11 =	sshrl.u32 s1, $0x1;
	s18 =	sshrl.u32 s10, $0x2  }
0xa: {  	s10 =	simm.s32 $0x9;
	s7 =	smov.u32 @p0 s5;
	s9 =	sadd.s32 s9, s0  }
0xb: {  	s5 =	sadd.s32 s8, s17;
	s1 =	ssub.s32 s1, s11;
	s8 =	sadd.s32 s8, s2  }
0xc: {  	s11 =	simm.s32 $0x0;
	s7 =	sshrl.u32 s7, $0x3;
	s5 =	sshrl.u32 s5, $0x3  }
0xd: {  	s20 =	sadd.s32 $0x1600, s9;
	s9 =	simm.s32 $0x8000;
	s7 =	sadd.s32 s7, s0  }
0xe: {  	s0 =	sadd.s32 s5, s0;
	[dreg:$0x6] =	wrdreg s20;
	s19 =	sadd.s32 $0x65C00, s7  }
0xf: {  	s5 =	sadd.s32 s18, s2;
	s7 =	sadd.s32 $0x5B600, s7;
	[dreg:$0x4] =	wrdreg s19  }
0x10: {  	s18 =	sadd.s32 s6, s3;
	s21 =	sadd.s32 $0x800, s5;
	[dreg:$0x5] =	wrdreg s7  }
0x11: {  	s20 =	smax.u32 s1, $0x1;
	s22 =	sadd.s32 $0x1000, s5;
	[dreg:$0x7] =	wrdreg s21  }
0x12: {  	s1 =	simm.s32 $0x80;
	s23 =	sadd.s32 $0x1800, s5;
	[dreg:$0x8] =	wrdreg s22  }
0x13: {  	s6 =	simm.s32 $0x6000;
	s24 =	sadd.s32 $0x2000, s5;
	[dreg:$0x9] =	wrdreg s23  }
0x14: {  	s25 =	sadd.s32 $0x2800, s5;
	s26 =	sadd.s32 $0x3000, s5;
	[dreg:$0xa] =	wrdreg s24  }
0x15: {  	s15 =	sadd.s32 $0x3800, s5;
	s16 =	sadd.s32 $0x4000, s5;
	[dreg:$0xb] =	wrdreg s25  }
0x16: {  	s17 =	sadd.s32 $0x4800, s5;
	s5 =	simm.s32 $0x5000;
	[dreg:$0xc] =	wrdreg s26  }
0x17: {  	s19 =	sadd.s32 $0xB400, s0;
	s21 =	simm.s32 $0x2800;
	s22 =	simm.s32 $0x9800  }
0x18: {  	s23 =	simm.s32 $0x9000;
	s24 =	simm.s32 $0x5;
	s25 =	simm.s32 $0x6  }
0x19: {  	v0 =	vimm.f32 $0.0e+00;
	s26 =	simm.s32 $0x7;
	s0 =	simm.s32 $0x4;
	s7 =	simm.s32 $0x7000  }
.LBB2_1:
0x1a: {  	s12 =	rddreg [dreg:$0x4]  }
0x1b: {  	[tilespmem:s4], [sflag:$0x1] =	stream.linear.gather [hbm4b:s12+s4], $0x2800, $0x38;
	[tilespmem:$0x18620] =	vst v63  }
0x1c: {  	s13 =	rddreg [dreg:$0x5]  }
0x1d: {  	[tilespmem:s21], [sflag:$0x2] =	stream.linear.gather [hbm4b:s13+s4], $0x2800, $0x38;
	[tilespmem:$0x18620] =	vst v63  }
0x1e: {  	s14 =	rddreg [dreg:$0x6];
	s12 =	simm.s32 $0x80;
	s13 =	simm.s32 $0x0  }
0x1f: {  	[tilespmem:s22], [sflag:$0x3] =	stream.linear.gather [hbm4b:s14+s4], $0x4E20, $0x38;
	[tilespmem:$0x18620] =	vst v63  }
.LBB2_2:
0x20: {  	p0 =	sne.s32 s12, $0x1F80;
	[tilespmem:s13+$0x9000] =	vst v0;
	s14 =	smov.u32 s12;
	s12 =	sadd.s32 $0x80, s12  }
.Ltmp0:
0x21: {  	[tilespmem:s13+$0x9010] =	vst v0;
	(pc) =	sbr.rel @p0 .LBB2_2-.Ltmp0, $2  }
0x22: {  	_ =	sdelay $0x2  }
0x23: {  	s13 =	sshra.s32 s14, $0x2  }
0x24: {  	[tilespmem:s13+$0x9000] =	vst v0  }
0x25: {  	[tilespmem:s13+$0x9010] =	vst v0  }
0x26: {  	[spmem:s8] =	stream.linear.scatter [tilespmem:s23], [sflag:$0x5], $0x800, $0x38;
	[tilespmem:$0x18620] =	vst v63  }
0x27: {  	s12 =	rddreg [dreg:$0x7]  }
0x28: {  	[spmem:s12] =	stream.linear.scatter [tilespmem:s23], [sflag:$0x6], $0x800, $0x38;
	[tilespmem:$0x18620] =	vst v63  }
0x29: {  	s13 =	rddreg [dreg:$0x8]  }
0x2a: {  	[spmem:s13] =	stream.linear.scatter [tilespmem:s23], [sflag:$0x7], $0x800, $0x38;
	[tilespmem:$0x18620] =	vst v63  }
0x2b: {  	s14 =	rddreg [dreg:$0x9]  }
0x2c: {  	[spmem:s14] =	stream.linear.scatter [tilespmem:s23], [sflag:$0x8], $0x800, $0x38;
	[tilespmem:$0x18620] =	vst v63  }
0x2d: {  	_ =	swait.ge [sflag:s24], $0x800  }
0x2e: {  	[sflag:s24] =	ssyncset.done $0x0  }
0x2f: {  	s13 =	rddreg [dreg:$0xa];
	[sflag:s24] =	ssyncadd.s32 $0xFFFFF800  }
0x30: {  	[spmem:s13] =	stream.linear.scatter [tilespmem:s23], [sflag:$0x5], $0x800, $0x38;
	[tilespmem:$0x18620] =	vst v63  }
0x31: {  	_ =	swait.ge [sflag:s25], $0x800  }
0x32: {  	[sflag:s25] =	ssyncset.done $0x0  }
0x33: {  	s14 =	rddreg [dreg:$0xb];
	[sflag:s25] =	ssyncadd.s32 $0xFFFFF800  }
0x34: {  	[spmem:s14] =	stream.linear.scatter [tilespmem:s23], [sflag:$0x6], $0x800, $0x38;
	[tilespmem:$0x18620] =	vst v63  }
0x35: {  	_ =	swait.ge [sflag:s26], $0x800  }
0x36: {  	[sflag:s26] =	ssyncset.done $0x0  }
0x37: {  	s13 =	rddreg [dreg:$0xc];
	[sflag:s26] =	ssyncadd.s32 $0xFFFFF800  }
0x38: {  	[spmem:s13] =	stream.linear.scatter [tilespmem:s23], [sflag:$0x7], $0x800, $0x38;
	[tilespmem:$0x18620] =	vst v63  }
0x39: {  	_ =	swait.ge [sflag:s28], $0x800  }
0x3a: {  	[sflag:s28] =	ssyncset.done $0x0  }
0x3b: {  	[sflag:s28] =	ssyncadd.s32 $0xFFFFF800  }
0x3c: {  	[spmem:s15] =	stream.linear.scatter [tilespmem:s23], [sflag:$0x8], $0x800, $0x38;
	[tilespmem:$0x18620] =	vst v63  }
0x3d: {  	_ =	swait.ge [sflag:s24], $0x800  }
0x3e: {  	[sflag:s24] =	ssyncset.done $0x0  }
0x3f: {  	[sflag:s24] =	ssyncadd.s32 $0xFFFFF800  }
0x40: {  	[spmem:s16] =	stream.linear.scatter [tilespmem:s23], [sflag:$0x5], $0x800, $0x38;
	[tilespmem:$0x18620] =	vst v63  }
0x41: {  	_ =	swait.ge [sflag:s25], $0x800  }
0x42: {  	[sflag:s25] =	ssyncset.done $0x0  }
0x43: {  	[sflag:s25] =	ssyncadd.s32 $0xFFFFF800  }
0x44: {  	[spmem:s17] =	stream.linear.scatter [tilespmem:s23], [sflag:$0x6], $0x800, $0x38;
	[tilespmem:$0x18620] =	vst v63  }
0x45: {  	_ =	swait.ge [sflag:s29], $0x4E20  }
0x46: {  	[sflag:s29] =	ssyncset.done $0x0  }
0x47: {  	[sflag:s29] =	ssyncadd.s32 $0xFFFFB1E0  }
0x48: {  	[spmem:s18] =	stream.linear.scatter [tilespmem:s22], [sflag:$0x4], $0x4E20, $0x38;
	[tilespmem:$0x18620] =	vst v63  }
0x49: {  	_ =	swait.ge [sflag:s30], $0x2800  }
0x4a: {  	[sflag:s30] =	ssyncset.done $0x0  }
0x4b: {  	[sflag:s30] =	ssyncadd.s32 $0xFFFFD800  }
0x4c: {  	_ =	swait.ge [sflag:s31], $0x2800  }
0x4d: {  	[sflag:s31] =	ssyncset.done $0x0  }
0x4e: {  	[sflag:s31] =	ssyncadd.s32 $0xFFFFD800  }
0x4f: {  	_ =	swait.ge [sflag:s26], $0x800  }
0x50: {  	[sflag:s26] =	ssyncset.done $0x0  }
0x51: {  	[sflag:s26] =	ssyncadd.s32 $0xFFFFF800  }
0x52: {  	_ =	swait.ge [sflag:s28], $0x800  }
0x53: {  	[sflag:s28] =	ssyncset.done $0x0  }
0x54: {  	[sflag:s28] =	ssyncadd.s32 $0xFFFFF800  }
0x55: {  	_ =	swait.ge [sflag:s24], $0x800  }
0x56: {  	[sflag:s24] =	ssyncset.done $0x0  }
0x57: {  	[sflag:s24] =	ssyncadd.s32 $0xFFFFF800  }
0x58: {  	_ =	swait.ge [sflag:s25], $0x800  }
0x59: {  	[sflag:s25] =	ssyncset.done $0x0  }
0x5a: {  	[sflag:s25] =	ssyncadd.s32 $0xFFFFF800  }
0x5b: {  	_ =	swait.ge [sflag:s0], $0x4E20  }
0x5c: {  	[sflag:s0] =	ssyncset.done $0x0  }
0x5d: {  	[sflag:s0] =	ssyncadd.s32 $0xFFFFB1E0  }
0x5e: {  	s14 =	simm.s32 $0x0;
	[bflag:$0x0] =	sbarrier.arrive $0xFFFF  }
0x5f: {  	[tilespmem:s5], [sflag:$0x1] =	stream.indirect.gather [spmem:s3], $0x20, s14, s1, $0xb8;
	[tilespmem:$0x18620] =	vst v63  }
0x60: {  	_ = 	snop  }
0x61: {  	[tilespmem:s6], [sflag:$0x2] =	stream.indirect.gather [spmem:s3], $0x20, s1, s1, $0xb8;
	[tilespmem:$0x18620] =	vst v63  }
0x62: {  	s13 =	simm.s32 $0x100  }
0x63: {  	[tilespmem:s7], [sflag:$0x3] =	stream.indirect.gather [spmem:s3], $0x20, s13, s1, $0xb8;
	[tilespmem:$0x18620] =	vst v63  }
0x64: {  	_ =	swait.ge [sflag:s30], $0x1000  }
0x65: {  	[sflag:s30] =	ssyncset.done $0x0  }
0x66: {  	[sflag:s30] =	ssyncadd.s32 $0xFFFFF000  }
0x67: {  	[spmem:s2] =	stream.indirect.scatter.add.f32 [tilespmem:s5], [sflag:$0x5], $0x20, s21, s1, $0xb8;
	[tilespmem:$0x18620] =	vst v63  }
0x68: {  	s14 =	simm.s32 $0x180  }
0x69: {  	[tilespmem:s9], [sflag:$0x4] =	stream.indirect.gather [spmem:s3], $0x20, s14, s1, $0xb8;
	[tilespmem:$0x18620] =	vst v63  }
0x6a: {  	_ =	swait.ge [sflag:s31], $0x1000  }
0x6b: {  	[sflag:s31] =	ssyncset.done $0x0  }
0x6c: {  	s13 =	simm.s32 $0x2880;
	[sflag:s31] =	ssyncadd.s32 $0xFFFFF000  }
0x6d: {  	[spmem:s2] =	stream.indirect.scatter.add.f32 [tilespmem:s6], [sflag:$0x6], $0x20, s13, s1, $0xb8;
	[tilespmem:$0x18620] =	vst v63  }
0x6e: {  	_ =	swait.ge [sflag:s24], $0x1000  }
0x6f: {  	[sflag:s24] =	ssyncset.done $0x0  }
0x70: {  	s14 =	simm.s32 $0x200;
	[sflag:s24] =	ssyncadd.s32 $0xFFFFF000  }
0x71: {  	[tilespmem:s5], [sflag:$0x1] =	stream.indirect.gather [spmem:s3], $0x20, s14, s1, $0xb8;
	[tilespmem:$0x18620] =	vst v63  }
0x72: {  	_ =	swait.ge [sflag:s29], $0x1000  }
0x73: {  	[sflag:s29] =	ssyncset.done $0x0  }
0x74: {  	s13 =	simm.s32 $0x2900;
	[sflag:s29] =	ssyncadd.s32 $0xFFFFF000  }
0x75: {  	[spmem:s2] =	stream.indirect.scatter.add.f32 [tilespmem:s7], [sflag:$0x7], $0x20, s13, s1, $0xb8;
	[tilespmem:$0x18620] =	vst v63  }
0x76: {  	_ =	swait.ge [sflag:s25], $0x1000  }
0x77: {  	[sflag:s25] =	ssyncset.done $0x0  }
0x78: {  	s14 =	simm.s32 $0x280;
	[sflag:s25] =	ssyncadd.s32 $0xFFFFF000  }
0x79: {  	[tilespmem:s6], [sflag:$0x2] =	stream.indirect.gather [spmem:s3], $0x20, s14, s1, $0xb8;
	[tilespmem:$0x18620] =	vst v63  }
0x7a: {  	_ =	swait.ge [sflag:s0], $0x1000  }
0x7b: {  	[sflag:s0] =	ssyncset.done $0x0  }
0x7c: {  	s13 =	simm.s32 $0x2980;
	[sflag:s0] =	ssyncadd.s32 $0xFFFFF000  }
0x7d: {  	[spmem:s2] =	stream.indirect.scatter.add.f32 [tilespmem:s9], [sflag:$0x8], $0x20, s13, s1, $0xb8;
	[tilespmem:$0x18620] =	vst v63  }
0x7e: {  	_ =	swait.ge [sflag:s26], $0x1000  }
0x7f: {  	[sflag:s26] =	ssyncset.done $0x0  }
0x80: {  	s14 =	simm.s32 $0x300;
	[sflag:s26] =	ssyncadd.s32 $0xFFFFF000  }
0x81: {  	[tilespmem:s7], [sflag:$0x3] =	stream.indirect.gather [spmem:s3], $0x20, s14, s1, $0xb8;
	[tilespmem:$0x18620] =	vst v63  }
0x82: {  	_ =	swait.ge [sflag:s30], $0x1000  }
0x83: {  	[sflag:s30] =	ssyncset.done $0x0  }
0x84: {  	s13 =	simm.s32 $0x2A00;
	[sflag:s30] =	ssyncadd.s32 $0xFFFFF000  }
0x85: {  	[spmem:s2] =	stream.indirect.scatter.add.f32 [tilespmem:s5], [sflag:$0x5], $0x20, s13, s1, $0xb8;
	[tilespmem:$0x18620] =	vst v63  }
0x86: {  	_ =	swait.ge [sflag:s28], $0x1000  }
0x87: {  	[sflag:s28] =	ssyncset.done $0x0  }
0x88: {  	s14 =	simm.s32 $0x380;
	[sflag:s28] =	ssyncadd.s32 $0xFFFFF000  }
0x89: {  	[tilespmem:s9], [sflag:$0x4] =	stream.indirect.gather [spmem:s3], $0x20, s14, s1, $0xb8;
	[tilespmem:$0x18620] =	vst v63  }
0x8a: {  	_ =	swait.ge [sflag:s31], $0x1000  }
0x8b: {  	[sflag:s31] =	ssyncset.done $0x0  }
0x8c: {  	s13 =	simm.s32 $0x2A80;
	[sflag:s31] =	ssyncadd.s32 $0xFFFFF000  }
0x8d: {  	[spmem:s2] =	stream.indirect.scatter.add.f32 [tilespmem:s6], [sflag:$0x6], $0x20, s13, s1, $0xb8;
	[tilespmem:$0x18620] =	vst v63  }
0x8e: {  	_ =	swait.ge [sflag:s24], $0x1000  }
0x8f: {  	[sflag:s24] =	ssyncset.done $0x0  }
0x90: {  	s14 =	simm.s32 $0x400;
	[sflag:s24] =	ssyncadd.s32 $0xFFFFF000  }
0x91: {  	[tilespmem:s5], [sflag:$0x1] =	stream.indirect.gather [spmem:s3], $0x20, s14, s1, $0xb8;
	[tilespmem:$0x18620] =	vst v63  }
0x92: {  	_ =	swait.ge [sflag:s29], $0x1000  }
0x93: {  	[sflag:s29] =	ssyncset.done $0x0  }
0x94: {  	s13 =	simm.s32 $0x2B00;
	[sflag:s29] =	ssyncadd.s32 $0xFFFFF000  }
0x95: {  	[spmem:s2] =	stream.indirect.scatter.add.f32 [tilespmem:s7], [sflag:$0x7], $0x20, s13, s1, $0xb8;
	[tilespmem:$0x18620] =	vst v63  }
0x96: {  	_ =	swait.ge [sflag:s25], $0x1000  }
0x97: {  	[sflag:s25] =	ssyncset.done $0x0  }
0x98: {  	s14 =	simm.s32 $0x480;
	[sflag:s25] =	ssyncadd.s32 $0xFFFFF000  }
0x99: {  	[tilespmem:s6], [sflag:$0x2] =	stream.indirect.gather [spmem:s3], $0x20, s14, s1, $0xb8;
	[tilespmem:$0x18620] =	vst v63  }
0x9a: {  	_ =	swait.ge [sflag:s0], $0x1000  }
0x9b: {  	[sflag:s0] =	ssyncset.done $0x0  }
0x9c: {  	s12 =	simm.s32 $0x800;
	s13 =	simm.s32 $0x2B80;
	[sflag:s0] =	ssyncadd.s32 $0xFFFFF000  }
.LBB2_4:
0x9d: {  	[spmem:s2] =	stream.indirect.scatter.add.f32 [tilespmem:s9], [sflag:$0x8], $0x20, s13, s1, $0xb8;
	[tilespmem:$0x18620] =	vst v63  }
0x9e: {  	s13 =	smov.u32 s12  }
0x9f: {  	p0 =	sne.s32 s12, $0x8800;
	s12 =	sadd.s32 $0x800, s12;
	_ =	swait.ge [sflag:s26], $0x1000  }
0xa0: {  	s13 =	sshra.s32 s13, $0x2;
	[sflag:s26] =	ssyncset.done $0x0  }
0xa1: {  	s14 =	sadd.s32 $0x300, s13;
	[sflag:s26] =	ssyncadd.s32 $0xFFFFF000  }
0xa2: {  	[tilespmem:s7], [sflag:$0x3] =	stream.indirect.gather [spmem:s3], $0x20, s14, s1, $0xb8;
	[tilespmem:$0x18620] =	vst v63  }
0xa3: {  	_ =	swait.ge [sflag:s30], $0x1000  }
0xa4: {  	[sflag:s30] =	ssyncset.done $0x0  }
0xa5: {  	s14 =	sadd.s32 $0x2A00, s13;
	[sflag:s30] =	ssyncadd.s32 $0xFFFFF000  }
0xa6: {  	[spmem:s2] =	stream.indirect.scatter.add.f32 [tilespmem:s5], [sflag:$0x5], $0x20, s14, s1, $0xb8;
	[tilespmem:$0x18620] =	vst v63  }
0xa7: {  	_ =	swait.ge [sflag:s28], $0x1000  }
0xa8: {  	[sflag:s28] =	ssyncset.done $0x0  }
0xa9: {  	s14 =	sadd.s32 $0x380, s13;
	[sflag:s28] =	ssyncadd.s32 $0xFFFFF000  }
0xaa: {  	[tilespmem:s9], [sflag:$0x4] =	stream.indirect.gather [spmem:s3], $0x20, s14, s1, $0xb8;
	[tilespmem:$0x18620] =	vst v63  }
0xab: {  	_ =	swait.ge [sflag:s31], $0x1000  }
0xac: {  	[sflag:s31] =	ssyncset.done $0x0  }
0xad: {  	s14 =	sadd.s32 $0x2A80, s13;
	[sflag:s31] =	ssyncadd.s32 $0xFFFFF000  }
0xae: {  	[spmem:s2] =	stream.indirect.scatter.add.f32 [tilespmem:s6], [sflag:$0x6], $0x20, s14, s1, $0xb8;
	[tilespmem:$0x18620] =	vst v63  }
0xaf: {  	_ =	swait.ge [sflag:s24], $0x1000  }
0xb0: {  	[sflag:s24] =	ssyncset.done $0x0  }
0xb1: {  	s14 =	sadd.s32 $0x400, s13;
	[sflag:s24] =	ssyncadd.s32 $0xFFFFF000  }
0xb2: {  	[tilespmem:s5], [sflag:$0x1] =	stream.indirect.gather [spmem:s3], $0x20, s14, s1, $0xb8;
	[tilespmem:$0x18620] =	vst v63  }
0xb3: {  	_ =	swait.ge [sflag:s29], $0x1000  }
0xb4: {  	[sflag:s29] =	ssyncset.done $0x0  }
0xb5: {  	s14 =	sadd.s32 $0x2B00, s13;
	[sflag:s29] =	ssyncadd.s32 $0xFFFFF000  }
0xb6: {  	[spmem:s2] =	stream.indirect.scatter.add.f32 [tilespmem:s7], [sflag:$0x7], $0x20, s14, s1, $0xb8;
	[tilespmem:$0x18620] =	vst v63  }
0xb7: {  	_ =	swait.ge [sflag:s25], $0x1000  }
0xb8: {  	[sflag:s25] =	ssyncset.done $0x0  }
.Ltmp1:
0xb9: {  	s14 =	sadd.s32 $0x480, s13;
	[sflag:s25] =	ssyncadd.s32 $0xFFFFF000;
	(pc) =	sbr.rel @p0 .LBB2_4-.Ltmp1, $4  }
0xba: {  	[tilespmem:s6], [sflag:$0x2] =	stream.indirect.gather [spmem:s3], $0x20, s14, s1, $0xb8;
	[tilespmem:$0x18620] =	vst v63  }
0xbb: {  	_ =	swait.ge [sflag:s0], $0x1000  }
0xbc: {  	[sflag:s0] =	ssyncset.done $0x0  }
0xbd: {  	s13 =	sadd.s32 $0x2B80, s13;
	[sflag:s0] =	ssyncadd.s32 $0xFFFFF000  }
0xbe: {  	[spmem:s2] =	stream.indirect.scatter.add.f32 [tilespmem:s9], [sflag:$0x8], $0x20, s13, s1, $0xb8;
	[tilespmem:$0x18620] =	vst v63  }
0xbf: {  	_ =	swait.ge [sflag:s26], $0x1000  }
0xc0: {  	[sflag:s26] =	ssyncset.done $0x0  }
0xc1: {  	s12 =	simm.s32 $0x2700;
	[sflag:s26] =	ssyncadd.s32 $0xFFFFF000  }
0xc2: {  	[tilespmem:s7], [sflag:$0x3] =	stream.indirect.gather [spmem:s3], $0x20, s12, s1, $0xb8;
	[tilespmem:$0x18620] =	vst v63  }
0xc3: {  	_ =	swait.ge [sflag:s30], $0x1000  }
0xc4: {  	[sflag:s30] =	ssyncset.done $0x0  }
0xc5: {  	s14 =	simm.s32 $0x4E00;
	[sflag:s30] =	ssyncadd.s32 $0xFFFFF000  }
0xc6: {  	[spmem:s2] =	stream.indirect.scatter.add.f32 [tilespmem:s5], [sflag:$0x5], $0x20, s14, s1, $0xb8;
	[tilespmem:$0x18620] =	vst v63  }
0xc7: {  	_ =	swait.ge [sflag:s28], $0x1000  }
0xc8: {  	[sflag:s28] =	ssyncset.done $0x0  }
0xc9: {  	s13 =	simm.s32 $0x2780;
	[sflag:s28] =	ssyncadd.s32 $0xFFFFF000  }
0xca: {  	[tilespmem:s9], [sflag:$0x4] =	stream.indirect.gather [spmem:s3], $0x20, s13, s1, $0xb8;
	[tilespmem:$0x18620] =	vst v63  }
0xcb: {  	_ =	swait.ge [sflag:s31], $0x1000  }
0xcc: {  	[sflag:s31] =	ssyncset.done $0x0  }
0xcd: {  	s14 =	simm.s32 $0x4E80;
	[sflag:s31] =	ssyncadd.s32 $0xFFFFF000  }
0xce: {  	[spmem:s2] =	stream.indirect.scatter.add.f32 [tilespmem:s6], [sflag:$0x6], $0x20, s14, s1, $0xb8;
	[tilespmem:$0x18620] =	vst v63  }
0xcf: {  	_ =	swait.ge [sflag:s24], $0x1000  }
0xd0: {  	[sflag:s24] =	ssyncset.done $0x0  }
0xd1: {  	[sflag:s24] =	ssyncadd.s32 $0xFFFFF000  }
0xd2: {  	_ =	swait.ge [sflag:s29], $0x1000  }
0xd3: {  	[sflag:s29] =	ssyncset.done $0x0  }
0xd4: {  	s13 =	simm.s32 $0x4F00;
	[sflag:s29] =	ssyncadd.s32 $0xFFFFF000  }
0xd5: {  	[spmem:s2] =	stream.indirect.scatter.add.f32 [tilespmem:s7], [sflag:$0x7], $0x20, s13, s1, $0xb8;
	[tilespmem:$0x18620] =	vst v63  }
0xd6: {  	_ =	swait.ge [sflag:s25], $0x1000  }
0xd7: {  	[sflag:s25] =	ssyncset.done $0x0  }
0xd8: {  	[sflag:s25] =	ssyncadd.s32 $0xFFFFF000  }
0xd9: {  	_ =	swait.ge [sflag:s0], $0x1000  }
0xda: {  	[sflag:s0] =	ssyncset.done $0x0  }
0xdb: {  	s14 =	simm.s32 $0x4F80;
	[sflag:s0] =	ssyncadd.s32 $0xFFFFF000  }
0xdc: {  	[spmem:s2] =	stream.indirect.scatter.add.f32 [tilespmem:s9], [sflag:$0x8], $0x20, s14, s1, $0xb8;
	[tilespmem:$0x18620] =	vst v63  }
0xdd: {  	_ =	swait.ge [sflag:s26], $0x1000  }
0xde: {  	[sflag:s26] =	ssyncset.done $0x0  }
0xdf: {  	[sflag:s26] =	ssyncadd.s32 $0xFFFFF000  }
0xe0: {  	_ =	swait.ge [sflag:s28], $0x1000  }
0xe1: {  	[sflag:s28] =	ssyncset.done $0x0  }
0xe2: {  	[sflag:s28] =	ssyncadd.s32 $0xFFFFF000  }
0xe3: {  	[bflag:$0x0] =	sbarrier.arrive $0xFFFF  }
0xe4: {  	[tilespmem:s22], [sflag:$0x9] =	stream.linear.gather [spmem:s8], $0x5000, $0x38;
	[tilespmem:$0x18620] =	vst v63  }
0xe5: {  	s11 =	sadd.s32 $0x1, s11;
	_ =	swait.ge [sflag:s10], $0x5000  }
0xe6: {  	p0 =	sne.s32 s11, s20;
	[sflag:s10] =	ssyncset.done $0x0  }
.Ltmp2:
0xe7: {  	[sflag:s10] =	ssyncadd.s32 $0xFFFFB000;
	(pc) =	sbr.rel @p0 .LBB2_1-.Ltmp2, $4  }
0xe8: {  	[hbm4b:s19+s4] =	stream.linear.scatter [tilespmem:s22], [sflag:$0x9], $0x5000, $0x38;
	[tilespmem:$0x18620] =	vst v63  }
0xe9: {  	_ =	swait.ge [sflag:s10], $0x5000  }
0xea: {  	[sflag:s10] =	ssyncset.done $0x0  }
0xeb: {  	[sflag:s10] =	ssyncadd.s32 $0xFFFFB000  }
0xec: {  	_ =	sfence.sel $0x180000  }
0xed: {  	[bflag:$0x0] =	sbarrier.arrive $0xFFFF  }
0xee: {  	_ =	strace $0x9000004D  }
0xef: {  	s0 =	stileid.u32;
	[bflag:$0x2] =	sbarrier.arrive $0xFFFF  }
0xf0: {  	p0 =	sne.s32 s0, $0x0;
	s0 =	rddreg [dreg:$0x3]  }
0xf1: {  	s0 =	sadd.s32 @!p0 $0x100000, s0  }
0xf2: {  	[sflag:s0] =	ssyncadd.tile.s32 @!p0 $0x1;
	_ =	shalt  }
.Lfunc_end2:
_tile_overlayer_lowered:
.L_overlay_start_2:
0xf3: {  	(tag) =	ssettag $0x2  }
0xf4: {  	s0 =	rddreg [dreg:$0x0];
	s2 =	stileid.u32  }
0xf5: {  	s1 =	rddreg [dreg:$0x1];
	p0 =	sne.s32 s2, $0x0  }
0xf6: {  	s3 =	rddreg [dreg:$0x2];
	[bflag:$0x3] =	sbarrier.arrive $0xFFFF;
	s2 =	simm.s32 @!p0 $0x1C09  }
0xf7: {  	[timem:s3], [sflag:s2] =	dma.local @!p0 [hbm:s0], s1  }
0xf8: {  	s0 =	simm.s32 @!p0 $0x9  }
0xf9: {  	_ =	swait.ge @!p0 [sflag:s0], s1  }
0xfa: {  	s1 =	ssub.s32 @!p0 $0x0, s1;
	[sflag:s0] =	ssyncset.done @!p0 $0x0  }
0xfb: {  	[sflag:s0] =	ssyncadd.s32 @!p0 s1  }
0xfc: {  	[bflag:$0x3] =	sbarrier.arrive $0xFFFF  }
0xfd: {  	_ =	shalt  }

// kernel: kernel.9.cloned.1.call-start
scs
__scs_entry_jumppad:
0x0: {  	(pc) =	sbr.rel $0x88, $3  }
0x1: {  	(tag) =	ssettag $0x0;
	lr =	simm.s32 $0x1  }
0x2: {  	[smem:$0x3F96] =	sst lr;
	_ =	strace $0xD0000000  }
0x3: {  	_ = 	snop  }
0x4: {  	_ = 	snop  }
0x5: {  	_ = 	snop  }
0x6: {  	_ = 	snop  }
0x7: {  	_ = 	snop  }
__scs_overlays_trampoline_lowered:
0x8: {  	[smem:$0x3FA5] =	sst s0  }
0x9: {  	[smem:$0x3FA6] =	sst s1  }
0xa: {  	[smem:$0x3FA7] =	sst s2  }
0xb: {  	[smem:$0x3FA8] =	sst s3  }
0xc: {  	[smem:$0x3FA9] =	sst s4  }
0xd: {  	[smem:$0x3FAA] =	sst s5  }
0xe: {  	[smem:$0x3FAB] =	sst s6  }
0xf: {  	[smem:$0x3FAC] =	sst s7  }
0x10: {  	[smem:$0x3FAD] =	sst s8  }
0x11: {  	[smem:$0x3FAE] =	sst s9;
	s0 =	simm.s32 @!p0 $0x0  }
0x12: {  	s1 =	sld [smem:$0x3F94];
	s0 =	simm.s32 @p0 $0x1  }
0x13: {  	[smem:$0x3FAF] =	sst s0;
	s0 =	simm.s32 @!p1 $0x0  }
0x14: {  	s2 =	sld [smem:$0x3F93];
	s0 =	simm.s32 @p1 $0x1  }
0x15: {  	[smem:$0x3FB0] =	sst s0;
	s0 =	simm.s32 @!p2 $0x0  }
0x16: {  	s3 =	sld [smem:$0x3FDB];
	s0 =	simm.s32 @p2 $0x1  }
0x17: {  	s4 =	simm.s32 $0x1BF5;
	[smem:$0x3FB2] =	sst s0  }
0x18: {  	s0 =	sld [smem:$0x3F95];
	_ =	swait.ge [sflag:s4], $0x0  }
0x19: {  	s7 =	sld [smem:$0x3F96]  }
0x1a: {  	s8 =	sadd.s32 $0xFFFFE003, lr  }
0x1b: {  	s9 =	sadd.s32 $0xFFFFFEF7, lr;
	s5 =	simm.s32 $0xFFFFFFFF;
	p2 =	slt.u32 s8, $0xFFFFF086  }
0x1c: {  	p1 =	slt.u32 s9, $0xF7A;
	s5 =	simm.s32 @!p2 $0x0  }
0x1d: {  	s5 =	simm.s32 @p1 $0x1;
	p0 =	seq.s32 s7, s2  }
0x1e: {  	s7 =	smul.u32 @!p0 $0xF7A, s2;
	p2 =	seq.s32 @!p0 s5, $0x0  }
0x1f: {  	s9 =	smul.u32 $0xF7A, s1;
	s8 =	simm.s32 @!p0 $0x1BF5;
	p2 =	por !p2, p0  }
0x20: {  	[sflag:s8] =	ssyncset.s32 @!p0 $0xFFFFF086;
	s6 =	sadd.s32 @!p0 s3, s7;
	s7 =	simm.s32 @!p0 $0x108  }
0x21: {  	s3 =	sadd.s32 s3, s9;
	s6 =	sadd.s32 @!p0 $0x88, s6;
	s7 =	simm.s32 @p2 $0x1082  }
0x22: {  	[simem:s7], [sflag:s8] =	dma.local @!p0 [hbm:s6], $0xF7A  }
0x23: {  	s9 =	sor.u32 $0xD0000000, s2;
	s6 =	simm.s32 $0x108;
	_ =	swait.ge @!p0 [sflag:s8], $0x0  }
0x24: {  	s3 =	sadd.s32 $0x88, s3;
	s6 =	simm.s32 @!p1 $0x1082;
	[sflag:s4] =	ssyncset.s32 $0xFFFFF086  }
0x25: {  	[simem:s6], [sflag:s4] =	dma.local [hbm:s3], $0xF7A  }
0x26: {  	[smem:$0x3F96] =	sst s1;
	(tag) =	ssettag s2;
	_ =	strace s9  }
0x27: {  	s1 =	sld [smem:$0x3FA6]  }
0x28: {  	s2 =	sld [smem:$0x3FA7]  }
0x29: {  	s4 =	sld [smem:$0x3FA9]  }
0x2a: {  	p0 =	seq.s32 s5, $0x0;
	s5 =	sld [smem:$0x3FAA]  }
0x2b: {  	s6 =	sld [smem:$0x3FAB]  }
0x2c: {  	s7 =	sld [smem:$0x3FAC]  }
0x2d: {  	s3 =	simm.s32 $0x108;
	s8 =	sld [smem:$0x3FAD]  }
0x2e: {  	s3 =	simm.s32 @!p0 $0x1082;
	s9 =	sld [smem:$0x3FAE]  }
0x2f: {  	lr =	sadd.s32 s0, s3;
	s0 =	sld [smem:$0x3FA5]  }
0x30: {  	s3 =	sld [smem:$0x3FA8]  }
0x31: {  	[smem:$0x3FB1] =	sst s10  }
0x32: {  	s10 =	sld [smem:$0x3FAF];
	_ =	sdelay $0x3  }
0x33: {  	p0 =	seq.s32 s10, $0x1;
	s10 =	sld [smem:$0x3FB1];
	_ =	sdelay $0x3  }
0x34: {  	[smem:$0x3FB1] =	sst s10  }
0x35: {  	s10 =	sld [smem:$0x3FB0];
	_ =	sdelay $0x3  }
0x36: {  	p1 =	seq.s32 s10, $0x1;
	s10 =	sld [smem:$0x3FB1];
	_ =	sdelay $0x3  }
0x37: {  	[smem:$0x3FB1] =	sst s10  }
0x38: {  	s10 =	sld [smem:$0x3FB2]  }
0x39: {  	_ = 	snop;
	(pc) =	sbr.ind lr, $3  }
0x3a: {  	_ = 	snop  }
0x3b: {  	_ = 	snop  }
0x3c: {  	p2 =	seq.s32 s10, $0x1;
	s10 =	sld [smem:$0x3FB1]  }
0x3d: {  	_ =	shalt  }
0x3e: {  	_ =	shalt  }
0x3f: {  	_ =	shalt  }
0x40: {  	_ =	shalt  }
0x41: {  	_ =	shalt  }
0x42: {  	_ =	shalt  }
0x43: {  	_ =	shalt  }
0x44: {  	_ =	shalt  }
0x45: {  	_ =	shalt  }
0x46: {  	_ =	shalt  }
0x47: {  	_ =	shalt  }
0x48: {  	_ =	shalt  }
0x49: {  	_ =	shalt  }
0x4a: {  	_ =	shalt  }
0x4b: {  	_ =	shalt  }
0x4c: {  	_ =	shalt  }
0x4d: {  	_ =	shalt  }
0x4e: {  	_ =	shalt  }
0x4f: {  	_ =	shalt  }
0x50: {  	_ =	shalt  }
0x51: {  	_ =	shalt  }
0x52: {  	_ =	shalt  }
0x53: {  	_ =	shalt  }
0x54: {  	_ =	shalt  }
0x55: {  	_ =	shalt  }
0x56: {  	_ =	shalt  }
0x57: {  	_ =	shalt  }
0x58: {  	_ =	shalt  }
0x59: {  	_ =	shalt  }
0x5a: {  	_ =	shalt  }
0x5b: {  	_ =	shalt  }
0x5c: {  	_ =	shalt  }
0x5d: {  	_ =	shalt  }
0x5e: {  	_ =	shalt  }
0x5f: {  	_ =	shalt  }
0x60: {  	_ =	shalt  }
0x61: {  	_ =	shalt  }
0x62: {  	_ =	shalt  }
0x63: {  	_ =	shalt  }
0x64: {  	_ =	shalt  }
0x65: {  	_ =	shalt  }
0x66: {  	_ =	shalt  }
0x67: {  	_ =	shalt  }
0x68: {  	_ =	shalt  }
0x69: {  	_ =	shalt  }
0x6a: {  	_ =	shalt  }
0x6b: {  	_ =	shalt  }
0x6c: {  	_ =	shalt  }
0x6d: {  	_ =	shalt  }
0x6e: {  	_ =	shalt  }
0x6f: {  	_ =	shalt  }
0x70: {  	_ =	shalt  }
0x71: {  	_ =	shalt  }
0x72: {  	_ =	shalt  }
0x73: {  	_ =	shalt  }
0x74: {  	_ =	shalt  }
0x75: {  	_ =	shalt  }
0x76: {  	_ =	shalt  }
0x77: {  	_ =	shalt  }
0x78: {  	_ =	shalt  }
0x79: {  	_ =	shalt  }
0x7a: {  	_ =	shalt  }
0x7b: {  	_ =	shalt  }
0x7c: {  	_ =	shalt  }
0x7d: {  	_ =	shalt  }
0x7e: {  	_ =	shalt  }
0x7f: {  	_ =	shalt  }
0x80: {  	_ =	shalt  }
0x81: {  	_ =	shalt  }
0x82: {  	_ =	shalt  }
0x83: {  	_ =	shalt  }
0x84: {  	_ =	shalt  }
0x85: {  	_ =	shalt  }
0x86: {  	_ =	shalt  }
0x87: {  	_ =	shalt  }
.Lfunc_end0:
.L_simem_size_0:
called_computation_lowered:
.L_overlay_start_0:
0x88: {  	s2 =	sld [smem:$0x3FD9]  }
0x89: {  	s3 =	sld [smem:$0x3FFE];
	_ =	sdelay $0x1  }
0x8a: {  	s1 =	srdreg.scid  }
0x8b: {  	s0 =	sand.u32 $0x1, s1  }
0x8c: {  	s16 =	sshll.u32 s0, $0xA;
	s2 =	sadd.s32 s3, s2  }
0x8d: {  	s2 =	sadd.s32 s2, s16  }
0x8e: {  	[smem:$0x3FBD] =	sst s2  }
0x8f: {  	_ = 	snop  }
0x90: {  	(tm) =	ssettm $0x1  }
0x91: {  	s17 =	sld [smem:$0x3FFB];
	_ =	sdelay $0x3  }
0x92: {  	_ =	strace s17  }
0x93: {  	s2 =	sld [smem:$0x3FFC];
	_ =	sdelay $0x3  }
0x94: {  	_ =	strace s2  }
0x95: {  	s2 =	sld [smem:$0x3FFD];
	_ =	sdelay $0x3  }
0x96: {  	_ =	strace s2  }
0x97: {  	_ =	strace $0x8FFFFFFF  }
0x98: {  	s18 =	sld [smem:$0x3FDB];
	_ =	sdelay $0x1  }
0x99: {  	s19 =	simm.s32 $_scs_section_size  }
0x9a: {  	s4 =	simm.s32 $_size__tile_overlayer_lowered;
	s5 =	simm.s32 $_tile_overlayer_lowered  }
0x9b: {  	s22 =	simm.s32 $0x1BFF;
	s21 =	sshll.u32 s5, $0x1;
	s2 =	sadd.s32 s19, s18  }
0x9c: {  	s6 =	simm.s32 $0x0;
	s20 =	sshll.u32 s4, $0x1;
	s4 =	sadd.s32 s21, s2  }
0x9d: {  	[timem:s6], [sflag:s22] =	dma.local [hbm:s4], s20  }
0x9e: {  	_ =	swait.ge [sflag:s22], s20  }
0x9f: {  	s3 =	ssub.s32 $0x0, s20;
	[sflag:s22] =	ssyncset.done $0x0  }
0xa0: {  	[sflag:s22] =	ssyncadd.s32 s3;
	_ =	sdelay $0x1  }
0xa1: {  	s23 =	simm.s32 $0x1B8B  }
0xa2: {  	_ =	swait.ge [sflag:s23], $0x1  }
0xa3: {  	[sflag:s23] =	ssyncset.done $0x0  }
0xa4: {  	s25 =	simm.s32 $0x1B8E;
	s24 =	sld [smem:$0x3FFE];
	[sflag:s23] =	ssyncadd.s32 $0xFFFFFFFF  }
0xa5: {  	s26 =	simm.s32 $execute0_lowered;
	[smem:$0x3FD2] =	sst s25  }
0xa6: {  	s4 =	sshll.u32 s26, $0x1;
	_ =	strace $0x80000046;
	[dreg:$0x1] =	wrdreg $0xFFFFFFFF  }
0xa7: {  	s28 =	simm.s32 $_size_execute0_lowered;
	s2 =	sadd.s32 s2, s4;
	[dreg:$0x0] =	wrdreg $0x0  }
0xa8: {  	s4 =	sshll.u32 s28, $0x1;
	[dreg:$0x2] =	wrdreg s2  }
0xa9: {  	[dreg:$0x3] =	wrdreg s4  }
0xaa: {  	[dreg:$0x4] =	wrdreg $0xC0  }
0xab: {  	_ =	task [dreg:s6], $0x5FFFF  }
0xac: {  	[dreg:$0x1] =	wrdreg $0xFFFFFFFF  }
0xad: {  	[dreg:$0x0] =	wrdreg $0x60  }
0xae: {  	[dreg:$0x2] =	wrdreg s24  }
0xaf: {  	[dreg:$0x3] =	wrdreg $0x9  }
0xb0: {  	_ =	task.clear_ibuf [dreg:s6], $0x4FFFF;
	_ =	strace $0x90000046  }
0xb1: {  	s29 =	simm.s32 $0x9;
	_ =	strace $0x80000048  }
0xb2: {  	_ =	swait.ge [sflag:s29], $0x1  }
0xb3: {  	[sflag:s29] =	ssyncadd.s32 $0xFFFFFFFF  }
0xb4: {  	_ =	strace $0x90000048  }
0xb5: {  	_ =	sfence  }
0xb6: {  	s30 =	sld [smem:$0x0];
	_ =	sdelay $0x2  }
0xb7: {  	s31 =	sshll.u32 s1, $0xD;
	s1 =	sshrl.u32 s1, $0x2  }
0xb8: {  	s3 =	sand.u32 $0x4000, s31;
	s1 =	sadd.s32 s1, s30  }
0xb9: {  	s0 =	sor.u32 s3, s0;
	s1 =	sshll.u32 s1, $0x11  }
0xba: {  	s0 =	sor.u32 s1, s0  }
0xbb: {  	s0 =	sadd.s32 $0x8F2B, s0  }
0xbc: {  	[sflag:s0] =	ssyncadd.remote.s32 $0x1  }
0xbd: {  	_ =	sfence.sel $0xFFFF  }
0xbe: {  	[dreg:$0x0] =	wrdreg $0xFFFFFFFF;
	(pc) =	sbr.abs _section_cstart, $3  }
0xbf: {  	[dreg:$0x1] =	wrdreg $0xFFFFFFFF  }
0xc0: {  	_ =	task.clear_ibuf [dreg:s6], $0x2FFFF;
	_ =	strace $0x9FFFFFFF  }
0xc1: {  	(tm) =	ssettm $0x7FFFFFFF  }
tec
execute0_lowered:
.L_overlay_start_1:
0x0: {  	(tag) =	ssettag $0x1  }
0x1: {  	s1 =	srdreg.scid  }
0x2: {  	s0 =	stileid.u32;
	s3 =	rddreg [dreg:$0x0];
	s8 =	simm.s32 $0x80  }
0x3: {  	s9 =	simm.s32 $0x400;
	s10 =	simm.s32 $0x2;
	s11 =	simm.s32 $0x0  }
0x4: {  	s4 =	sand.u32 $0x1, s1;
	s2 =	sshll.u32 s0, $0x1;
	s1 =	rddreg [dreg:$0x1]  }
0x5: {  	s6 =	sshrl.u32 s0, $0x2;
	s5 =	sor.u32 s4, s2;
	s2 =	simm.s32 $0x0  }
0x6: {  	s6 =	smul.u32 $0x14000, s6;
	s4 =	ssub.s32 $0x2, s4;
	s7 =	sshll.u32 s5, $0x7  }
0x7: {  	[smem:$0x7FF] =	sst s2;
	s5 =	smul.u32 $0x2800, s5;
	s7 =	sand.u32 $0x380, s7  }
0x8: {  	s31 =	sshrl.u32 s4, $0x1;
	_ =	strace $0x80000047;
	s6 =	sor.u32 s6, s7  }
0x9: {  	s5 =	sadd.s32 s5, s3;
	s7 =	ssub.s32 s4, s31;
	s6 =	sshrl.u32 s6, $0x3  }
0xa: {  	s6 =	sadd.s32 s6, s3;
	s3 =	sadd.s32 $0x1600, s5;
	s5 =	smax.u32 s7, $0x1  }
0xb: {  	v0 =	vimm.f32 $0.0e+00;
	v1 =	vimm.f32 $1.000000000e+00;
	s7 =	simm.s32 $0x14000;
	s4 =	sadd.s32 $0x51600, s6;
	s6 =	simm.s32 $0x1  }
.LBB2_1:
0xc: {  	[tilespmem:s2], [sflag:$0x1] =	stream.linear.gather [hbm4b:s3+s2], $0x14000, $0x38;
	[tilespmem:$0x16800] =	vst v63  }
0xd: {  	s12 =	simm.s32 $0x40;
	s13 =	simm.s32 $0x0  }
.LBB2_2:
0xe: {  	p0 =	sne.s32 s12, $0x9FC0;
	[tilespmem:s13+$0x14000] =	vst v0;
	s13 =	smov.u32 s12;
	s12 =	sadd.s32 $0x40, s12  }
.Ltmp0:
0xf: {  	(pc) =	sbr.rel @p0 .LBB2_2-.Ltmp0, $2  }
0x10: {  	_ =	sdelay $0x2  }
0x11: {  	s13 =	sshra.s32 s13, $0x2  }
0x12: {  	[tilespmem:s13+$0x14000] =	vst v0  }
0x13: {  	_ =	swait.ge [sflag:s6], $0x14000  }
0x14: {  	[sflag:s6] =	ssyncset.done $0x0  }
0x15: {  	s13 =	simm.s32 $0x0;
	s12 =	simm.s32 $0x200;
	[sflag:s6] =	ssyncadd.s32 $0xFFFEC000  }
.LBB2_4:
0x16: {  	p0 =	sne.s32 s12, $0x4FE00;
	v2 =	vld [tilespmem:s13+$0x0];
	_ =	sdelay $0x3  }
.Ltmp1:
0x17: {  	(pc) =	sbr.rel @p0 .LBB2_4-.Ltmp1, $2  }
0x18: {  	_ =	sdelay $0x2  }
0x19: {  	s13 =	sshra.s32 s12, $0x2;
	s12 =	sadd.s32 $0x200, s12;
	[tilespmem:v2+s7+$0x0] =	vst.idx.add.f32.msk $0xffff, v1  }
0x1a: {  	v2 =	vld [tilespmem:s13+$0x0];
	_ =	sdelay $0x5  }
0x1b: {  	s11 =	sadd.s32 $0x1, s11  }
0x1c: {  	p0 =	sne.s32 s11, s5  }
.Ltmp2:
0x1d: {  	[tilespmem:v2+s7+$0x0] =	vst.idx.add.f32.msk $0xffff, v1;
	(pc) =	sbr.rel @p0 .LBB2_1-.Ltmp2, $4  }
0x1e: {  	[hbm4b:s4+s8] =	stream.strided.scatter [tilespmem:s7], [sflag:$0x2], $0x2800, s9, s8, $0x38;
	[tilespmem:$0x16800] =	vst v63  }
0x1f: {  	_ =	swait.ge [sflag:s10], $0x2800  }
0x20: {  	[sflag:s10] =	ssyncset.done $0x0  }
0x21: {  	[sflag:s10] =	ssyncadd.s32 $0xFFFFD800  }
0x22: {  	_ =	sfence.sel $0x180000  }
0x23: {  	[bflag:$0x0] =	sbarrier.arrive $0xFFFF  }
0x24: {  	p0 =	sne.s32 s0, $0x0;
	_ =	strace $0x90000047  }
0x25: {  	s0 =	sadd.s32 @!p0 $0x100000, s1;
	[bflag:$0x2] =	sbarrier.arrive $0xFFFF  }
0x26: {  	[sflag:s0] =	ssyncadd.tile.s32 @!p0 $0x1;
	_ =	shalt  }
.Lfunc_end2:
_tile_overlayer_lowered:
.L_overlay_start_2:
0x27: {  	(tag) =	ssettag $0x2  }
0x28: {  	s0 =	rddreg [dreg:$0x0];
	s2 =	stileid.u32  }
0x29: {  	s1 =	rddreg [dreg:$0x1];
	p0 =	sne.s32 s2, $0x0  }
0x2a: {  	s3 =	rddreg [dreg:$0x2];
	[bflag:$0x3] =	sbarrier.arrive $0xFFFF;
	s2 =	simm.s32 @!p0 $0x1C02  }
0x2b: {  	[timem:s3], [sflag:s2] =	dma.local @!p0 [hbm:s0], s1  }
0x2c: {  	s0 =	simm.s32 @!p0 $0x2  }
0x2d: {  	_ =	swait.ge @!p0 [sflag:s0], s1  }
0x2e: {  	s1 =	ssub.s32 @!p0 $0x0, s1;
	[sflag:s0] =	ssyncset.done @!p0 $0x0  }
0x2f: {  	[sflag:s0] =	ssyncadd.s32 @!p0 s1  }
0x30: {  	[bflag:$0x3] =	sbarrier.arrive $0xFFFF  }
0x31: {  	_ =	shalt  }

</sc_bundles>
